<compile_context>
chip_gen: v7x
topology: tpu7x:2x2x1
jax: 0.10.2.dev20260603
libtpu: 0.0.44.dev20260713+nightly
codegen_flags: <defaults>
</compile_context>

<pallas_src>
import functools

import jax
import jax.numpy as jnp
from jax import lax
from jax.experimental import pallas as pl
from jax.experimental.pallas import tpu as pltpu
from jax.experimental.pallas import tpu_sc as plsc

B = 16384
E = 16
ROWS = 128
CHUNK = 128
RPT = 8
RPW = 4
NVEC = CHUNK // 16


def _body(uemb, ubias, memb, mbias, uidx, midx, out,
          uidx_v, midx_v, urows_v, mrows_v, accv, shared, sumv,
          ubv, mbv, outv, sem):
    c = lax.axis_index("c")
    s = lax.axis_index("s")

    pltpu.sync_copy(uidx.at[pl.ds(s * RPT, RPT)], uidx_v)
    pltpu.sync_copy(midx.at[pl.ds(s * RPT, RPT)], midx_v)

    cps = []
    for j in range(RPT):
        cps.append(pltpu.async_copy(uemb.at[uidx_v.at[j]], urows_v.at[j], sem))
        cps.append(pltpu.async_copy(memb.at[midx_v.at[j]], mrows_v.at[j], sem))
    for cp in cps:
        cp.wait()

    acc = jnp.zeros((16,), jnp.float32)
    for j in range(RPT):
        def dot_step(i, a, j=j):
            return a + urows_v[j, i, :] * mrows_v[j, i, :]
        acc = lax.fori_loop(0, CHUNK, dot_step, acc)
    accv[...] = acc

    pltpu.sync_copy(accv, shared.at[s])
    plsc.subcore_barrier()
    pltpu.sync_copy(shared, sumv)
    tot = jnp.zeros((16,), jnp.float32)
    for j in range(16):
        tot = tot + sumv[j, :]
    lanes = lax.iota(jnp.int32, 16)
    dot = tot
    for k in (8, 4, 2, 1):
        accv[...] = dot
        dot = dot + plsc.load_gather(accv, [lax.bitwise_and(lanes + k, 15)])

    cps = []
    for t in range(RPW):
        cps.append(pltpu.async_copy(ubias.at[uidx_v.at[c * RPW + t]], ubv.at[t], sem))
        cps.append(pltpu.async_copy(mbias.at[midx_v.at[c * RPW + t]], mbv.at[t], sem))
    for cp in cps:
        cp.wait()

    for t in range(RPW):
        for v in range(NVEC):
            sl = pl.ds(v * 16, 16)
            x = dot + ubv[t, sl] + mbv[t, sl]
            outv[t, sl] = 1.0 / (1.0 + jnp.exp(-x))
    pltpu.sync_copy(outv, out.at[pl.ds(s * RPT + c * RPW, RPW)])


_mesh = plsc.VectorSubcoreMesh(
    core_axis_name="c", subcore_axis_name="s", num_cores=2, num_subcores=16)

_sc_call = functools.partial(
    pl.kernel,
    out_type=jax.ShapeDtypeStruct((ROWS, CHUNK), jnp.float32),
    mesh=_mesh,
    compiler_params=pltpu.CompilerParams(
        needs_layout_passes=False, use_tc_tiling_on_sc=False),
    scratch_types=[
        pltpu.VMEM((RPT, CHUNK), jnp.int32),
        pltpu.VMEM((RPT, CHUNK), jnp.int32),
        pltpu.VMEM((RPT, CHUNK, E), jnp.float32),
        pltpu.VMEM((RPT, CHUNK, E), jnp.float32),
        pltpu.VMEM((16,), jnp.float32),
        pltpu.VMEM_SHARED((16, 16), jnp.float32),
        pltpu.VMEM((16, 16), jnp.float32),
        pltpu.VMEM((RPW, CHUNK), jnp.float32),
        pltpu.VMEM((RPW, CHUNK), jnp.float32),
        pltpu.VMEM((RPW, CHUNK), jnp.float32),
        pltpu.SemaphoreType.DMA,
    ],
)(_body)


def kernel(inputs, user_embedding, user_bias, movie_embedding, movie_bias):
    idx = inputs.astype(jnp.int32)
    uidx = idx[:, 0].reshape(ROWS, CHUNK)
    midx = idx[:, 1].reshape(ROWS, CHUNK)
    ub = user_bias.reshape(-1)
    mb = movie_bias.reshape(-1)
    out = _sc_call(user_embedding, ub, movie_embedding, mb, uidx, midx)
    return out.reshape(B, 1)

# --- scband reference (transcript-rebuilt; emitter-appended) ---
"""Pipeline reference for scband-recommender-net-66898410603154 (READ-ONLY COPY).

The authoritative reference and input builder live on the scoring server;
editing this copy changes nothing except your own understanding.
"""

import jax, jax.numpy as jnp
import numpy as np

NUM_USERS = 1000000
NUM_MOVIES = 1000000
EMBED = 16
BATCH = 16384

def setup_inputs(seed: int = 0) -> dict:
    key = jax.random.key(seed)
    k_idx, k_ue, k_ub, k_me, k_mb = jax.random.split(key, 5)
    inputs = jax.random.randint(k_idx, (BATCH, 2), 0, NUM_USERS, dtype=jnp.int64 if jax.config.jax_enable_x64 else jnp.int32)
    # he_normal init: stddev = sqrt(2 / fan_in), fan_in = embedding vocab row (keras uses fan_in of the weight)
    std_u = np.sqrt(2.0 / NUM_USERS)
    std_m = np.sqrt(2.0 / NUM_MOVIES)
    user_embedding = jax.random.normal(k_ue, (NUM_USERS, EMBED), dtype=jnp.float32) * std_u
    movie_embedding = jax.random.normal(k_me, (NUM_MOVIES, EMBED), dtype=jnp.float32) * std_m
    user_bias = jax.random.uniform(k_ub, (NUM_USERS, 1), dtype=jnp.float32, minval=-0.05, maxval=0.05)
    movie_bias = jax.random.uniform(k_mb, (NUM_MOVIES, 1), dtype=jnp.float32, minval=-0.05, maxval=0.05)
    return {
        "inputs": inputs,
        "user_embedding": user_embedding,
        "user_bias": user_bias,
        "movie_embedding": movie_embedding,
        "movie_bias": movie_bias,
    }


def reference(inputs, user_embedding, user_bias, movie_embedding, movie_bias):
    user_vector = jnp.take(user_embedding, inputs[:, 0], axis=0)      # [B, E]
    ub = jnp.take(user_bias, inputs[:, 0], axis=0)                    # [B, 1]
    movie_vector = jnp.take(movie_embedding, inputs[:, 1], axis=0)    # [B, E]
    mb = jnp.take(movie_bias, inputs[:, 1], axis=0)                   # [B, 1]
    # Faithful to tf.tensordot(user_vector, movie_vector, 2): full contraction -> scalar
    dot_user_movie = jnp.tensordot(user_vector, movie_vector, 2)      # scalar
    x = dot_user_movie + ub + mb                                      # broadcast -> [B, 1]
    return jax.nn.sigmoid(x)

if __name__ == "__main__":
    import jax
    _d = setup_inputs()
    print(jax.jit(kernel)(*tuple(_d.values())))

</pallas_src>

<mosaic_0001>
#map = affine_map<(d0, d1) -> (0, 0)>
#map1 = affine_map<(d0, d1) -> (0)>
module attributes {stable_mosaic.version = 14 : i64} {
  func.func @_body(%arg0: i32, %arg1: i32, %arg2: memref<1000000x16xf32, #tpu.memory_space<hbm>>, %arg3: memref<1000000xf32, #tpu.memory_space<hbm>>, %arg4: memref<1000000x16xf32, #tpu.memory_space<hbm>>, %arg5: memref<1000000xf32, #tpu.memory_space<hbm>>, %arg6: memref<128x128xi32, #tpu.memory_space<hbm>>, %arg7: memref<128x128xi32, #tpu.memory_space<hbm>>, %arg8: memref<128x128xf32, #tpu.memory_space<hbm>>, %arg9: memref<8x128xi32, #tpu.memory_space<vmem>>, %arg10: memref<8x128xi32, #tpu.memory_space<vmem>>, %arg11: memref<8x128x16xf32, #tpu.memory_space<vmem>>, %arg12: memref<8x128x16xf32, #tpu.memory_space<vmem>>, %arg13: memref<16xf32, #tpu.memory_space<vmem>>, %arg14: memref<16x16xf32, #tpu.memory_space<vmem_shared>>, %arg15: memref<16x16xf32, #tpu.memory_space<vmem>>, %arg16: memref<4x128xf32, #tpu.memory_space<vmem>>, %arg17: memref<4x128xf32, #tpu.memory_space<vmem>>, %arg18: memref<4x128xf32, #tpu.memory_space<vmem>>, %arg19: memref<!tpu.dma_semaphore, #tpu.memory_space<semaphore_mem>>) attributes {dimension_semantics = [#tpu.dimension_semantics<core_parallel>, #tpu.dimension_semantics<subcore_parallel>], iteration_bounds = array<i64: 2, 16>, scalar_prefetch = 0 : i64, scratch_operands = 11 : i64, tpu.core_type = #tpu.core_type<sc_vector_subcore>, window_params = [{transform_indices = #map}, {transform_indices = #map1}, {transform_indices = #map}, {transform_indices = #map1}, {transform_indices = #map}, {transform_indices = #map}, {transform_indices = #map}]} {
    %mul3A = arith.constant 8 : i32
    %mul3A_0 = arith.muli %arg1, %mul3A : i32
    "tpu.region"() ({
      %run_scoped3A = tpu.sem_alloc : memref<!tpu.dma_semaphore, #tpu.memory_space<semaphore_mem>>
      %dma_start3A_1498 = arith.constant 0 : i32
      %dma_start3A_1499 = tpu.memref_slice %arg6[%mul3A_0, %dma_start3A_1498] : memref<128x128xi32, #tpu.memory_space<hbm>> -> memref<8x128xi32, #tpu.memory_space<hbm>>
      %dma_start3A_1500 = arith.constant 0 : i32
      %dma_start3A_1501 = tpu.memref_slice %arg6[%mul3A_0, %dma_start3A_1500] : memref<128x128xi32, #tpu.memory_space<hbm>> -> memref<8x128xi32, #tpu.memory_space<hbm>>
      tpu.enqueue_dma source(%dma_start3A_1501 : memref<8x128xi32, #tpu.memory_space<hbm>>) target(%arg9 : memref<8x128xi32, #tpu.memory_space<vmem>>) target_semaphore(%run_scoped3A : memref<!tpu.dma_semaphore, #tpu.memory_space<semaphore_mem>>)
      %dma_wait3A_1502 = arith.constant 0 : i32
      %dma_wait3A_1503 = tpu.memref_slice %arg6[%mul3A_0, %dma_wait3A_1502] : memref<128x128xi32, #tpu.memory_space<hbm>> -> memref<8x128xi32, #tpu.memory_space<hbm>>
      %dma_wait3A_1504 = arith.constant 0 : i32
      %dma_wait3A_1505 = tpu.memref_slice %arg6[%mul3A_0, %dma_wait3A_1504] : memref<128x128xi32, #tpu.memory_space<hbm>> -> memref<8x128xi32, #tpu.memory_space<hbm>>
      tpu.wait_dma2 semaphore(%run_scoped3A : memref<!tpu.dma_semaphore, #tpu.memory_space<semaphore_mem>>) src(%dma_wait3A_1505 : memref<8x128xi32, #tpu.memory_space<hbm>>) dst(%arg9 : memref<8x128xi32, #tpu.memory_space<vmem>>)
      tpu.yield
    }) : () -> ()
    %mul3A_1 = arith.constant 8 : i32
    %mul3A_2 = arith.muli %arg1, %mul3A_1 : i32
    "tpu.region"() ({
      %run_scoped3A = tpu.sem_alloc : memref<!tpu.dma_semaphore, #tpu.memory_space<semaphore_mem>>
      %dma_start3A_1498 = arith.constant 0 : i32
      %dma_start3A_1499 = tpu.memref_slice %arg7[%mul3A_2, %dma_start3A_1498] : memref<128x128xi32, #tpu.memory_space<hbm>> -> memref<8x128xi32, #tpu.memory_space<hbm>>
      %dma_start3A_1500 = arith.constant 0 : i32
      %dma_start3A_1501 = tpu.memref_slice %arg7[%mul3A_2, %dma_start3A_1500] : memref<128x128xi32, #tpu.memory_space<hbm>> -> memref<8x128xi32, #tpu.memory_space<hbm>>
      tpu.enqueue_dma source(%dma_start3A_1501 : memref<8x128xi32, #tpu.memory_space<hbm>>) target(%arg10 : memref<8x128xi32, #tpu.memory_space<vmem>>) target_semaphore(%run_scoped3A : memref<!tpu.dma_semaphore, #tpu.memory_space<semaphore_mem>>)
      %dma_wait3A_1502 = arith.constant 0 : i32
      %dma_wait3A_1503 = tpu.memref_slice %arg7[%mul3A_2, %dma_wait3A_1502] : memref<128x128xi32, #tpu.memory_space<hbm>> -> memref<8x128xi32, #tpu.memory_space<hbm>>
      %dma_wait3A_1504 = arith.constant 0 : i32
      %dma_wait3A_1505 = tpu.memref_slice %arg7[%mul3A_2, %dma_wait3A_1504] : memref<128x128xi32, #tpu.memory_space<hbm>> -> memref<8x128xi32, #tpu.memory_space<hbm>>
      tpu.wait_dma2 semaphore(%run_scoped3A : memref<!tpu.dma_semaphore, #tpu.memory_space<semaphore_mem>>) src(%dma_wait3A_1505 : memref<8x128xi32, #tpu.memory_space<hbm>>) dst(%arg10 : memref<8x128xi32, #tpu.memory_space<vmem>>)
      tpu.yield
    }) : () -> ()
    %dma_start3A = arith.constant 0 : i32
    %dma_start3A_3 = arith.constant 0 : i32
    %dma_start3A_4 = arith.constant 0 : i32
    %dma_start3A_5 = arith.constant 0 : i32
    %dma_start3A_6 = tpu.memref_slice %arg11[%dma_start3A_3, %dma_start3A_4, %dma_start3A_5] : memref<8x128x16xf32, #tpu.memory_space<vmem>> -> memref<1x128x16xf32, #tpu.memory_space<vmem>>
    %dma_start3A_7 = tpu.memref_squeeze %dma_start3A_6 : memref<1x128x16xf32, #tpu.memory_space<vmem>> -> memref<128x16xf32, #tpu.memory_space<vmem>>
    %dma_start3A_8 = arith.constant 0 : i32
    %dma_start3A_9 = tpu.memref_slice %arg9[%dma_start3A, %dma_start3A_8] : memref<8x128xi32, #tpu.memory_space<vmem>> -> memref<1x128xi32, #tpu.memory_space<vmem>>
    %dma_start3A_10 = tpu.memref_squeeze %dma_start3A_9 : memref<1x128xi32, #tpu.memory_space<vmem>> -> memref<128xi32, #tpu.memory_space<vmem>>
    %dma_start3A_11 = arith.constant 0 : i32
    %dma_start3A_12 = arith.constant 0 : i32
    %dma_start3A_13 = tpu.memref_slice %arg2[%dma_start3A_11, %dma_start3A_12] : memref<1000000x16xf32, #tpu.memory_space<hbm>> -> memref<1000000x16xf32, #tpu.memory_space<hbm>>
    tpu.enqueue_indirect_dma source(%dma_start3A_13 : memref<1000000x16xf32, #tpu.memory_space<hbm>>) target(%dma_start3A_7 : memref<128x16xf32, #tpu.memory_space<vmem>>) offsets(%dma_start3A_10 : memref<128xi32, #tpu.memory_space<vmem>>) semaphore(%arg19 : memref<!tpu.dma_semaphore, #tpu.memory_space<semaphore_mem>>)
    %dma_start3A_14 = arith.constant 0 : i32
    %dma_start3A_15 = arith.constant 0 : i32
    %dma_start3A_16 = arith.constant 0 : i32
    %dma_start3A_17 = arith.constant 0 : i32
    %dma_start3A_18 = tpu.memref_slice %arg12[%dma_start3A_15, %dma_start3A_16, %dma_start3A_17] : memref<8x128x16xf32, #tpu.memory_space<vmem>> -> memref<1x128x16xf32, #tpu.memory_space<vmem>>
    %dma_start3A_19 = tpu.memref_squeeze %dma_start3A_18 : memref<1x128x16xf32, #tpu.memory_space<vmem>> -> memref<128x16xf32, #tpu.memory_space<vmem>>
    %dma_start3A_20 = arith.constant 0 : i32
    %dma_start3A_21 = tpu.memref_slice %arg10[%dma_start3A_14, %dma_start3A_20] : memref<8x128xi32, #tpu.memory_space<vmem>> -> memref<1x128xi32, #tpu.memory_space<vmem>>
    %dma_start3A_22 = tpu.memref_squeeze %dma_start3A_21 : memref<1x128xi32, #tpu.memory_space<vmem>> -> memref<128xi32, #tpu.memory_space<vmem>>
    %dma_start3A_23 = arith.constant 0 : i32
    %dma_start3A_24 = arith.constant 0 : i32
    %dma_start3A_25 = tpu.memref_slice %arg4[%dma_start3A_23, %dma_start3A_24] : memref<1000000x16xf32, #tpu.memory_space<hbm>> -> memref<1000000x16xf32, #tpu.memory_space<hbm>>
    tpu.enqueue_indirect_dma source(%dma_start3A_25 : memref<1000000x16xf32, #tpu.memory_space<hbm>>) target(%dma_start3A_19 : memref<128x16xf32, #tpu.memory_space<vmem>>) offsets(%dma_start3A_22 : memref<128xi32, #tpu.memory_space<vmem>>) semaphore(%arg19 : memref<!tpu.dma_semaphore, #tpu.memory_space<semaphore_mem>>)
    %dma_start3A_26 = arith.constant 1 : i32
    %dma_start3A_27 = arith.constant 1 : i32
    %dma_start3A_28 = arith.constant 0 : i32
    %dma_start3A_29 = arith.constant 0 : i32
    %dma_start3A_30 = tpu.memref_slice %arg11[%dma_start3A_27, %dma_start3A_28, %dma_start3A_29] : memref<8x128x16xf32, #tpu.memory_space<vmem>> -> memref<1x128x16xf32, #tpu.memory_space<vmem>>
    %dma_start3A_31 = tpu.memref_squeeze %dma_start3A_30 : memref<1x128x16xf32, #tpu.memory_space<vmem>> -> memref<128x16xf32, #tpu.memory_space<vmem>>
    %dma_start3A_32 = arith.constant 0 : i32
    %dma_start3A_33 = tpu.memref_slice %arg9[%dma_start3A_26, %dma_start3A_32] : memref<8x128xi32, #tpu.memory_space<vmem>> -> memref<1x128xi32, #tpu.memory_space<vmem>>
    %dma_start3A_34 = tpu.memref_squeeze %dma_start3A_33 : memref<1x128xi32, #tpu.memory_space<vmem>> -> memref<128xi32, #tpu.memory_space<vmem>>
    %dma_start3A_35 = arith.constant 0 : i32
    %dma_start3A_36 = arith.constant 0 : i32
    %dma_start3A_37 = tpu.memref_slice %arg2[%dma_start3A_35, %dma_start3A_36] : memref<1000000x16xf32, #tpu.memory_space<hbm>> -> memref<1000000x16xf32, #tpu.memory_space<hbm>>
    tpu.enqueue_indirect_dma source(%dma_start3A_37 : memref<1000000x16xf32, #tpu.memory_space<hbm>>) target(%dma_start3A_31 : memref<128x16xf32, #tpu.memory_space<vmem>>) offsets(%dma_start3A_34 : memref<128xi32, #tpu.memory_space<vmem>>) semaphore(%arg19 : memref<!tpu.dma_semaphore, #tpu.memory_space<semaphore_mem>>)
    %dma_start3A_38 = arith.constant 1 : i32
    %dma_start3A_39 = arith.constant 1 : i32
    %dma_start3A_40 = arith.constant 0 : i32
    %dma_start3A_41 = arith.constant 0 : i32
    %dma_start3A_42 = tpu.memref_slice %arg12[%dma_start3A_39, %dma_start3A_40, %dma_start3A_41] : memref<8x128x16xf32, #tpu.memory_space<vmem>> -> memref<1x128x16xf32, #tpu.memory_space<vmem>>
    %dma_start3A_43 = tpu.memref_squeeze %dma_start3A_42 : memref<1x128x16xf32, #tpu.memory_space<vmem>> -> memref<128x16xf32, #tpu.memory_space<vmem>>
    %dma_start3A_44 = arith.constant 0 : i32
    %dma_start3A_45 = tpu.memref_slice %arg10[%dma_start3A_38, %dma_start3A_44] : memref<8x128xi32, #tpu.memory_space<vmem>> -> memref<1x128xi32, #tpu.memory_space<vmem>>
    %dma_start3A_46 = tpu.memref_squeeze %dma_start3A_45 : memref<1x128xi32, #tpu.memory_space<vmem>> -> memref<128xi32, #tpu.memory_space<vmem>>
    %dma_start3A_47 = arith.constant 0 : i32
    %dma_start3A_48 = arith.constant 0 : i32
    %dma_start3A_49 = tpu.memref_slice %arg4[%dma_start3A_47, %dma_start3A_48] : memref<1000000x16xf32, #tpu.memory_space<hbm>> -> memref<1000000x16xf32, #tpu.memory_space<hbm>>
    tpu.enqueue_indirect_dma source(%dma_start3A_49 : memref<1000000x16xf32, #tpu.memory_space<hbm>>) target(%dma_start3A_43 : memref<128x16xf32, #tpu.memory_space<vmem>>) offsets(%dma_start3A_46 : memref<128xi32, #tpu.memory_space<vmem>>) semaphore(%arg19 : memref<!tpu.dma_semaphore, #tpu.memory_space<semaphore_mem>>)
    %dma_start3A_50 = arith.constant 2 : i32
    %dma_start3A_51 = arith.constant 2 : i32
    %dma_start3A_52 = arith.constant 0 : i32
    %dma_start3A_53 = arith.constant 0 : i32
    %dma_start3A_54 = tpu.memref_slice %arg11[%dma_start3A_51, %dma_start3A_52, %dma_start3A_53] : memref<8x128x16xf32, #tpu.memory_space<vmem>> -> memref<1x128x16xf32, #tpu.memory_space<vmem>>
    %dma_start3A_55 = tpu.memref_squeeze %dma_start3A_54 : memref<1x128x16xf32, #tpu.memory_space<vmem>> -> memref<128x16xf32, #tpu.memory_space<vmem>>
    %dma_start3A_56 = arith.constant 0 : i32
    %dma_start3A_57 = tpu.memref_slice %arg9[%dma_start3A_50, %dma_start3A_56] : memref<8x128xi32, #tpu.memory_space<vmem>> -> memref<1x128xi32, #tpu.memory_space<vmem>>
    %dma_start3A_58 = tpu.memref_squeeze %dma_start3A_57 : memref<1x128xi32, #tpu.memory_space<vmem>> -> memref<128xi32, #tpu.memory_space<vmem>>
    %dma_start3A_59 = arith.constant 0 : i32
    %dma_start3A_60 = arith.constant 0 : i32
    %dma_start3A_61 = tpu.memref_slice %arg2[%dma_start3A_59, %dma_start3A_60] : memref<1000000x16xf32, #tpu.memory_space<hbm>> -> memref<1000000x16xf32, #tpu.memory_space<hbm>>
    tpu.enqueue_indirect_dma source(%dma_start3A_61 : memref<1000000x16xf32, #tpu.memory_space<hbm>>) target(%dma_start3A_55 : memref<128x16xf32, #tpu.memory_space<vmem>>) offsets(%dma_start3A_58 : memref<128xi32, #tpu.memory_space<vmem>>) semaphore(%arg19 : memref<!tpu.dma_semaphore, #tpu.memory_space<semaphore_mem>>)
    %dma_start3A_62 = arith.constant 2 : i32
    %dma_start3A_63 = arith.constant 2 : i32
    %dma_start3A_64 = arith.constant 0 : i32
    %dma_start3A_65 = arith.constant 0 : i32
    %dma_start3A_66 = tpu.memref_slice %arg12[%dma_start3A_63, %dma_start3A_64, %dma_start3A_65] : memref<8x128x16xf32, #tpu.memory_space<vmem>> -> memref<1x128x16xf32, #tpu.memory_space<vmem>>
    %dma_start3A_67 = tpu.memref_squeeze %dma_start3A_66 : memref<1x128x16xf32, #tpu.memory_space<vmem>> -> memref<128x16xf32, #tpu.memory_space<vmem>>
    %dma_start3A_68 = arith.constant 0 : i32
    %dma_start3A_69 = tpu.memref_slice %arg10[%dma_start3A_62, %dma_start3A_68] : memref<8x128xi32, #tpu.memory_space<vmem>> -> memref<1x128xi32, #tpu.memory_space<vmem>>
    %dma_start3A_70 = tpu.memref_squeeze %dma_start3A_69 : memref<1x128xi32, #tpu.memory_space<vmem>> -> memref<128xi32, #tpu.memory_space<vmem>>
    %dma_start3A_71 = arith.constant 0 : i32
    %dma_start3A_72 = arith.constant 0 : i32
    %dma_start3A_73 = tpu.memref_slice %arg4[%dma_start3A_71, %dma_start3A_72] : memref<1000000x16xf32, #tpu.memory_space<hbm>> -> memref<1000000x16xf32, #tpu.memory_space<hbm>>
    tpu.enqueue_indirect_dma source(%dma_start3A_73 : memref<1000000x16xf32, #tpu.memory_space<hbm>>) target(%dma_start3A_67 : memref<128x16xf32, #tpu.memory_space<vmem>>) offsets(%dma_start3A_70 : memref<128xi32, #tpu.memory_space<vmem>>) semaphore(%arg19 : memref<!tpu.dma_semaphore, #tpu.memory_space<semaphore_mem>>)
    %dma_start3A_74 = arith.constant 3 : i32
    %dma_start3A_75 = arith.constant 3 : i32
    %dma_start3A_76 = arith.constant 0 : i32
    %dma_start3A_77 = arith.constant 0 : i32
    %dma_start3A_78 = tpu.memref_slice %arg11[%dma_start3A_75, %dma_start3A_76, %dma_start3A_77] : memref<8x128x16xf32, #tpu.memory_space<vmem>> -> memref<1x128x16xf32, #tpu.memory_space<vmem>>
    %dma_start3A_79 = tpu.memref_squeeze %dma_start3A_78 : memref<1x128x16xf32, #tpu.memory_space<vmem>> -> memref<128x16xf32, #tpu.memory_space<vmem>>
    %dma_start3A_80 = arith.constant 0 : i32
    %dma_start3A_81 = tpu.memref_slice %arg9[%dma_start3A_74, %dma_start3A_80] : memref<8x128xi32, #tpu.memory_space<vmem>> -> memref<1x128xi32, #tpu.memory_space<vmem>>
    %dma_start3A_82 = tpu.memref_squeeze %dma_start3A_81 : memref<1x128xi32, #tpu.memory_space<vmem>> -> memref<128xi32, #tpu.memory_space<vmem>>
    %dma_start3A_83 = arith.constant 0 : i32
    %dma_start3A_84 = arith.constant 0 : i32
    %dma_start3A_85 = tpu.memref_slice %arg2[%dma_start3A_83, %dma_start3A_84] : memref<1000000x16xf32, #tpu.memory_space<hbm>> -> memref<1000000x16xf32, #tpu.memory_space<hbm>>
    tpu.enqueue_indirect_dma source(%dma_start3A_85 : memref<1000000x16xf32, #tpu.memory_space<hbm>>) target(%dma_start3A_79 : memref<128x16xf32, #tpu.memory_space<vmem>>) offsets(%dma_start3A_82 : memref<128xi32, #tpu.memory_space<vmem>>) semaphore(%arg19 : memref<!tpu.dma_semaphore, #tpu.memory_space<semaphore_mem>>)
    %dma_start3A_86 = arith.constant 3 : i32
    %dma_start3A_87 = arith.constant 3 : i32
    %dma_start3A_88 = arith.constant 0 : i32
    %dma_start3A_89 = arith.constant 0 : i32
    %dma_start3A_90 = tpu.memref_slice %arg12[%dma_start3A_87, %dma_start3A_88, %dma_start3A_89] : memref<8x128x16xf32, #tpu.memory_space<vmem>> -> memref<1x128x16xf32, #tpu.memory_space<vmem>>
    %dma_start3A_91 = tpu.memref_squeeze %dma_start3A_90 : memref<1x128x16xf32, #tpu.memory_space<vmem>> -> memref<128x16xf32, #tpu.memory_space<vmem>>
    %dma_start3A_92 = arith.constant 0 : i32
    %dma_start3A_93 = tpu.memref_slice %arg10[%dma_start3A_86, %dma_start3A_92] : memref<8x128xi32, #tpu.memory_space<vmem>> -> memref<1x128xi32, #tpu.memory_space<vmem>>
    %dma_start3A_94 = tpu.memref_squeeze %dma_start3A_93 : memref<1x128xi32, #tpu.memory_space<vmem>> -> memref<128xi32, #tpu.memory_space<vmem>>
    %dma_start3A_95 = arith.constant 0 : i32
    %dma_start3A_96 = arith.constant 0 : i32
    %dma_start3A_97 = tpu.memref_slice %arg4[%dma_start3A_95, %dma_start3A_96] : memref<1000000x16xf32, #tpu.memory_space<hbm>> -> memref<1000000x16xf32, #tpu.memory_space<hbm>>
    tpu.enqueue_indirect_dma source(%dma_start3A_97 : memref<1000000x16xf32, #tpu.memory_space<hbm>>) target(%dma_start3A_91 : memref<128x16xf32, #tpu.memory_space<vmem>>) offsets(%dma_start3A_94 : memref<128xi32, #tpu.memory_space<vmem>>) semaphore(%arg19 : memref<!tpu.dma_semaphore, #tpu.memory_space<semaphore_mem>>)
    %dma_start3A_98 = arith.constant 4 : i32
    %dma_start3A_99 = arith.constant 4 : i32
    %dma_start3A_100 = arith.constant 0 : i32
    %dma_start3A_101 = arith.constant 0 : i32
    %dma_start3A_102 = tpu.memref_slice %arg11[%dma_start3A_99, %dma_start3A_100, %dma_start3A_101] : memref<8x128x16xf32, #tpu.memory_space<vmem>> -> memref<1x128x16xf32, #tpu.memory_space<vmem>>
    %dma_start3A_103 = tpu.memref_squeeze %dma_start3A_102 : memref<1x128x16xf32, #tpu.memory_space<vmem>> -> memref<128x16xf32, #tpu.memory_space<vmem>>
    %dma_start3A_104 = arith.constant 0 : i32
    %dma_start3A_105 = tpu.memref_slice %arg9[%dma_start3A_98, %dma_start3A_104] : memref<8x128xi32, #tpu.memory_space<vmem>> -> memref<1x128xi32, #tpu.memory_space<vmem>>
    %dma_start3A_106 = tpu.memref_squeeze %dma_start3A_105 : memref<1x128xi32, #tpu.memory_space<vmem>> -> memref<128xi32, #tpu.memory_space<vmem>>
    %dma_start3A_107 = arith.constant 0 : i32
    %dma_start3A_108 = arith.constant 0 : i32
    %dma_start3A_109 = tpu.memref_slice %arg2[%dma_start3A_107, %dma_start3A_108] : memref<1000000x16xf32, #tpu.memory_space<hbm>> -> memref<1000000x16xf32, #tpu.memory_space<hbm>>
    tpu.enqueue_indirect_dma source(%dma_start3A_109 : memref<1000000x16xf32, #tpu.memory_space<hbm>>) target(%dma_start3A_103 : memref<128x16xf32, #tpu.memory_space<vmem>>) offsets(%dma_start3A_106 : memref<128xi32, #tpu.memory_space<vmem>>) semaphore(%arg19 : memref<!tpu.dma_semaphore, #tpu.memory_space<semaphore_mem>>)
    %dma_start3A_110 = arith.constant 4 : i32
    %dma_start3A_111 = arith.constant 4 : i32
    %dma_start3A_112 = arith.constant 0 : i32
    %dma_start3A_113 = arith.constant 0 : i32
    %dma_start3A_114 = tpu.memref_slice %arg12[%dma_start3A_111, %dma_start3A_112, %dma_start3A_113] : memref<8x128x16xf32, #tpu.memory_space<vmem>> -> memref<1x128x16xf32, #tpu.memory_space<vmem>>
    %dma_start3A_115 = tpu.memref_squeeze %dma_start3A_114 : memref<1x128x16xf32, #tpu.memory_space<vmem>> -> memref<128x16xf32, #tpu.memory_space<vmem>>
    %dma_start3A_116 = arith.constant 0 : i32
    %dma_start3A_117 = tpu.memref_slice %arg10[%dma_start3A_110, %dma_start3A_116] : memref<8x128xi32, #tpu.memory_space<vmem>> -> memref<1x128xi32, #tpu.memory_space<vmem>>
    %dma_start3A_118 = tpu.memref_squeeze %dma_start3A_117 : memref<1x128xi32, #tpu.memory_space<vmem>> -> memref<128xi32, #tpu.memory_space<vmem>>
    %dma_start3A_119 = arith.constant 0 : i32
    %dma_start3A_120 = arith.constant 0 : i32
    %dma_start3A_121 = tpu.memref_slice %arg4[%dma_start3A_119, %dma_start3A_120] : memref<1000000x16xf32, #tpu.memory_space<hbm>> -> memref<1000000x16xf32, #tpu.memory_space<hbm>>
    tpu.enqueue_indirect_dma source(%dma_start3A_121 : memref<1000000x16xf32, #tpu.memory_space<hbm>>) target(%dma_start3A_115 : memref<128x16xf32, #tpu.memory_space<vmem>>) offsets(%dma_start3A_118 : memref<128xi32, #tpu.memory_space<vmem>>) semaphore(%arg19 : memref<!tpu.dma_semaphore, #tpu.memory_space<semaphore_mem>>)
    %dma_start3A_122 = arith.constant 5 : i32
    %dma_start3A_123 = arith.constant 5 : i32
    %dma_start3A_124 = arith.constant 0 : i32
    %dma_start3A_125 = arith.constant 0 : i32
    %dma_start3A_126 = tpu.memref_slice %arg11[%dma_start3A_123, %dma_start3A_124, %dma_start3A_125] : memref<8x128x16xf32, #tpu.memory_space<vmem>> -> memref<1x128x16xf32, #tpu.memory_space<vmem>>
    %dma_start3A_127 = tpu.memref_squeeze %dma_start3A_126 : memref<1x128x16xf32, #tpu.memory_space<vmem>> -> memref<128x16xf32, #tpu.memory_space<vmem>>
    %dma_start3A_128 = arith.constant 0 : i32
    %dma_start3A_129 = tpu.memref_slice %arg9[%dma_start3A_122, %dma_start3A_128] : memref<8x128xi32, #tpu.memory_space<vmem>> -> memref<1x128xi32, #tpu.memory_space<vmem>>
    %dma_start3A_130 = tpu.memref_squeeze %dma_start3A_129 : memref<1x128xi32, #tpu.memory_space<vmem>> -> memref<128xi32, #tpu.memory_space<vmem>>
    %dma_start3A_131 = arith.constant 0 : i32
    %dma_start3A_132 = arith.constant 0 : i32
    %dma_start3A_133 = tpu.memref_slice %arg2[%dma_start3A_131, %dma_start3A_132] : memref<1000000x16xf32, #tpu.memory_space<hbm>> -> memref<1000000x16xf32, #tpu.memory_space<hbm>>
    tpu.enqueue_indirect_dma source(%dma_start3A_133 : memref<1000000x16xf32, #tpu.memory_space<hbm>>) target(%dma_start3A_127 : memref<128x16xf32, #tpu.memory_space<vmem>>) offsets(%dma_start3A_130 : memref<128xi32, #tpu.memory_space<vmem>>) semaphore(%arg19 : memref<!tpu.dma_semaphore, #tpu.memory_space<semaphore_mem>>)
    %dma_start3A_134 = arith.constant 5 : i32
    %dma_start3A_135 = arith.constant 5 : i32
    %dma_start3A_136 = arith.constant 0 : i32
    %dma_start3A_137 = arith.constant 0 : i32
    %dma_start3A_138 = tpu.memref_slice %arg12[%dma_start3A_135, %dma_start3A_136, %dma_start3A_137] : memref<8x128x16xf32, #tpu.memory_space<vmem>> -> memref<1x128x16xf32, #tpu.memory_space<vmem>>
    %dma_start3A_139 = tpu.memref_squeeze %dma_start3A_138 : memref<1x128x16xf32, #tpu.memory_space<vmem>> -> memref<128x16xf32, #tpu.memory_space<vmem>>
    %dma_start3A_140 = arith.constant 0 : i32
    %dma_start3A_141 = tpu.memref_slice %arg10[%dma_start3A_134, %dma_start3A_140] : memref<8x128xi32, #tpu.memory_space<vmem>> -> memref<1x128xi32, #tpu.memory_space<vmem>>
    %dma_start3A_142 = tpu.memref_squeeze %dma_start3A_141 : memref<1x128xi32, #tpu.memory_space<vmem>> -> memref<128xi32, #tpu.memory_space<vmem>>
    %dma_start3A_143 = arith.constant 0 : i32
    %dma_start3A_144 = arith.constant 0 : i32
    %dma_start3A_145 = tpu.memref_slice %arg4[%dma_start3A_143, %dma_start3A_144] : memref<1000000x16xf32, #tpu.memory_space<hbm>> -> memref<1000000x16xf32, #tpu.memory_space<hbm>>
    tpu.enqueue_indirect_dma source(%dma_start3A_145 : memref<1000000x16xf32, #tpu.memory_space<hbm>>) target(%dma_start3A_139 : memref<128x16xf32, #tpu.memory_space<vmem>>) offsets(%dma_start3A_142 : memref<128xi32, #tpu.memory_space<vmem>>) semaphore(%arg19 : memref<!tpu.dma_semaphore, #tpu.memory_space<semaphore_mem>>)
    %dma_start3A_146 = arith.constant 6 : i32
    %dma_start3A_147 = arith.constant 6 : i32
    %dma_start3A_148 = arith.constant 0 : i32
    %dma_start3A_149 = arith.constant 0 : i32
    %dma_start3A_150 = tpu.memref_slice %arg11[%dma_start3A_147, %dma_start3A_148, %dma_start3A_149] : memref<8x128x16xf32, #tpu.memory_space<vmem>> -> memref<1x128x16xf32, #tpu.memory_space<vmem>>
    %dma_start3A_151 = tpu.memref_squeeze %dma_start3A_150 : memref<1x128x16xf32, #tpu.memory_space<vmem>> -> memref<128x16xf32, #tpu.memory_space<vmem>>
    %dma_start3A_152 = arith.constant 0 : i32
    %dma_start3A_153 = tpu.memref_slice %arg9[%dma_start3A_146, %dma_start3A_152] : memref<8x128xi32, #tpu.memory_space<vmem>> -> memref<1x128xi32, #tpu.memory_space<vmem>>
    %dma_start3A_154 = tpu.memref_squeeze %dma_start3A_153 : memref<1x128xi32, #tpu.memory_space<vmem>> -> memref<128xi32, #tpu.memory_space<vmem>>
    %dma_start3A_155 = arith.constant 0 : i32
    %dma_start3A_156 = arith.constant 0 : i32
    %dma_start3A_157 = tpu.memref_slice %arg2[%dma_start3A_155, %dma_start3A_156] : memref<1000000x16xf32, #tpu.memory_space<hbm>> -> memref<1000000x16xf32, #tpu.memory_space<hbm>>
    tpu.enqueue_indirect_dma source(%dma_start3A_157 : memref<1000000x16xf32, #tpu.memory_space<hbm>>) target(%dma_start3A_151 : memref<128x16xf32, #tpu.memory_space<vmem>>) offsets(%dma_start3A_154 : memref<128xi32, #tpu.memory_space<vmem>>) semaphore(%arg19 : memref<!tpu.dma_semaphore, #tpu.memory_space<semaphore_mem>>)
    %dma_start3A_158 = arith.constant 6 : i32
    %dma_start3A_159 = arith.constant 6 : i32
    %dma_start3A_160 = arith.constant 0 : i32
    %dma_start3A_161 = arith.constant 0 : i32
    %dma_start3A_162 = tpu.memref_slice %arg12[%dma_start3A_159, %dma_start3A_160, %dma_start3A_161] : memref<8x128x16xf32, #tpu.memory_space<vmem>> -> memref<1x128x16xf32, #tpu.memory_space<vmem>>
    %dma_start3A_163 = tpu.memref_squeeze %dma_start3A_162 : memref<1x128x16xf32, #tpu.memory_space<vmem>> -> memref<128x16xf32, #tpu.memory_space<vmem>>
    %dma_start3A_164 = arith.constant 0 : i32
    %dma_start3A_165 = tpu.memref_slice %arg10[%dma_start3A_158, %dma_start3A_164] : memref<8x128xi32, #tpu.memory_space<vmem>> -> memref<1x128xi32, #tpu.memory_space<vmem>>
    %dma_start3A_166 = tpu.memref_squeeze %dma_start3A_165 : memref<1x128xi32, #tpu.memory_space<vmem>> -> memref<128xi32, #tpu.memory_space<vmem>>
    %dma_start3A_167 = arith.constant 0 : i32
    %dma_start3A_168 = arith.constant 0 : i32
    %dma_start3A_169 = tpu.memref_slice %arg4[%dma_start3A_167, %dma_start3A_168] : memref<1000000x16xf32, #tpu.memory_space<hbm>> -> memref<1000000x16xf32, #tpu.memory_space<hbm>>
    tpu.enqueue_indirect_dma source(%dma_start3A_169 : memref<1000000x16xf32, #tpu.memory_space<hbm>>) target(%dma_start3A_163 : memref<128x16xf32, #tpu.memory_space<vmem>>) offsets(%dma_start3A_166 : memref<128xi32, #tpu.memory_space<vmem>>) semaphore(%arg19 : memref<!tpu.dma_semaphore, #tpu.memory_space<semaphore_mem>>)
    %dma_start3A_170 = arith.constant 7 : i32
    %dma_start3A_171 = arith.constant 7 : i32
    %dma_start3A_172 = arith.constant 0 : i32
    %dma_start3A_173 = arith.constant 0 : i32
    %dma_start3A_174 = tpu.memref_slice %arg11[%dma_start3A_171, %dma_start3A_172, %dma_start3A_173] : memref<8x128x16xf32, #tpu.memory_space<vmem>> -> memref<1x128x16xf32, #tpu.memory_space<vmem>>
    %dma_start3A_175 = tpu.memref_squeeze %dma_start3A_174 : memref<1x128x16xf32, #tpu.memory_space<vmem>> -> memref<128x16xf32, #tpu.memory_space<vmem>>
    %dma_start3A_176 = arith.constant 0 : i32
    %dma_start3A_177 = tpu.memref_slice %arg9[%dma_start3A_170, %dma_start3A_176] : memref<8x128xi32, #tpu.memory_space<vmem>> -> memref<1x128xi32, #tpu.memory_space<vmem>>
    %dma_start3A_178 = tpu.memref_squeeze %dma_start3A_177 : memref<1x128xi32, #tpu.memory_space<vmem>> -> memref<128xi32, #tpu.memory_space<vmem>>
    %dma_start3A_179 = arith.constant 0 : i32
    %dma_start3A_180 = arith.constant 0 : i32
    %dma_start3A_181 = tpu.memref_slice %arg2[%dma_start3A_179, %dma_start3A_180] : memref<1000000x16xf32, #tpu.memory_space<hbm>> -> memref<1000000x16xf32, #tpu.memory_space<hbm>>
    tpu.enqueue_indirect_dma source(%dma_start3A_181 : memref<1000000x16xf32, #tpu.memory_space<hbm>>) target(%dma_start3A_175 : memref<128x16xf32, #tpu.memory_space<vmem>>) offsets(%dma_start3A_178 : memref<128xi32, #tpu.memory_space<vmem>>) semaphore(%arg19 : memref<!tpu.dma_semaphore, #tpu.memory_space<semaphore_mem>>)
    %dma_start3A_182 = arith.constant 7 : i32
    %dma_start3A_183 = arith.constant 7 : i32
    %dma_start3A_184 = arith.constant 0 : i32
    %dma_start3A_185 = arith.constant 0 : i32
    %dma_start3A_186 = tpu.memref_slice %arg12[%dma_start3A_183, %dma_start3A_184, %dma_start3A_185] : memref<8x128x16xf32, #tpu.memory_space<vmem>> -> memref<1x128x16xf32, #tpu.memory_space<vmem>>
    %dma_start3A_187 = tpu.memref_squeeze %dma_start3A_186 : memref<1x128x16xf32, #tpu.memory_space<vmem>> -> memref<128x16xf32, #tpu.memory_space<vmem>>
    %dma_start3A_188 = arith.constant 0 : i32
    %dma_start3A_189 = tpu.memref_slice %arg10[%dma_start3A_182, %dma_start3A_188] : memref<8x128xi32, #tpu.memory_space<vmem>> -> memref<1x128xi32, #tpu.memory_space<vmem>>
    %dma_start3A_190 = tpu.memref_squeeze %dma_start3A_189 : memref<1x128xi32, #tpu.memory_space<vmem>> -> memref<128xi32, #tpu.memory_space<vmem>>
    %dma_start3A_191 = arith.constant 0 : i32
    %dma_start3A_192 = arith.constant 0 : i32
    %dma_start3A_193 = tpu.memref_slice %arg4[%dma_start3A_191, %dma_start3A_192] : memref<1000000x16xf32, #tpu.memory_space<hbm>> -> memref<1000000x16xf32, #tpu.memory_space<hbm>>
    tpu.enqueue_indirect_dma source(%dma_start3A_193 : memref<1000000x16xf32, #tpu.memory_space<hbm>>) target(%dma_start3A_187 : memref<128x16xf32, #tpu.memory_space<vmem>>) offsets(%dma_start3A_190 : memref<128xi32, #tpu.memory_space<vmem>>) semaphore(%arg19 : memref<!tpu.dma_semaphore, #tpu.memory_space<semaphore_mem>>)
    %dma_wait3A = arith.constant 0 : i32
    %dma_wait3A_194 = arith.constant 0 : i32
    %dma_wait3A_195 = arith.constant 0 : i32
    %dma_wait3A_196 = arith.constant 0 : i32
    %dma_wait3A_197 = tpu.memref_slice %arg11[%dma_wait3A_194, %dma_wait3A_195, %dma_wait3A_196] : memref<8x128x16xf32, #tpu.memory_space<vmem>> -> memref<1x128x16xf32, #tpu.memory_space<vmem>>
    %dma_wait3A_198 = tpu.memref_squeeze %dma_wait3A_197 : memref<1x128x16xf32, #tpu.memory_space<vmem>> -> memref<128x16xf32, #tpu.memory_space<vmem>>
    %dma_wait3A_199 = arith.constant 0 : i32
    %dma_wait3A_200 = tpu.memref_slice %arg9[%dma_wait3A, %dma_wait3A_199] : memref<8x128xi32, #tpu.memory_space<vmem>> -> memref<1x128xi32, #tpu.memory_space<vmem>>
    %dma_wait3A_201 = tpu.memref_squeeze %dma_wait3A_200 : memref<1x128xi32, #tpu.memory_space<vmem>> -> memref<128xi32, #tpu.memory_space<vmem>>
    %dma_wait3A_202 = arith.constant 0 : i32
    %dma_wait3A_203 = arith.constant 0 : i32
    %dma_wait3A_204 = tpu.memref_slice %arg2[%dma_wait3A_202, %dma_wait3A_203] : memref<1000000x16xf32, #tpu.memory_space<hbm>> -> memref<1000000x16xf32, #tpu.memory_space<hbm>>
    tpu.wait_indirect_dma semaphore(%arg19 : memref<!tpu.dma_semaphore, #tpu.memory_space<semaphore_mem>>) src(%dma_wait3A_204 : memref<1000000x16xf32, #tpu.memory_space<hbm>>) dst(%dma_wait3A_198 : memref<128x16xf32, #tpu.memory_space<vmem>>)
    %dma_wait3A_205 = arith.constant 0 : i32
    %dma_wait3A_206 = arith.constant 0 : i32
    %dma_wait3A_207 = arith.constant 0 : i32
    %dma_wait3A_208 = arith.constant 0 : i32
    %dma_wait3A_209 = tpu.memref_slice %arg12[%dma_wait3A_206, %dma_wait3A_207, %dma_wait3A_208] : memref<8x128x16xf32, #tpu.memory_space<vmem>> -> memref<1x128x16xf32, #tpu.memory_space<vmem>>
    %dma_wait3A_210 = tpu.memref_squeeze %dma_wait3A_209 : memref<1x128x16xf32, #tpu.memory_space<vmem>> -> memref<128x16xf32, #tpu.memory_space<vmem>>
    %dma_wait3A_211 = arith.constant 0 : i32
    %dma_wait3A_212 = tpu.memref_slice %arg10[%dma_wait3A_205, %dma_wait3A_211] : memref<8x128xi32, #tpu.memory_space<vmem>> -> memref<1x128xi32, #tpu.memory_space<vmem>>
    %dma_wait3A_213 = tpu.memref_squeeze %dma_wait3A_212 : memref<1x128xi32, #tpu.memory_space<vmem>> -> memref<128xi32, #tpu.memory_space<vmem>>
    %dma_wait3A_214 = arith.constant 0 : i32
    %dma_wait3A_215 = arith.constant 0 : i32
    %dma_wait3A_216 = tpu.memref_slice %arg4[%dma_wait3A_214, %dma_wait3A_215] : memref<1000000x16xf32, #tpu.memory_space<hbm>> -> memref<1000000x16xf32, #tpu.memory_space<hbm>>
    tpu.wait_indirect_dma semaphore(%arg19 : memref<!tpu.dma_semaphore, #tpu.memory_space<semaphore_mem>>) src(%dma_wait3A_216 : memref<1000000x16xf32, #tpu.memory_space<hbm>>) dst(%dma_wait3A_210 : memref<128x16xf32, #tpu.memory_space<vmem>>)
    %dma_wait3A_217 = arith.constant 1 : i32
    %dma_wait3A_218 = arith.constant 1 : i32
    %dma_wait3A_219 = arith.constant 0 : i32
    %dma_wait3A_220 = arith.constant 0 : i32
    %dma_wait3A_221 = tpu.memref_slice %arg11[%dma_wait3A_218, %dma_wait3A_219, %dma_wait3A_220] : memref<8x128x16xf32, #tpu.memory_space<vmem>> -> memref<1x128x16xf32, #tpu.memory_space<vmem>>
    %dma_wait3A_222 = tpu.memref_squeeze %dma_wait3A_221 : memref<1x128x16xf32, #tpu.memory_space<vmem>> -> memref<128x16xf32, #tpu.memory_space<vmem>>
    %dma_wait3A_223 = arith.constant 0 : i32
    %dma_wait3A_224 = tpu.memref_slice %arg9[%dma_wait3A_217, %dma_wait3A_223] : memref<8x128xi32, #tpu.memory_space<vmem>> -> memref<1x128xi32, #tpu.memory_space<vmem>>
    %dma_wait3A_225 = tpu.memref_squeeze %dma_wait3A_224 : memref<1x128xi32, #tpu.memory_space<vmem>> -> memref<128xi32, #tpu.memory_space<vmem>>
    %dma_wait3A_226 = arith.constant 0 : i32
    %dma_wait3A_227 = arith.constant 0 : i32
    %dma_wait3A_228 = tpu.memref_slice %arg2[%dma_wait3A_226, %dma_wait3A_227] : memref<1000000x16xf32, #tpu.memory_space<hbm>> -> memref<1000000x16xf32, #tpu.memory_space<hbm>>
    tpu.wait_indirect_dma semaphore(%arg19 : memref<!tpu.dma_semaphore, #tpu.memory_space<semaphore_mem>>) src(%dma_wait3A_228 : memref<1000000x16xf32, #tpu.memory_space<hbm>>) dst(%dma_wait3A_222 : memref<128x16xf32, #tpu.memory_space<vmem>>)
    %dma_wait3A_229 = arith.constant 1 : i32
    %dma_wait3A_230 = arith.constant 1 : i32
    %dma_wait3A_231 = arith.constant 0 : i32
    %dma_wait3A_232 = arith.constant 0 : i32
    %dma_wait3A_233 = tpu.memref_slice %arg12[%dma_wait3A_230, %dma_wait3A_231, %dma_wait3A_232] : memref<8x128x16xf32, #tpu.memory_space<vmem>> -> memref<1x128x16xf32, #tpu.memory_space<vmem>>
    %dma_wait3A_234 = tpu.memref_squeeze %dma_wait3A_233 : memref<1x128x16xf32, #tpu.memory_space<vmem>> -> memref<128x16xf32, #tpu.memory_space<vmem>>
    %dma_wait3A_235 = arith.constant 0 : i32
    %dma_wait3A_236 = tpu.memref_slice %arg10[%dma_wait3A_229, %dma_wait3A_235] : memref<8x128xi32, #tpu.memory_space<vmem>> -> memref<1x128xi32, #tpu.memory_space<vmem>>
    %dma_wait3A_237 = tpu.memref_squeeze %dma_wait3A_236 : memref<1x128xi32, #tpu.memory_space<vmem>> -> memref<128xi32, #tpu.memory_space<vmem>>
    %dma_wait3A_238 = arith.constant 0 : i32
    %dma_wait3A_239 = arith.constant 0 : i32
    %dma_wait3A_240 = tpu.memref_slice %arg4[%dma_wait3A_238, %dma_wait3A_239] : memref<1000000x16xf32, #tpu.memory_space<hbm>> -> memref<1000000x16xf32, #tpu.memory_space<hbm>>
    tpu.wait_indirect_dma semaphore(%arg19 : memref<!tpu.dma_semaphore, #tpu.memory_space<semaphore_mem>>) src(%dma_wait3A_240 : memref<1000000x16xf32, #tpu.memory_space<hbm>>) dst(%dma_wait3A_234 : memref<128x16xf32, #tpu.memory_space<vmem>>)
    %dma_wait3A_241 = arith.constant 2 : i32
    %dma_wait3A_242 = arith.constant 2 : i32
    %dma_wait3A_243 = arith.constant 0 : i32
    %dma_wait3A_244 = arith.constant 0 : i32
    %dma_wait3A_245 = tpu.memref_slice %arg11[%dma_wait3A_242, %dma_wait3A_243, %dma_wait3A_244] : memref<8x128x16xf32, #tpu.memory_space<vmem>> -> memref<1x128x16xf32, #tpu.memory_space<vmem>>
    %dma_wait3A_246 = tpu.memref_squeeze %dma_wait3A_245 : memref<1x128x16xf32, #tpu.memory_space<vmem>> -> memref<128x16xf32, #tpu.memory_space<vmem>>
    %dma_wait3A_247 = arith.constant 0 : i32
    %dma_wait3A_248 = tpu.memref_slice %arg9[%dma_wait3A_241, %dma_wait3A_247] : memref<8x128xi32, #tpu.memory_space<vmem>> -> memref<1x128xi32, #tpu.memory_space<vmem>>
    %dma_wait3A_249 = tpu.memref_squeeze %dma_wait3A_248 : memref<1x128xi32, #tpu.memory_space<vmem>> -> memref<128xi32, #tpu.memory_space<vmem>>
    %dma_wait3A_250 = arith.constant 0 : i32
    %dma_wait3A_251 = arith.constant 0 : i32
    %dma_wait3A_252 = tpu.memref_slice %arg2[%dma_wait3A_250, %dma_wait3A_251] : memref<1000000x16xf32, #tpu.memory_space<hbm>> -> memref<1000000x16xf32, #tpu.memory_space<hbm>>
    tpu.wait_indirect_dma semaphore(%arg19 : memref<!tpu.dma_semaphore, #tpu.memory_space<semaphore_mem>>) src(%dma_wait3A_252 : memref<1000000x16xf32, #tpu.memory_space<hbm>>) dst(%dma_wait3A_246 : memref<128x16xf32, #tpu.memory_space<vmem>>)
    %dma_wait3A_253 = arith.constant 2 : i32
    %dma_wait3A_254 = arith.constant 2 : i32
    %dma_wait3A_255 = arith.constant 0 : i32
    %dma_wait3A_256 = arith.constant 0 : i32
    %dma_wait3A_257 = tpu.memref_slice %arg12[%dma_wait3A_254, %dma_wait3A_255, %dma_wait3A_256] : memref<8x128x16xf32, #tpu.memory_space<vmem>> -> memref<1x128x16xf32, #tpu.memory_space<vmem>>
    %dma_wait3A_258 = tpu.memref_squeeze %dma_wait3A_257 : memref<1x128x16xf32, #tpu.memory_space<vmem>> -> memref<128x16xf32, #tpu.memory_space<vmem>>
    %dma_wait3A_259 = arith.constant 0 : i32
    %dma_wait3A_260 = tpu.memref_slice %arg10[%dma_wait3A_253, %dma_wait3A_259] : memref<8x128xi32, #tpu.memory_space<vmem>> -> memref<1x128xi32, #tpu.memory_space<vmem>>
    %dma_wait3A_261 = tpu.memref_squeeze %dma_wait3A_260 : memref<1x128xi32, #tpu.memory_space<vmem>> -> memref<128xi32, #tpu.memory_space<vmem>>
    %dma_wait3A_262 = arith.constant 0 : i32
    %dma_wait3A_263 = arith.constant 0 : i32
    %dma_wait3A_264 = tpu.memref_slice %arg4[%dma_wait3A_262, %dma_wait3A_263] : memref<1000000x16xf32, #tpu.memory_space<hbm>> -> memref<1000000x16xf32, #tpu.memory_space<hbm>>
    tpu.wait_indirect_dma semaphore(%arg19 : memref<!tpu.dma_semaphore, #tpu.memory_space<semaphore_mem>>) src(%dma_wait3A_264 : memref<1000000x16xf32, #tpu.memory_space<hbm>>) dst(%dma_wait3A_258 : memref<128x16xf32, #tpu.memory_space<vmem>>)
    %dma_wait3A_265 = arith.constant 3 : i32
    %dma_wait3A_266 = arith.constant 3 : i32
    %dma_wait3A_267 = arith.constant 0 : i32
    %dma_wait3A_268 = arith.constant 0 : i32
    %dma_wait3A_269 = tpu.memref_slice %arg11[%dma_wait3A_266, %dma_wait3A_267, %dma_wait3A_268] : memref<8x128x16xf32, #tpu.memory_space<vmem>> -> memref<1x128x16xf32, #tpu.memory_space<vmem>>
    %dma_wait3A_270 = tpu.memref_squeeze %dma_wait3A_269 : memref<1x128x16xf32, #tpu.memory_space<vmem>> -> memref<128x16xf32, #tpu.memory_space<vmem>>
    %dma_wait3A_271 = arith.constant 0 : i32
    %dma_wait3A_272 = tpu.memref_slice %arg9[%dma_wait3A_265, %dma_wait3A_271] : memref<8x128xi32, #tpu.memory_space<vmem>> -> memref<1x128xi32, #tpu.memory_space<vmem>>
    %dma_wait3A_273 = tpu.memref_squeeze %dma_wait3A_272 : memref<1x128xi32, #tpu.memory_space<vmem>> -> memref<128xi32, #tpu.memory_space<vmem>>
    %dma_wait3A_274 = arith.constant 0 : i32
    %dma_wait3A_275 = arith.constant 0 : i32
    %dma_wait3A_276 = tpu.memref_slice %arg2[%dma_wait3A_274, %dma_wait3A_275] : memref<1000000x16xf32, #tpu.memory_space<hbm>> -> memref<1000000x16xf32, #tpu.memory_space<hbm>>
    tpu.wait_indirect_dma semaphore(%arg19 : memref<!tpu.dma_semaphore, #tpu.memory_space<semaphore_mem>>) src(%dma_wait3A_276 : memref<1000000x16xf32, #tpu.memory_space<hbm>>) dst(%dma_wait3A_270 : memref<128x16xf32, #tpu.memory_space<vmem>>)
    %dma_wait3A_277 = arith.constant 3 : i32
    %dma_wait3A_278 = arith.constant 3 : i32
    %dma_wait3A_279 = arith.constant 0 : i32
    %dma_wait3A_280 = arith.constant 0 : i32
    %dma_wait3A_281 = tpu.memref_slice %arg12[%dma_wait3A_278, %dma_wait3A_279, %dma_wait3A_280] : memref<8x128x16xf32, #tpu.memory_space<vmem>> -> memref<1x128x16xf32, #tpu.memory_space<vmem>>
    %dma_wait3A_282 = tpu.memref_squeeze %dma_wait3A_281 : memref<1x128x16xf32, #tpu.memory_space<vmem>> -> memref<128x16xf32, #tpu.memory_space<vmem>>
    %dma_wait3A_283 = arith.constant 0 : i32
    %dma_wait3A_284 = tpu.memref_slice %arg10[%dma_wait3A_277, %dma_wait3A_283] : memref<8x128xi32, #tpu.memory_space<vmem>> -> memref<1x128xi32, #tpu.memory_space<vmem>>
    %dma_wait3A_285 = tpu.memref_squeeze %dma_wait3A_284 : memref<1x128xi32, #tpu.memory_space<vmem>> -> memref<128xi32, #tpu.memory_space<vmem>>
    %dma_wait3A_286 = arith.constant 0 : i32
    %dma_wait3A_287 = arith.constant 0 : i32
    %dma_wait3A_288 = tpu.memref_slice %arg4[%dma_wait3A_286, %dma_wait3A_287] : memref<1000000x16xf32, #tpu.memory_space<hbm>> -> memref<1000000x16xf32, #tpu.memory_space<hbm>>
    tpu.wait_indirect_dma semaphore(%arg19 : memref<!tpu.dma_semaphore, #tpu.memory_space<semaphore_mem>>) src(%dma_wait3A_288 : memref<1000000x16xf32, #tpu.memory_space<hbm>>) dst(%dma_wait3A_282 : memref<128x16xf32, #tpu.memory_space<vmem>>)
    %dma_wait3A_289 = arith.constant 4 : i32
    %dma_wait3A_290 = arith.constant 4 : i32
    %dma_wait3A_291 = arith.constant 0 : i32
    %dma_wait3A_292 = arith.constant 0 : i32
    %dma_wait3A_293 = tpu.memref_slice %arg11[%dma_wait3A_290, %dma_wait3A_291, %dma_wait3A_292] : memref<8x128x16xf32, #tpu.memory_space<vmem>> -> memref<1x128x16xf32, #tpu.memory_space<vmem>>
    %dma_wait3A_294 = tpu.memref_squeeze %dma_wait3A_293 : memref<1x128x16xf32, #tpu.memory_space<vmem>> -> memref<128x16xf32, #tpu.memory_space<vmem>>
    %dma_wait3A_295 = arith.constant 0 : i32
    %dma_wait3A_296 = tpu.memref_slice %arg9[%dma_wait3A_289, %dma_wait3A_295] : memref<8x128xi32, #tpu.memory_space<vmem>> -> memref<1x128xi32, #tpu.memory_space<vmem>>
    %dma_wait3A_297 = tpu.memref_squeeze %dma_wait3A_296 : memref<1x128xi32, #tpu.memory_space<vmem>> -> memref<128xi32, #tpu.memory_space<vmem>>
    %dma_wait3A_298 = arith.constant 0 : i32
    %dma_wait3A_299 = arith.constant 0 : i32
    %dma_wait3A_300 = tpu.memref_slice %arg2[%dma_wait3A_298, %dma_wait3A_299] : memref<1000000x16xf32, #tpu.memory_space<hbm>> -> memref<1000000x16xf32, #tpu.memory_space<hbm>>
    tpu.wait_indirect_dma semaphore(%arg19 : memref<!tpu.dma_semaphore, #tpu.memory_space<semaphore_mem>>) src(%dma_wait3A_300 : memref<1000000x16xf32, #tpu.memory_space<hbm>>) dst(%dma_wait3A_294 : memref<128x16xf32, #tpu.memory_space<vmem>>)
    %dma_wait3A_301 = arith.constant 4 : i32
    %dma_wait3A_302 = arith.constant 4 : i32
    %dma_wait3A_303 = arith.constant 0 : i32
    %dma_wait3A_304 = arith.constant 0 : i32
    %dma_wait3A_305 = tpu.memref_slice %arg12[%dma_wait3A_302, %dma_wait3A_303, %dma_wait3A_304] : memref<8x128x16xf32, #tpu.memory_space<vmem>> -> memref<1x128x16xf32, #tpu.memory_space<vmem>>
    %dma_wait3A_306 = tpu.memref_squeeze %dma_wait3A_305 : memref<1x128x16xf32, #tpu.memory_space<vmem>> -> memref<128x16xf32, #tpu.memory_space<vmem>>
    %dma_wait3A_307 = arith.constant 0 : i32
    %dma_wait3A_308 = tpu.memref_slice %arg10[%dma_wait3A_301, %dma_wait3A_307] : memref<8x128xi32, #tpu.memory_space<vmem>> -> memref<1x128xi32, #tpu.memory_space<vmem>>
    %dma_wait3A_309 = tpu.memref_squeeze %dma_wait3A_308 : memref<1x128xi32, #tpu.memory_space<vmem>> -> memref<128xi32, #tpu.memory_space<vmem>>
    %dma_wait3A_310 = arith.constant 0 : i32
    %dma_wait3A_311 = arith.constant 0 : i32
    %dma_wait3A_312 = tpu.memref_slice %arg4[%dma_wait3A_310, %dma_wait3A_311] : memref<1000000x16xf32, #tpu.memory_space<hbm>> -> memref<1000000x16xf32, #tpu.memory_space<hbm>>
    tpu.wait_indirect_dma semaphore(%arg19 : memref<!tpu.dma_semaphore, #tpu.memory_space<semaphore_mem>>) src(%dma_wait3A_312 : memref<1000000x16xf32, #tpu.memory_space<hbm>>) dst(%dma_wait3A_306 : memref<128x16xf32, #tpu.memory_space<vmem>>)
    %dma_wait3A_313 = arith.constant 5 : i32
    %dma_wait3A_314 = arith.constant 5 : i32
    %dma_wait3A_315 = arith.constant 0 : i32
    %dma_wait3A_316 = arith.constant 0 : i32
    %dma_wait3A_317 = tpu.memref_slice %arg11[%dma_wait3A_314, %dma_wait3A_315, %dma_wait3A_316] : memref<8x128x16xf32, #tpu.memory_space<vmem>> -> memref<1x128x16xf32, #tpu.memory_space<vmem>>
    %dma_wait3A_318 = tpu.memref_squeeze %dma_wait3A_317 : memref<1x128x16xf32, #tpu.memory_space<vmem>> -> memref<128x16xf32, #tpu.memory_space<vmem>>
    %dma_wait3A_319 = arith.constant 0 : i32
    %dma_wait3A_320 = tpu.memref_slice %arg9[%dma_wait3A_313, %dma_wait3A_319] : memref<8x128xi32, #tpu.memory_space<vmem>> -> memref<1x128xi32, #tpu.memory_space<vmem>>
    %dma_wait3A_321 = tpu.memref_squeeze %dma_wait3A_320 : memref<1x128xi32, #tpu.memory_space<vmem>> -> memref<128xi32, #tpu.memory_space<vmem>>
    %dma_wait3A_322 = arith.constant 0 : i32
    %dma_wait3A_323 = arith.constant 0 : i32
    %dma_wait3A_324 = tpu.memref_slice %arg2[%dma_wait3A_322, %dma_wait3A_323] : memref<1000000x16xf32, #tpu.memory_space<hbm>> -> memref<1000000x16xf32, #tpu.memory_space<hbm>>
    tpu.wait_indirect_dma semaphore(%arg19 : memref<!tpu.dma_semaphore, #tpu.memory_space<semaphore_mem>>) src(%dma_wait3A_324 : memref<1000000x16xf32, #tpu.memory_space<hbm>>) dst(%dma_wait3A_318 : memref<128x16xf32, #tpu.memory_space<vmem>>)
    %dma_wait3A_325 = arith.constant 5 : i32
    %dma_wait3A_326 = arith.constant 5 : i32
    %dma_wait3A_327 = arith.constant 0 : i32
    %dma_wait3A_328 = arith.constant 0 : i32
    %dma_wait3A_329 = tpu.memref_slice %arg12[%dma_wait3A_326, %dma_wait3A_327, %dma_wait3A_328] : memref<8x128x16xf32, #tpu.memory_space<vmem>> -> memref<1x128x16xf32, #tpu.memory_space<vmem>>
    %dma_wait3A_330 = tpu.memref_squeeze %dma_wait3A_329 : memref<1x128x16xf32, #tpu.memory_space<vmem>> -> memref<128x16xf32, #tpu.memory_space<vmem>>
    %dma_wait3A_331 = arith.constant 0 : i32
    %dma_wait3A_332 = tpu.memref_slice %arg10[%dma_wait3A_325, %dma_wait3A_331] : memref<8x128xi32, #tpu.memory_space<vmem>> -> memref<1x128xi32, #tpu.memory_space<vmem>>
    %dma_wait3A_333 = tpu.memref_squeeze %dma_wait3A_332 : memref<1x128xi32, #tpu.memory_space<vmem>> -> memref<128xi32, #tpu.memory_space<vmem>>
    %dma_wait3A_334 = arith.constant 0 : i32
    %dma_wait3A_335 = arith.constant 0 : i32
    %dma_wait3A_336 = tpu.memref_slice %arg4[%dma_wait3A_334, %dma_wait3A_335] : memref<1000000x16xf32, #tpu.memory_space<hbm>> -> memref<1000000x16xf32, #tpu.memory_space<hbm>>
    tpu.wait_indirect_dma semaphore(%arg19 : memref<!tpu.dma_semaphore, #tpu.memory_space<semaphore_mem>>) src(%dma_wait3A_336 : memref<1000000x16xf32, #tpu.memory_space<hbm>>) dst(%dma_wait3A_330 : memref<128x16xf32, #tpu.memory_space<vmem>>)
    %dma_wait3A_337 = arith.constant 6 : i32
    %dma_wait3A_338 = arith.constant 6 : i32
    %dma_wait3A_339 = arith.constant 0 : i32
    %dma_wait3A_340 = arith.constant 0 : i32
    %dma_wait3A_341 = tpu.memref_slice %arg11[%dma_wait3A_338, %dma_wait3A_339, %dma_wait3A_340] : memref<8x128x16xf32, #tpu.memory_space<vmem>> -> memref<1x128x16xf32, #tpu.memory_space<vmem>>
    %dma_wait3A_342 = tpu.memref_squeeze %dma_wait3A_341 : memref<1x128x16xf32, #tpu.memory_space<vmem>> -> memref<128x16xf32, #tpu.memory_space<vmem>>
    %dma_wait3A_343 = arith.constant 0 : i32
    %dma_wait3A_344 = tpu.memref_slice %arg9[%dma_wait3A_337, %dma_wait3A_343] : memref<8x128xi32, #tpu.memory_space<vmem>> -> memref<1x128xi32, #tpu.memory_space<vmem>>
    %dma_wait3A_345 = tpu.memref_squeeze %dma_wait3A_344 : memref<1x128xi32, #tpu.memory_space<vmem>> -> memref<128xi32, #tpu.memory_space<vmem>>
    %dma_wait3A_346 = arith.constant 0 : i32
    %dma_wait3A_347 = arith.constant 0 : i32
    %dma_wait3A_348 = tpu.memref_slice %arg2[%dma_wait3A_346, %dma_wait3A_347] : memref<1000000x16xf32, #tpu.memory_space<hbm>> -> memref<1000000x16xf32, #tpu.memory_space<hbm>>
    tpu.wait_indirect_dma semaphore(%arg19 : memref<!tpu.dma_semaphore, #tpu.memory_space<semaphore_mem>>) src(%dma_wait3A_348 : memref<1000000x16xf32, #tpu.memory_space<hbm>>) dst(%dma_wait3A_342 : memref<128x16xf32, #tpu.memory_space<vmem>>)
    %dma_wait3A_349 = arith.constant 6 : i32
    %dma_wait3A_350 = arith.constant 6 : i32
    %dma_wait3A_351 = arith.constant 0 : i32
    %dma_wait3A_352 = arith.constant 0 : i32
    %dma_wait3A_353 = tpu.memref_slice %arg12[%dma_wait3A_350, %dma_wait3A_351, %dma_wait3A_352] : memref<8x128x16xf32, #tpu.memory_space<vmem>> -> memref<1x128x16xf32, #tpu.memory_space<vmem>>
    %dma_wait3A_354 = tpu.memref_squeeze %dma_wait3A_353 : memref<1x128x16xf32, #tpu.memory_space<vmem>> -> memref<128x16xf32, #tpu.memory_space<vmem>>
    %dma_wait3A_355 = arith.constant 0 : i32
    %dma_wait3A_356 = tpu.memref_slice %arg10[%dma_wait3A_349, %dma_wait3A_355] : memref<8x128xi32, #tpu.memory_space<vmem>> -> memref<1x128xi32, #tpu.memory_space<vmem>>
    %dma_wait3A_357 = tpu.memref_squeeze %dma_wait3A_356 : memref<1x128xi32, #tpu.memory_space<vmem>> -> memref<128xi32, #tpu.memory_space<vmem>>
    %dma_wait3A_358 = arith.constant 0 : i32
    %dma_wait3A_359 = arith.constant 0 : i32
    %dma_wait3A_360 = tpu.memref_slice %arg4[%dma_wait3A_358, %dma_wait3A_359] : memref<1000000x16xf32, #tpu.memory_space<hbm>> -> memref<1000000x16xf32, #tpu.memory_space<hbm>>
    tpu.wait_indirect_dma semaphore(%arg19 : memref<!tpu.dma_semaphore, #tpu.memory_space<semaphore_mem>>) src(%dma_wait3A_360 : memref<1000000x16xf32, #tpu.memory_space<hbm>>) dst(%dma_wait3A_354 : memref<128x16xf32, #tpu.memory_space<vmem>>)
    %dma_wait3A_361 = arith.constant 7 : i32
    %dma_wait3A_362 = arith.constant 7 : i32
    %dma_wait3A_363 = arith.constant 0 : i32
    %dma_wait3A_364 = arith.constant 0 : i32
    %dma_wait3A_365 = tpu.memref_slice %arg11[%dma_wait3A_362, %dma_wait3A_363, %dma_wait3A_364] : memref<8x128x16xf32, #tpu.memory_space<vmem>> -> memref<1x128x16xf32, #tpu.memory_space<vmem>>
    %dma_wait3A_366 = tpu.memref_squeeze %dma_wait3A_365 : memref<1x128x16xf32, #tpu.memory_space<vmem>> -> memref<128x16xf32, #tpu.memory_space<vmem>>
    %dma_wait3A_367 = arith.constant 0 : i32
    %dma_wait3A_368 = tpu.memref_slice %arg9[%dma_wait3A_361, %dma_wait3A_367] : memref<8x128xi32, #tpu.memory_space<vmem>> -> memref<1x128xi32, #tpu.memory_space<vmem>>
    %dma_wait3A_369 = tpu.memref_squeeze %dma_wait3A_368 : memref<1x128xi32, #tpu.memory_space<vmem>> -> memref<128xi32, #tpu.memory_space<vmem>>
    %dma_wait3A_370 = arith.constant 0 : i32
    %dma_wait3A_371 = arith.constant 0 : i32
    %dma_wait3A_372 = tpu.memref_slice %arg2[%dma_wait3A_370, %dma_wait3A_371] : memref<1000000x16xf32, #tpu.memory_space<hbm>> -> memref<1000000x16xf32, #tpu.memory_space<hbm>>
    tpu.wait_indirect_dma semaphore(%arg19 : memref<!tpu.dma_semaphore, #tpu.memory_space<semaphore_mem>>) src(%dma_wait3A_372 : memref<1000000x16xf32, #tpu.memory_space<hbm>>) dst(%dma_wait3A_366 : memref<128x16xf32, #tpu.memory_space<vmem>>)
    %dma_wait3A_373 = arith.constant 7 : i32
    %dma_wait3A_374 = arith.constant 7 : i32
    %dma_wait3A_375 = arith.constant 0 : i32
    %dma_wait3A_376 = arith.constant 0 : i32
    %dma_wait3A_377 = tpu.memref_slice %arg12[%dma_wait3A_374, %dma_wait3A_375, %dma_wait3A_376] : memref<8x128x16xf32, #tpu.memory_space<vmem>> -> memref<1x128x16xf32, #tpu.memory_space<vmem>>
    %dma_wait3A_378 = tpu.memref_squeeze %dma_wait3A_377 : memref<1x128x16xf32, #tpu.memory_space<vmem>> -> memref<128x16xf32, #tpu.memory_space<vmem>>
    %dma_wait3A_379 = arith.constant 0 : i32
    %dma_wait3A_380 = tpu.memref_slice %arg10[%dma_wait3A_373, %dma_wait3A_379] : memref<8x128xi32, #tpu.memory_space<vmem>> -> memref<1x128xi32, #tpu.memory_space<vmem>>
    %dma_wait3A_381 = tpu.memref_squeeze %dma_wait3A_380 : memref<1x128xi32, #tpu.memory_space<vmem>> -> memref<128xi32, #tpu.memory_space<vmem>>
    %dma_wait3A_382 = arith.constant 0 : i32
    %dma_wait3A_383 = arith.constant 0 : i32
    %dma_wait3A_384 = tpu.memref_slice %arg4[%dma_wait3A_382, %dma_wait3A_383] : memref<1000000x16xf32, #tpu.memory_space<hbm>> -> memref<1000000x16xf32, #tpu.memory_space<hbm>>
    tpu.wait_indirect_dma semaphore(%arg19 : memref<!tpu.dma_semaphore, #tpu.memory_space<semaphore_mem>>) src(%dma_wait3A_384 : memref<1000000x16xf32, #tpu.memory_space<hbm>>) dst(%dma_wait3A_378 : memref<128x16xf32, #tpu.memory_space<vmem>>)
    %broadcast_in_dim3A = arith.constant 0.000000e+00 : f32
    %broadcast_in_dim3A_385 = vector.broadcast %broadcast_in_dim3A : f32 to vector<16xf32>
    %scan3A = arith.constant 0 : i32
    %scan3A_386 = arith.constant 128 : i32
    %scan3A_387 = arith.addi %scan3A, %scan3A_386 : i32
    %scan3A_388 = arith.constant 1 : i32
    %scan3A_389 = scf.for %scan3A_1498 = %scan3A to %scan3A_387 step %scan3A_388 iter_args(%scan3A_1499 = %broadcast_in_dim3A_385) -> (vector<16xf32>)  : i32 {
      %get3A_1500 = arith.constant 0 : i32
      %get3A_1501 = arith.index_cast %get3A_1500 : i32 to index
      %get3A_1502 = arith.index_cast %scan3A_1498 : i32 to index
      %get3A_1503 = arith.constant 0 : index
      %get3A_1504 = tpu.vector_load %arg11[%get3A_1501, %get3A_1502, %get3A_1503] {strides = array<i32>} : memref<8x128x16xf32, #tpu.memory_space<vmem>>, vector<16xf32>,
      %get3A_1505 = arith.constant 0 : i32
      %get3A_1506 = arith.index_cast %get3A_1505 : i32 to index
      %get3A_1507 = arith.index_cast %scan3A_1498 : i32 to index
      %get3A_1508 = arith.constant 0 : index
      %get3A_1509 = tpu.vector_load %arg12[%get3A_1506, %get3A_1507, %get3A_1508] {strides = array<i32>} : memref<8x128x16xf32, #tpu.memory_space<vmem>>, vector<16xf32>,
      %mul3A_1510 = arith.mulf %get3A_1504, %get3A_1509 : vector<16xf32>
      %add3A_1511 = arith.addf %scan3A_1499, %mul3A_1510 : vector<16xf32>
      scf.yield %add3A_1511 : vector<16xf32>
    }
    %scan3A_390 = arith.constant 128 : i32
    %scan3A_391 = arith.constant 0 : i32
    %scan3A_392 = arith.constant 128 : i32
    %scan3A_393 = arith.addi %scan3A_391, %scan3A_392 : i32
    %scan3A_394 = arith.constant 1 : i32
    %scan3A_395 = scf.for %scan3A_1498 = %scan3A_391 to %scan3A_393 step %scan3A_394 iter_args(%scan3A_1499 = %scan3A_389) -> (vector<16xf32>)  : i32 {
      %get3A_1500 = arith.constant 1 : i32
      %get3A_1501 = arith.index_cast %get3A_1500 : i32 to index
      %get3A_1502 = arith.index_cast %scan3A_1498 : i32 to index
      %get3A_1503 = arith.constant 0 : index
      %get3A_1504 = tpu.vector_load %arg11[%get3A_1501, %get3A_1502, %get3A_1503] {strides = array<i32>} : memref<8x128x16xf32, #tpu.memory_space<vmem>>, vector<16xf32>,
      %get3A_1505 = arith.constant 1 : i32
      %get3A_1506 = arith.index_cast %get3A_1505 : i32 to index
      %get3A_1507 = arith.index_cast %scan3A_1498 : i32 to index
      %get3A_1508 = arith.constant 0 : index
      %get3A_1509 = tpu.vector_load %arg12[%get3A_1506, %get3A_1507, %get3A_1508] {strides = array<i32>} : memref<8x128x16xf32, #tpu.memory_space<vmem>>, vector<16xf32>,
      %mul3A_1510 = arith.mulf %get3A_1504, %get3A_1509 : vector<16xf32>
      %add3A_1511 = arith.addf %scan3A_1499, %mul3A_1510 : vector<16xf32>
      scf.yield %add3A_1511 : vector<16xf32>
    }
    %scan3A_396 = arith.constant 128 : i32
    %scan3A_397 = arith.constant 0 : i32
    %scan3A_398 = arith.constant 128 : i32
    %scan3A_399 = arith.addi %scan3A_397, %scan3A_398 : i32
    %scan3A_400 = arith.constant 1 : i32
    %scan3A_401 = scf.for %scan3A_1498 = %scan3A_397 to %scan3A_399 step %scan3A_400 iter_args(%scan3A_1499 = %scan3A_395) -> (vector<16xf32>)  : i32 {
      %get3A_1500 = arith.constant 2 : i32
      %get3A_1501 = arith.index_cast %get3A_1500 : i32 to index
      %get3A_1502 = arith.index_cast %scan3A_1498 : i32 to index
      %get3A_1503 = arith.constant 0 : index
      %get3A_1504 = tpu.vector_load %arg11[%get3A_1501, %get3A_1502, %get3A_1503] {strides = array<i32>} : memref<8x128x16xf32, #tpu.memory_space<vmem>>, vector<16xf32>,
      %get3A_1505 = arith.constant 2 : i32
      %get3A_1506 = arith.index_cast %get3A_1505 : i32 to index
      %get3A_1507 = arith.index_cast %scan3A_1498 : i32 to index
      %get3A_1508 = arith.constant 0 : index
      %get3A_1509 = tpu.vector_load %arg12[%get3A_1506, %get3A_1507, %get3A_1508] {strides = array<i32>} : memref<8x128x16xf32, #tpu.memory_space<vmem>>, vector<16xf32>,
      %mul3A_1510 = arith.mulf %get3A_1504, %get3A_1509 : vector<16xf32>
      %add3A_1511 = arith.addf %scan3A_1499, %mul3A_1510 : vector<16xf32>
      scf.yield %add3A_1511 : vector<16xf32>
    }
    %scan3A_402 = arith.constant 128 : i32
    %scan3A_403 = arith.constant 0 : i32
    %scan3A_404 = arith.constant 128 : i32
    %scan3A_405 = arith.addi %scan3A_403, %scan3A_404 : i32
    %scan3A_406 = arith.constant 1 : i32
    %scan3A_407 = scf.for %scan3A_1498 = %scan3A_403 to %scan3A_405 step %scan3A_406 iter_args(%scan3A_1499 = %scan3A_401) -> (vector<16xf32>)  : i32 {
      %get3A_1500 = arith.constant 3 : i32
      %get3A_1501 = arith.index_cast %get3A_1500 : i32 to index
      %get3A_1502 = arith.index_cast %scan3A_1498 : i32 to index
      %get3A_1503 = arith.constant 0 : index
      %get3A_1504 = tpu.vector_load %arg11[%get3A_1501, %get3A_1502, %get3A_1503] {strides = array<i32>} : memref<8x128x16xf32, #tpu.memory_space<vmem>>, vector<16xf32>,
      %get3A_1505 = arith.constant 3 : i32
      %get3A_1506 = arith.index_cast %get3A_1505 : i32 to index
      %get3A_1507 = arith.index_cast %scan3A_1498 : i32 to index
      %get3A_1508 = arith.constant 0 : index
      %get3A_1509 = tpu.vector_load %arg12[%get3A_1506, %get3A_1507, %get3A_1508] {strides = array<i32>} : memref<8x128x16xf32, #tpu.memory_space<vmem>>, vector<16xf32>,
      %mul3A_1510 = arith.mulf %get3A_1504, %get3A_1509 : vector<16xf32>
      %add3A_1511 = arith.addf %scan3A_1499, %mul3A_1510 : vector<16xf32>
      scf.yield %add3A_1511 : vector<16xf32>
    }
    %scan3A_408 = arith.constant 128 : i32
    %scan3A_409 = arith.constant 0 : i32
    %scan3A_410 = arith.constant 128 : i32
    %scan3A_411 = arith.addi %scan3A_409, %scan3A_410 : i32
    %scan3A_412 = arith.constant 1 : i32
    %scan3A_413 = scf.for %scan3A_1498 = %scan3A_409 to %scan3A_411 step %scan3A_412 iter_args(%scan3A_1499 = %scan3A_407) -> (vector<16xf32>)  : i32 {
      %get3A_1500 = arith.constant 4 : i32
      %get3A_1501 = arith.index_cast %get3A_1500 : i32 to index
      %get3A_1502 = arith.index_cast %scan3A_1498 : i32 to index
      %get3A_1503 = arith.constant 0 : index
      %get3A_1504 = tpu.vector_load %arg11[%get3A_1501, %get3A_1502, %get3A_1503] {strides = array<i32>} : memref<8x128x16xf32, #tpu.memory_space<vmem>>, vector<16xf32>,
      %get3A_1505 = arith.constant 4 : i32
      %get3A_1506 = arith.index_cast %get3A_1505 : i32 to index
      %get3A_1507 = arith.index_cast %scan3A_1498 : i32 to index
      %get3A_1508 = arith.constant 0 : index
      %get3A_1509 = tpu.vector_load %arg12[%get3A_1506, %get3A_1507, %get3A_1508] {strides = array<i32>} : memref<8x128x16xf32, #tpu.memory_space<vmem>>, vector<16xf32>,
      %mul3A_1510 = arith.mulf %get3A_1504, %get3A_1509 : vector<16xf32>
      %add3A_1511 = arith.addf %scan3A_1499, %mul3A_1510 : vector<16xf32>
      scf.yield %add3A_1511 : vector<16xf32>
    }
    %scan3A_414 = arith.constant 128 : i32
    %scan3A_415 = arith.constant 0 : i32
    %scan3A_416 = arith.constant 128 : i32
    %scan3A_417 = arith.addi %scan3A_415, %scan3A_416 : i32
    %scan3A_418 = arith.constant 1 : i32
    %scan3A_419 = scf.for %scan3A_1498 = %scan3A_415 to %scan3A_417 step %scan3A_418 iter_args(%scan3A_1499 = %scan3A_413) -> (vector<16xf32>)  : i32 {
      %get3A_1500 = arith.constant 5 : i32
      %get3A_1501 = arith.index_cast %get3A_1500 : i32 to index
      %get3A_1502 = arith.index_cast %scan3A_1498 : i32 to index
      %get3A_1503 = arith.constant 0 : index
      %get3A_1504 = tpu.vector_load %arg11[%get3A_1501, %get3A_1502, %get3A_1503] {strides = array<i32>} : memref<8x128x16xf32, #tpu.memory_space<vmem>>, vector<16xf32>,
      %get3A_1505 = arith.constant 5 : i32
      %get3A_1506 = arith.index_cast %get3A_1505 : i32 to index
      %get3A_1507 = arith.index_cast %scan3A_1498 : i32 to index
      %get3A_1508 = arith.constant 0 : index
      %get3A_1509 = tpu.vector_load %arg12[%get3A_1506, %get3A_1507, %get3A_1508] {strides = array<i32>} : memref<8x128x16xf32, #tpu.memory_space<vmem>>, vector<16xf32>,
      %mul3A_1510 = arith.mulf %get3A_1504, %get3A_1509 : vector<16xf32>
      %add3A_1511 = arith.addf %scan3A_1499, %mul3A_1510 : vector<16xf32>
      scf.yield %add3A_1511 : vector<16xf32>
    }
    %scan3A_420 = arith.constant 128 : i32
    %scan3A_421 = arith.constant 0 : i32
    %scan3A_422 = arith.constant 128 : i32
    %scan3A_423 = arith.addi %scan3A_421, %scan3A_422 : i32
    %scan3A_424 = arith.constant 1 : i32
    %scan3A_425 = scf.for %scan3A_1498 = %scan3A_421 to %scan3A_423 step %scan3A_424 iter_args(%scan3A_1499 = %scan3A_419) -> (vector<16xf32>)  : i32 {
      %get3A_1500 = arith.constant 6 : i32
      %get3A_1501 = arith.index_cast %get3A_1500 : i32 to index
      %get3A_1502 = arith.index_cast %scan3A_1498 : i32 to index
      %get3A_1503 = arith.constant 0 : index
      %get3A_1504 = tpu.vector_load %arg11[%get3A_1501, %get3A_1502, %get3A_1503] {strides = array<i32>} : memref<8x128x16xf32, #tpu.memory_space<vmem>>, vector<16xf32>,
      %get3A_1505 = arith.constant 6 : i32
      %get3A_1506 = arith.index_cast %get3A_1505 : i32 to index
      %get3A_1507 = arith.index_cast %scan3A_1498 : i32 to index
      %get3A_1508 = arith.constant 0 : index
      %get3A_1509 = tpu.vector_load %arg12[%get3A_1506, %get3A_1507, %get3A_1508] {strides = array<i32>} : memref<8x128x16xf32, #tpu.memory_space<vmem>>, vector<16xf32>,
      %mul3A_1510 = arith.mulf %get3A_1504, %get3A_1509 : vector<16xf32>
      %add3A_1511 = arith.addf %scan3A_1499, %mul3A_1510 : vector<16xf32>
      scf.yield %add3A_1511 : vector<16xf32>
    }
    %scan3A_426 = arith.constant 128 : i32
    %scan3A_427 = arith.constant 0 : i32
    %scan3A_428 = arith.constant 128 : i32
    %scan3A_429 = arith.addi %scan3A_427, %scan3A_428 : i32
    %scan3A_430 = arith.constant 1 : i32
    %scan3A_431 = scf.for %scan3A_1498 = %scan3A_427 to %scan3A_429 step %scan3A_430 iter_args(%scan3A_1499 = %scan3A_425) -> (vector<16xf32>)  : i32 {
      %get3A_1500 = arith.constant 7 : i32
      %get3A_1501 = arith.index_cast %get3A_1500 : i32 to index
      %get3A_1502 = arith.index_cast %scan3A_1498 : i32 to index
      %get3A_1503 = arith.constant 0 : index
      %get3A_1504 = tpu.vector_load %arg11[%get3A_1501, %get3A_1502, %get3A_1503] {strides = array<i32>} : memref<8x128x16xf32, #tpu.memory_space<vmem>>, vector<16xf32>,
      %get3A_1505 = arith.constant 7 : i32
      %get3A_1506 = arith.index_cast %get3A_1505 : i32 to index
      %get3A_1507 = arith.index_cast %scan3A_1498 : i32 to index
      %get3A_1508 = arith.constant 0 : index
      %get3A_1509 = tpu.vector_load %arg12[%get3A_1506, %get3A_1507, %get3A_1508] {strides = array<i32>} : memref<8x128x16xf32, #tpu.memory_space<vmem>>, vector<16xf32>,
      %mul3A_1510 = arith.mulf %get3A_1504, %get3A_1509 : vector<16xf32>
      %add3A_1511 = arith.addf %scan3A_1499, %mul3A_1510 : vector<16xf32>
      scf.yield %add3A_1511 : vector<16xf32>
    }
    %scan3A_432 = arith.constant 128 : i32
    %swap3A = arith.constant 0 : index
    %swap3A_433 = tpu.vector_load %arg13[%swap3A] {strides = array<i32>} : memref<16xf32, #tpu.memory_space<vmem>>, vector<16xf32>,
    tpu.vector_store %arg13[%swap3A], %scan3A_431 {strides = array<i32>} : memref<16xf32, #tpu.memory_space<vmem>>, vector<16xf32>,
    "tpu.region"() ({
      %run_scoped3A = tpu.sem_alloc : memref<!tpu.dma_semaphore, #tpu.memory_space<semaphore_mem>>
      %dma_start3A_1498 = arith.constant 0 : i32
      %dma_start3A_1499 = tpu.memref_slice %arg14[%arg1, %dma_start3A_1498] : memref<16x16xf32, #tpu.memory_space<vmem_shared>> -> memref<1x16xf32, #tpu.memory_space<vmem_shared>>
      %dma_start3A_1500 = tpu.memref_squeeze %dma_start3A_1499 : memref<1x16xf32, #tpu.memory_space<vmem_shared>> -> memref<16xf32, #tpu.memory_space<vmem_shared>>
      %dma_start3A_1501 = arith.constant 0 : i32
      %dma_start3A_1502 = tpu.memref_slice %arg14[%arg1, %dma_start3A_1501] : memref<16x16xf32, #tpu.memory_space<vmem_shared>> -> memref<1x16xf32, #tpu.memory_space<vmem_shared>>
      %dma_start3A_1503 = tpu.memref_squeeze %dma_start3A_1502 : memref<1x16xf32, #tpu.memory_space<vmem_shared>> -> memref<16xf32, #tpu.memory_space<vmem_shared>>
      tpu.enqueue_dma source(%arg13 : memref<16xf32, #tpu.memory_space<vmem>>) target(%dma_start3A_1503 : memref<16xf32, #tpu.memory_space<vmem_shared>>) target_semaphore(%run_scoped3A : memref<!tpu.dma_semaphore, #tpu.memory_space<semaphore_mem>>)
      %dma_wait3A_1504 = arith.constant 0 : i32
      %dma_wait3A_1505 = tpu.memref_slice %arg14[%arg1, %dma_wait3A_1504] : memref<16x16xf32, #tpu.memory_space<vmem_shared>> -> memref<1x16xf32, #tpu.memory_space<vmem_shared>>
      %dma_wait3A_1506 = tpu.memref_squeeze %dma_wait3A_1505 : memref<1x16xf32, #tpu.memory_space<vmem_shared>> -> memref<16xf32, #tpu.memory_space<vmem_shared>>
      %dma_wait3A_1507 = arith.constant 0 : i32
      %dma_wait3A_1508 = tpu.memref_slice %arg14[%arg1, %dma_wait3A_1507] : memref<16x16xf32, #tpu.memory_space<vmem_shared>> -> memref<1x16xf32, #tpu.memory_space<vmem_shared>>
      %dma_wait3A_1509 = tpu.memref_squeeze %dma_wait3A_1508 : memref<1x16xf32, #tpu.memory_space<vmem_shared>> -> memref<16xf32, #tpu.memory_space<vmem_shared>>
      tpu.wait_dma2 semaphore(%run_scoped3A : memref<!tpu.dma_semaphore, #tpu.memory_space<semaphore_mem>>) src(%arg13 : memref<16xf32, #tpu.memory_space<vmem>>) dst(%dma_wait3A_1509 : memref<16xf32, #tpu.memory_space<vmem_shared>>)
      tpu.yield
    }) : () -> ()
    %barrier3A = arith.constant 0 : index
    tpu.barrier barrier_id(%barrier3A)
    "tpu.region"() ({
      %run_scoped3A = tpu.sem_alloc : memref<!tpu.dma_semaphore, #tpu.memory_space<semaphore_mem>>
      tpu.enqueue_dma source(%arg14 : memref<16x16xf32, #tpu.memory_space<vmem_shared>>) target(%arg15 : memref<16x16xf32, #tpu.memory_space<vmem>>) target_semaphore(%run_scoped3A : memref<!tpu.dma_semaphore, #tpu.memory_space<semaphore_mem>>)
      tpu.wait_dma2 semaphore(%run_scoped3A : memref<!tpu.dma_semaphore, #tpu.memory_space<semaphore_mem>>) src(%arg14 : memref<16x16xf32, #tpu.memory_space<vmem_shared>>) dst(%arg15 : memref<16x16xf32, #tpu.memory_space<vmem>>)
      tpu.yield
    }) : () -> ()
    %broadcast_in_dim3A_434 = arith.constant 0.000000e+00 : f32
    %broadcast_in_dim3A_435 = vector.broadcast %broadcast_in_dim3A_434 : f32 to vector<16xf32>
    %get3A = arith.constant 0 : i32
    %get3A_436 = arith.index_cast %get3A : i32 to index
    %get3A_437 = arith.constant 0 : index
    %get3A_438 = tpu.vector_load %arg15[%get3A_436, %get3A_437] {strides = array<i32>} : memref<16x16xf32, #tpu.memory_space<vmem>>, vector<16xf32>,
    %add3A = arith.addf %broadcast_in_dim3A_435, %get3A_438 : vector<16xf32>
    %get3A_439 = arith.constant 1 : i32
    %get3A_440 = arith.index_cast %get3A_439 : i32 to index
    %get3A_441 = arith.constant 0 : index
    %get3A_442 = tpu.vector_load %arg15[%get3A_440, %get3A_441] {strides = array<i32>} : memref<16x16xf32, #tpu.memory_space<vmem>>, vector<16xf32>,
    %add3A_443 = arith.addf %add3A, %get3A_442 : vector<16xf32>
    %get3A_444 = arith.constant 2 : i32
    %get3A_445 = arith.index_cast %get3A_444 : i32 to index
    %get3A_446 = arith.constant 0 : index
    %get3A_447 = tpu.vector_load %arg15[%get3A_445, %get3A_446] {strides = array<i32>} : memref<16x16xf32, #tpu.memory_space<vmem>>, vector<16xf32>,
    %add3A_448 = arith.addf %add3A_443, %get3A_447 : vector<16xf32>
    %get3A_449 = arith.constant 3 : i32
    %get3A_450 = arith.index_cast %get3A_449 : i32 to index
    %get3A_451 = arith.constant 0 : index
    %get3A_452 = tpu.vector_load %arg15[%get3A_450, %get3A_451] {strides = array<i32>} : memref<16x16xf32, #tpu.memory_space<vmem>>, vector<16xf32>,
    %add3A_453 = arith.addf %add3A_448, %get3A_452 : vector<16xf32>
    %get3A_454 = arith.constant 4 : i32
    %get3A_455 = arith.index_cast %get3A_454 : i32 to index
    %get3A_456 = arith.constant 0 : index
    %get3A_457 = tpu.vector_load %arg15[%get3A_455, %get3A_456] {strides = array<i32>} : memref<16x16xf32, #tpu.memory_space<vmem>>, vector<16xf32>,
    %add3A_458 = arith.addf %add3A_453, %get3A_457 : vector<16xf32>
    %get3A_459 = arith.constant 5 : i32
    %get3A_460 = arith.index_cast %get3A_459 : i32 to index
    %get3A_461 = arith.constant 0 : index
    %get3A_462 = tpu.vector_load %arg15[%get3A_460, %get3A_461] {strides = array<i32>} : memref<16x16xf32, #tpu.memory_space<vmem>>, vector<16xf32>,
    %add3A_463 = arith.addf %add3A_458, %get3A_462 : vector<16xf32>
    %get3A_464 = arith.constant 6 : i32
    %get3A_465 = arith.index_cast %get3A_464 : i32 to index
    %get3A_466 = arith.constant 0 : index
    %get3A_467 = tpu.vector_load %arg15[%get3A_465, %get3A_466] {strides = array<i32>} : memref<16x16xf32, #tpu.memory_space<vmem>>, vector<16xf32>,
    %add3A_468 = arith.addf %add3A_463, %get3A_467 : vector<16xf32>
    %get3A_469 = arith.constant 7 : i32
    %get3A_470 = arith.index_cast %get3A_469 : i32 to index
    %get3A_471 = arith.constant 0 : index
    %get3A_472 = tpu.vector_load %arg15[%get3A_470, %get3A_471] {strides = array<i32>} : memref<16x16xf32, #tpu.memory_space<vmem>>, vector<16xf32>,
    %add3A_473 = arith.addf %add3A_468, %get3A_472 : vector<16xf32>
    %get3A_474 = arith.constant 8 : i32
    %get3A_475 = arith.index_cast %get3A_474 : i32 to index
    %get3A_476 = arith.constant 0 : index
    %get3A_477 = tpu.vector_load %arg15[%get3A_475, %get3A_476] {strides = array<i32>} : memref<16x16xf32, #tpu.memory_space<vmem>>, vector<16xf32>,
    %add3A_478 = arith.addf %add3A_473, %get3A_477 : vector<16xf32>
    %get3A_479 = arith.constant 9 : i32
    %get3A_480 = arith.index_cast %get3A_479 : i32 to index
    %get3A_481 = arith.constant 0 : index
    %get3A_482 = tpu.vector_load %arg15[%get3A_480, %get3A_481] {strides = array<i32>} : memref<16x16xf32, #tpu.memory_space<vmem>>, vector<16xf32>,
    %add3A_483 = arith.addf %add3A_478, %get3A_482 : vector<16xf32>
    %get3A_484 = arith.constant 10 : i32
    %get3A_485 = arith.index_cast %get3A_484 : i32 to index
    %get3A_486 = arith.constant 0 : index
    %get3A_487 = tpu.vector_load %arg15[%get3A_485, %get3A_486] {strides = array<i32>} : memref<16x16xf32, #tpu.memory_space<vmem>>, vector<16xf32>,
    %add3A_488 = arith.addf %add3A_483, %get3A_487 : vector<16xf32>
    %get3A_489 = arith.constant 11 : i32
    %get3A_490 = arith.index_cast %get3A_489 : i32 to index
    %get3A_491 = arith.constant 0 : index
    %get3A_492 = tpu.vector_load %arg15[%get3A_490, %get3A_491] {strides = array<i32>} : memref<16x16xf32, #tpu.memory_space<vmem>>, vector<16xf32>,
    %add3A_493 = arith.addf %add3A_488, %get3A_492 : vector<16xf32>
    %get3A_494 = arith.constant 12 : i32
    %get3A_495 = arith.index_cast %get3A_494 : i32 to index
    %get3A_496 = arith.constant 0 : index
    %get3A_497 = tpu.vector_load %arg15[%get3A_495, %get3A_496] {strides = array<i32>} : memref<16x16xf32, #tpu.memory_space<vmem>>, vector<16xf32>,
    %add3A_498 = arith.addf %add3A_493, %get3A_497 : vector<16xf32>
    %get3A_499 = arith.constant 13 : i32
    %get3A_500 = arith.index_cast %get3A_499 : i32 to index
    %get3A_501 = arith.constant 0 : index
    %get3A_502 = tpu.vector_load %arg15[%get3A_500, %get3A_501] {strides = array<i32>} : memref<16x16xf32, #tpu.memory_space<vmem>>, vector<16xf32>,
    %add3A_503 = arith.addf %add3A_498, %get3A_502 : vector<16xf32>
    %get3A_504 = arith.constant 14 : i32
    %get3A_505 = arith.index_cast %get3A_504 : i32 to index
    %get3A_506 = arith.constant 0 : index
    %get3A_507 = tpu.vector_load %arg15[%get3A_505, %get3A_506] {strides = array<i32>} : memref<16x16xf32, #tpu.memory_space<vmem>>, vector<16xf32>,
    %add3A_508 = arith.addf %add3A_503, %get3A_507 : vector<16xf32>
    %get3A_509 = arith.constant 15 : i32
    %get3A_510 = arith.index_cast %get3A_509 : i32 to index
    %get3A_511 = arith.constant 0 : index
    %get3A_512 = tpu.vector_load %arg15[%get3A_510, %get3A_511] {strides = array<i32>} : memref<16x16xf32, #tpu.memory_space<vmem>>, vector<16xf32>,
    %add3A_513 = arith.addf %add3A_508, %get3A_512 : vector<16xf32>
    %iota3A = tpu.iota {dimensions = array<i32: 0>} : vector<16xi32>
    %swap3A_514 = arith.constant 0 : index
    %swap3A_515 = tpu.vector_load %arg13[%swap3A_514] {strides = array<i32>} : memref<16xf32, #tpu.memory_space<vmem>>, vector<16xf32>,
    tpu.vector_store %arg13[%swap3A_514], %add3A_513 {strides = array<i32>} : memref<16xf32, #tpu.memory_space<vmem>>, vector<16xf32>,
    %add3A_516 = arith.constant 8 : i32
    %add3A_517 = vector.broadcast %add3A_516 : i32 to vector<16xi32>
    %add3A_518 = arith.addi %iota3A, %add3A_517 : vector<16xi32>
    %and3A = arith.constant 15 : i32
    %and3A_519 = vector.broadcast %and3A : i32 to vector<16xi32>
    %and3A_520 = arith.andi %add3A_518, %and3A_519 : vector<16xi32>
    %gather3A = tpu.vector_load_idx %arg13[%and3A_520] : memref<16xf32, #tpu.memory_space<vmem>>[vector<16xi32>], vector<16xf32>,
    %add3A_521 = arith.addf %add3A_513, %gather3A : vector<16xf32>
    %swap3A_522 = arith.constant 0 : index
    %swap3A_523 = tpu.vector_load %arg13[%swap3A_522] {strides = array<i32>} : memref<16xf32, #tpu.memory_space<vmem>>, vector<16xf32>,
    tpu.vector_store %arg13[%swap3A_522], %add3A_521 {strides = array<i32>} : memref<16xf32, #tpu.memory_space<vmem>>, vector<16xf32>,
    %add3A_524 = arith.constant 4 : i32
    %add3A_525 = vector.broadcast %add3A_524 : i32 to vector<16xi32>
    %add3A_526 = arith.addi %iota3A, %add3A_525 : vector<16xi32>
    %and3A_527 = arith.constant 15 : i32
    %and3A_528 = vector.broadcast %and3A_527 : i32 to vector<16xi32>
    %and3A_529 = arith.andi %add3A_526, %and3A_528 : vector<16xi32>
    %gather3A_530 = tpu.vector_load_idx %arg13[%and3A_529] : memref<16xf32, #tpu.memory_space<vmem>>[vector<16xi32>], vector<16xf32>,
    %add3A_531 = arith.addf %add3A_521, %gather3A_530 : vector<16xf32>
    %swap3A_532 = arith.constant 0 : index
    %swap3A_533 = tpu.vector_load %arg13[%swap3A_532] {strides = array<i32>} : memref<16xf32, #tpu.memory_space<vmem>>, vector<16xf32>,
    tpu.vector_store %arg13[%swap3A_532], %add3A_531 {strides = array<i32>} : memref<16xf32, #tpu.memory_space<vmem>>, vector<16xf32>,
    %add3A_534 = arith.constant 2 : i32
    %add3A_535 = vector.broadcast %add3A_534 : i32 to vector<16xi32>
    %add3A_536 = arith.addi %iota3A, %add3A_535 : vector<16xi32>
    %and3A_537 = arith.constant 15 : i32
    %and3A_538 = vector.broadcast %and3A_537 : i32 to vector<16xi32>
    %and3A_539 = arith.andi %add3A_536, %and3A_538 : vector<16xi32>
    %gather3A_540 = tpu.vector_load_idx %arg13[%and3A_539] : memref<16xf32, #tpu.memory_space<vmem>>[vector<16xi32>], vector<16xf32>,
    %add3A_541 = arith.addf %add3A_531, %gather3A_540 : vector<16xf32>
    %swap3A_542 = arith.constant 0 : index
    %swap3A_543 = tpu.vector_load %arg13[%swap3A_542] {strides = array<i32>} : memref<16xf32, #tpu.memory_space<vmem>>, vector<16xf32>,
    tpu.vector_store %arg13[%swap3A_542], %add3A_541 {strides = array<i32>} : memref<16xf32, #tpu.memory_space<vmem>>, vector<16xf32>,
    %add3A_544 = arith.constant 1 : i32
    %add3A_545 = vector.broadcast %add3A_544 : i32 to vector<16xi32>
    %add3A_546 = arith.addi %iota3A, %add3A_545 : vector<16xi32>
    %and3A_547 = arith.constant 15 : i32
    %and3A_548 = vector.broadcast %and3A_547 : i32 to vector<16xi32>
    %and3A_549 = arith.andi %add3A_546, %and3A_548 : vector<16xi32>
    %gather3A_550 = tpu.vector_load_idx %arg13[%and3A_549] : memref<16xf32, #tpu.memory_space<vmem>>[vector<16xi32>], vector<16xf32>,
    %add3A_551 = arith.addf %add3A_541, %gather3A_550 : vector<16xf32>
    %mul3A_552 = arith.constant 4 : i32
    %mul3A_553 = arith.muli %arg0, %mul3A_552 : i32
    %add3A_554 = arith.constant 0 : i32
    %add3A_555 = arith.addi %mul3A_553, %add3A_554 : i32
    %dma_start3A_556 = arith.constant 0 : i32
    %dma_start3A_557 = arith.constant 0 : i32
    %dma_start3A_558 = tpu.memref_slice %arg16[%dma_start3A_556, %dma_start3A_557] : memref<4x128xf32, #tpu.memory_space<vmem>> -> memref<1x128xf32, #tpu.memory_space<vmem>>
    %dma_start3A_559 = tpu.memref_squeeze %dma_start3A_558 : memref<1x128xf32, #tpu.memory_space<vmem>> -> memref<128xf32, #tpu.memory_space<vmem>>
    %dma_start3A_560 = arith.constant 0 : i32
    %dma_start3A_561 = tpu.memref_slice %arg9[%add3A_555, %dma_start3A_560] : memref<8x128xi32, #tpu.memory_space<vmem>> -> memref<1x128xi32, #tpu.memory_space<vmem>>
    %dma_start3A_562 = tpu.memref_squeeze %dma_start3A_561 : memref<1x128xi32, #tpu.memory_space<vmem>> -> memref<128xi32, #tpu.memory_space<vmem>>
    %dma_start3A_563 = arith.constant 0 : i32
    %dma_start3A_564 = tpu.memref_slice %arg3[%dma_start3A_563] : memref<1000000xf32, #tpu.memory_space<hbm>> -> memref<1000000xf32, #tpu.memory_space<hbm>>
    tpu.enqueue_indirect_dma source(%dma_start3A_564 : memref<1000000xf32, #tpu.memory_space<hbm>>) target(%dma_start3A_559 : memref<128xf32, #tpu.memory_space<vmem>>) offsets(%dma_start3A_562 : memref<128xi32, #tpu.memory_space<vmem>>) semaphore(%arg19 : memref<!tpu.dma_semaphore, #tpu.memory_space<semaphore_mem>>)
    %mul3A_565 = arith.constant 4 : i32
    %mul3A_566 = arith.muli %arg0, %mul3A_565 : i32
    %add3A_567 = arith.constant 0 : i32
    %add3A_568 = arith.addi %mul3A_566, %add3A_567 : i32
    %dma_start3A_569 = arith.constant 0 : i32
    %dma_start3A_570 = arith.constant 0 : i32
    %dma_start3A_571 = tpu.memref_slice %arg17[%dma_start3A_569, %dma_start3A_570] : memref<4x128xf32, #tpu.memory_space<vmem>> -> memref<1x128xf32, #tpu.memory_space<vmem>>
    %dma_start3A_572 = tpu.memref_squeeze %dma_start3A_571 : memref<1x128xf32, #tpu.memory_space<vmem>> -> memref<128xf32, #tpu.memory_space<vmem>>
    %dma_start3A_573 = arith.constant 0 : i32
    %dma_start3A_574 = tpu.memref_slice %arg10[%add3A_568, %dma_start3A_573] : memref<8x128xi32, #tpu.memory_space<vmem>> -> memref<1x128xi32, #tpu.memory_space<vmem>>
    %dma_start3A_575 = tpu.memref_squeeze %dma_start3A_574 : memref<1x128xi32, #tpu.memory_space<vmem>> -> memref<128xi32, #tpu.memory_space<vmem>>
    %dma_start3A_576 = arith.constant 0 : i32
    %dma_start3A_577 = tpu.memref_slice %arg5[%dma_start3A_576] : memref<1000000xf32, #tpu.memory_space<hbm>> -> memref<1000000xf32, #tpu.memory_space<hbm>>
    tpu.enqueue_indirect_dma source(%dma_start3A_577 : memref<1000000xf32, #tpu.memory_space<hbm>>) target(%dma_start3A_572 : memref<128xf32, #tpu.memory_space<vmem>>) offsets(%dma_start3A_575 : memref<128xi32, #tpu.memory_space<vmem>>) semaphore(%arg19 : memref<!tpu.dma_semaphore, #tpu.memory_space<semaphore_mem>>)
    %mul3A_578 = arith.constant 4 : i32
    %mul3A_579 = arith.muli %arg0, %mul3A_578 : i32
    %add3A_580 = arith.constant 1 : i32
    %add3A_581 = arith.addi %mul3A_579, %add3A_580 : i32
    %dma_start3A_582 = arith.constant 1 : i32
    %dma_start3A_583 = arith.constant 0 : i32
    %dma_start3A_584 = tpu.memref_slice %arg16[%dma_start3A_582, %dma_start3A_583] : memref<4x128xf32, #tpu.memory_space<vmem>> -> memref<1x128xf32, #tpu.memory_space<vmem>>
    %dma_start3A_585 = tpu.memref_squeeze %dma_start3A_584 : memref<1x128xf32, #tpu.memory_space<vmem>> -> memref<128xf32, #tpu.memory_space<vmem>>
    %dma_start3A_586 = arith.constant 0 : i32
    %dma_start3A_587 = tpu.memref_slice %arg9[%add3A_581, %dma_start3A_586] : memref<8x128xi32, #tpu.memory_space<vmem>> -> memref<1x128xi32, #tpu.memory_space<vmem>>
    %dma_start3A_588 = tpu.memref_squeeze %dma_start3A_587 : memref<1x128xi32, #tpu.memory_space<vmem>> -> memref<128xi32, #tpu.memory_space<vmem>>
    %dma_start3A_589 = arith.constant 0 : i32
    %dma_start3A_590 = tpu.memref_slice %arg3[%dma_start3A_589] : memref<1000000xf32, #tpu.memory_space<hbm>> -> memref<1000000xf32, #tpu.memory_space<hbm>>
    tpu.enqueue_indirect_dma source(%dma_start3A_590 : memref<1000000xf32, #tpu.memory_space<hbm>>) target(%dma_start3A_585 : memref<128xf32, #tpu.memory_space<vmem>>) offsets(%dma_start3A_588 : memref<128xi32, #tpu.memory_space<vmem>>) semaphore(%arg19 : memref<!tpu.dma_semaphore, #tpu.memory_space<semaphore_mem>>)
    %mul3A_591 = arith.constant 4 : i32
    %mul3A_592 = arith.muli %arg0, %mul3A_591 : i32
    %add3A_593 = arith.constant 1 : i32
    %add3A_594 = arith.addi %mul3A_592, %add3A_593 : i32
    %dma_start3A_595 = arith.constant 1 : i32
    %dma_start3A_596 = arith.constant 0 : i32
    %dma_start3A_597 = tpu.memref_slice %arg17[%dma_start3A_595, %dma_start3A_596] : memref<4x128xf32, #tpu.memory_space<vmem>> -> memref<1x128xf32, #tpu.memory_space<vmem>>
    %dma_start3A_598 = tpu.memref_squeeze %dma_start3A_597 : memref<1x128xf32, #tpu.memory_space<vmem>> -> memref<128xf32, #tpu.memory_space<vmem>>
    %dma_start3A_599 = arith.constant 0 : i32
    %dma_start3A_600 = tpu.memref_slice %arg10[%add3A_594, %dma_start3A_599] : memref<8x128xi32, #tpu.memory_space<vmem>> -> memref<1x128xi32, #tpu.memory_space<vmem>>
    %dma_start3A_601 = tpu.memref_squeeze %dma_start3A_600 : memref<1x128xi32, #tpu.memory_space<vmem>> -> memref<128xi32, #tpu.memory_space<vmem>>
    %dma_start3A_602 = arith.constant 0 : i32
    %dma_start3A_603 = tpu.memref_slice %arg5[%dma_start3A_602] : memref<1000000xf32, #tpu.memory_space<hbm>> -> memref<1000000xf32, #tpu.memory_space<hbm>>
    tpu.enqueue_indirect_dma source(%dma_start3A_603 : memref<1000000xf32, #tpu.memory_space<hbm>>) target(%dma_start3A_598 : memref<128xf32, #tpu.memory_space<vmem>>) offsets(%dma_start3A_601 : memref<128xi32, #tpu.memory_space<vmem>>) semaphore(%arg19 : memref<!tpu.dma_semaphore, #tpu.memory_space<semaphore_mem>>)
    %mul3A_604 = arith.constant 4 : i32
    %mul3A_605 = arith.muli %arg0, %mul3A_604 : i32
    %add3A_606 = arith.constant 2 : i32
    %add3A_607 = arith.addi %mul3A_605, %add3A_606 : i32
    %dma_start3A_608 = arith.constant 2 : i32
    %dma_start3A_609 = arith.constant 0 : i32
    %dma_start3A_610 = tpu.memref_slice %arg16[%dma_start3A_608, %dma_start3A_609] : memref<4x128xf32, #tpu.memory_space<vmem>> -> memref<1x128xf32, #tpu.memory_space<vmem>>
    %dma_start3A_611 = tpu.memref_squeeze %dma_start3A_610 : memref<1x128xf32, #tpu.memory_space<vmem>> -> memref<128xf32, #tpu.memory_space<vmem>>
    %dma_start3A_612 = arith.constant 0 : i32
    %dma_start3A_613 = tpu.memref_slice %arg9[%add3A_607, %dma_start3A_612] : memref<8x128xi32, #tpu.memory_space<vmem>> -> memref<1x128xi32, #tpu.memory_space<vmem>>
    %dma_start3A_614 = tpu.memref_squeeze %dma_start3A_613 : memref<1x128xi32, #tpu.memory_space<vmem>> -> memref<128xi32, #tpu.memory_space<vmem>>
    %dma_start3A_615 = arith.constant 0 : i32
    %dma_start3A_616 = tpu.memref_slice %arg3[%dma_start3A_615] : memref<1000000xf32, #tpu.memory_space<hbm>> -> memref<1000000xf32, #tpu.memory_space<hbm>>
    tpu.enqueue_indirect_dma source(%dma_start3A_616 : memref<1000000xf32, #tpu.memory_space<hbm>>) target(%dma_start3A_611 : memref<128xf32, #tpu.memory_space<vmem>>) offsets(%dma_start3A_614 : memref<128xi32, #tpu.memory_space<vmem>>) semaphore(%arg19 : memref<!tpu.dma_semaphore, #tpu.memory_space<semaphore_mem>>)
    %mul3A_617 = arith.constant 4 : i32
    %mul3A_618 = arith.muli %arg0, %mul3A_617 : i32
    %add3A_619 = arith.constant 2 : i32
    %add3A_620 = arith.addi %mul3A_618, %add3A_619 : i32
    %dma_start3A_621 = arith.constant 2 : i32
    %dma_start3A_622 = arith.constant 0 : i32
    %dma_start3A_623 = tpu.memref_slice %arg17[%dma_start3A_621, %dma_start3A_622] : memref<4x128xf32, #tpu.memory_space<vmem>> -> memref<1x128xf32, #tpu.memory_space<vmem>>
    %dma_start3A_624 = tpu.memref_squeeze %dma_start3A_623 : memref<1x128xf32, #tpu.memory_space<vmem>> -> memref<128xf32, #tpu.memory_space<vmem>>
    %dma_start3A_625 = arith.constant 0 : i32
    %dma_start3A_626 = tpu.memref_slice %arg10[%add3A_620, %dma_start3A_625] : memref<8x128xi32, #tpu.memory_space<vmem>> -> memref<1x128xi32, #tpu.memory_space<vmem>>
    %dma_start3A_627 = tpu.memref_squeeze %dma_start3A_626 : memref<1x128xi32, #tpu.memory_space<vmem>> -> memref<128xi32, #tpu.memory_space<vmem>>
    %dma_start3A_628 = arith.constant 0 : i32
    %dma_start3A_629 = tpu.memref_slice %arg5[%dma_start3A_628] : memref<1000000xf32, #tpu.memory_space<hbm>> -> memref<1000000xf32, #tpu.memory_space<hbm>>
    tpu.enqueue_indirect_dma source(%dma_start3A_629 : memref<1000000xf32, #tpu.memory_space<hbm>>) target(%dma_start3A_624 : memref<128xf32, #tpu.memory_space<vmem>>) offsets(%dma_start3A_627 : memref<128xi32, #tpu.memory_space<vmem>>) semaphore(%arg19 : memref<!tpu.dma_semaphore, #tpu.memory_space<semaphore_mem>>)
    %mul3A_630 = arith.constant 4 : i32
    %mul3A_631 = arith.muli %arg0, %mul3A_630 : i32
    %add3A_632 = arith.constant 3 : i32
    %add3A_633 = arith.addi %mul3A_631, %add3A_632 : i32
    %dma_start3A_634 = arith.constant 3 : i32
    %dma_start3A_635 = arith.constant 0 : i32
    %dma_start3A_636 = tpu.memref_slice %arg16[%dma_start3A_634, %dma_start3A_635] : memref<4x128xf32, #tpu.memory_space<vmem>> -> memref<1x128xf32, #tpu.memory_space<vmem>>
    %dma_start3A_637 = tpu.memref_squeeze %dma_start3A_636 : memref<1x128xf32, #tpu.memory_space<vmem>> -> memref<128xf32, #tpu.memory_space<vmem>>
    %dma_start3A_638 = arith.constant 0 : i32
    %dma_start3A_639 = tpu.memref_slice %arg9[%add3A_633, %dma_start3A_638] : memref<8x128xi32, #tpu.memory_space<vmem>> -> memref<1x128xi32, #tpu.memory_space<vmem>>
    %dma_start3A_640 = tpu.memref_squeeze %dma_start3A_639 : memref<1x128xi32, #tpu.memory_space<vmem>> -> memref<128xi32, #tpu.memory_space<vmem>>
    %dma_start3A_641 = arith.constant 0 : i32
    %dma_start3A_642 = tpu.memref_slice %arg3[%dma_start3A_641] : memref<1000000xf32, #tpu.memory_space<hbm>> -> memref<1000000xf32, #tpu.memory_space<hbm>>
    tpu.enqueue_indirect_dma source(%dma_start3A_642 : memref<1000000xf32, #tpu.memory_space<hbm>>) target(%dma_start3A_637 : memref<128xf32, #tpu.memory_space<vmem>>) offsets(%dma_start3A_640 : memref<128xi32, #tpu.memory_space<vmem>>) semaphore(%arg19 : memref<!tpu.dma_semaphore, #tpu.memory_space<semaphore_mem>>)
    %mul3A_643 = arith.constant 4 : i32
    %mul3A_644 = arith.muli %arg0, %mul3A_643 : i32
    %add3A_645 = arith.constant 3 : i32
    %add3A_646 = arith.addi %mul3A_644, %add3A_645 : i32
    %dma_start3A_647 = arith.constant 3 : i32
    %dma_start3A_648 = arith.constant 0 : i32
    %dma_start3A_649 = tpu.memref_slice %arg17[%dma_start3A_647, %dma_start3A_648] : memref<4x128xf32, #tpu.memory_space<vmem>> -> memref<1x128xf32, #tpu.memory_space<vmem>>
    %dma_start3A_650 = tpu.memref_squeeze %dma_start3A_649 : memref<1x128xf32, #tpu.memory_space<vmem>> -> memref<128xf32, #tpu.memory_space<vmem>>
    %dma_start3A_651 = arith.constant 0 : i32
    %dma_start3A_652 = tpu.memref_slice %arg10[%add3A_646, %dma_start3A_651] : memref<8x128xi32, #tpu.memory_space<vmem>> -> memref<1x128xi32, #tpu.memory_space<vmem>>
    %dma_start3A_653 = tpu.memref_squeeze %dma_start3A_652 : memref<1x128xi32, #tpu.memory_space<vmem>> -> memref<128xi32, #tpu.memory_space<vmem>>
    %dma_start3A_654 = arith.constant 0 : i32
    %dma_start3A_655 = tpu.memref_slice %arg5[%dma_start3A_654] : memref<1000000xf32, #tpu.memory_space<hbm>> -> memref<1000000xf32, #tpu.memory_space<hbm>>
    tpu.enqueue_indirect_dma source(%dma_start3A_655 : memref<1000000xf32, #tpu.memory_space<hbm>>) target(%dma_start3A_650 : memref<128xf32, #tpu.memory_space<vmem>>) offsets(%dma_start3A_653 : memref<128xi32, #tpu.memory_space<vmem>>) semaphore(%arg19 : memref<!tpu.dma_semaphore, #tpu.memory_space<semaphore_mem>>)
    %dma_wait3A_656 = arith.constant 0 : i32
    %dma_wait3A_657 = arith.constant 0 : i32
    %dma_wait3A_658 = tpu.memref_slice %arg16[%dma_wait3A_656, %dma_wait3A_657] : memref<4x128xf32, #tpu.memory_space<vmem>> -> memref<1x128xf32, #tpu.memory_space<vmem>>
    %dma_wait3A_659 = tpu.memref_squeeze %dma_wait3A_658 : memref<1x128xf32, #tpu.memory_space<vmem>> -> memref<128xf32, #tpu.memory_space<vmem>>
    %dma_wait3A_660 = arith.constant 0 : i32
    %dma_wait3A_661 = tpu.memref_slice %arg9[%add3A_555, %dma_wait3A_660] : memref<8x128xi32, #tpu.memory_space<vmem>> -> memref<1x128xi32, #tpu.memory_space<vmem>>
    %dma_wait3A_662 = tpu.memref_squeeze %dma_wait3A_661 : memref<1x128xi32, #tpu.memory_space<vmem>> -> memref<128xi32, #tpu.memory_space<vmem>>
    %dma_wait3A_663 = arith.constant 0 : i32
    %dma_wait3A_664 = tpu.memref_slice %arg3[%dma_wait3A_663] : memref<1000000xf32, #tpu.memory_space<hbm>> -> memref<1000000xf32, #tpu.memory_space<hbm>>
    tpu.wait_indirect_dma semaphore(%arg19 : memref<!tpu.dma_semaphore, #tpu.memory_space<semaphore_mem>>) src(%dma_wait3A_664 : memref<1000000xf32, #tpu.memory_space<hbm>>) dst(%dma_wait3A_659 : memref<128xf32, #tpu.memory_space<vmem>>)
    %dma_wait3A_665 = arith.constant 0 : i32
    %dma_wait3A_666 = arith.constant 0 : i32
    %dma_wait3A_667 = tpu.memref_slice %arg17[%dma_wait3A_665, %dma_wait3A_666] : memref<4x128xf32, #tpu.memory_space<vmem>> -> memref<1x128xf32, #tpu.memory_space<vmem>>
    %dma_wait3A_668 = tpu.memref_squeeze %dma_wait3A_667 : memref<1x128xf32, #tpu.memory_space<vmem>> -> memref<128xf32, #tpu.memory_space<vmem>>
    %dma_wait3A_669 = arith.constant 0 : i32
    %dma_wait3A_670 = tpu.memref_slice %arg10[%add3A_568, %dma_wait3A_669] : memref<8x128xi32, #tpu.memory_space<vmem>> -> memref<1x128xi32, #tpu.memory_space<vmem>>
    %dma_wait3A_671 = tpu.memref_squeeze %dma_wait3A_670 : memref<1x128xi32, #tpu.memory_space<vmem>> -> memref<128xi32, #tpu.memory_space<vmem>>
    %dma_wait3A_672 = arith.constant 0 : i32
    %dma_wait3A_673 = tpu.memref_slice %arg5[%dma_wait3A_672] : memref<1000000xf32, #tpu.memory_space<hbm>> -> memref<1000000xf32, #tpu.memory_space<hbm>>
    tpu.wait_indirect_dma semaphore(%arg19 : memref<!tpu.dma_semaphore, #tpu.memory_space<semaphore_mem>>) src(%dma_wait3A_673 : memref<1000000xf32, #tpu.memory_space<hbm>>) dst(%dma_wait3A_668 : memref<128xf32, #tpu.memory_space<vmem>>)
    %dma_wait3A_674 = arith.constant 1 : i32
    %dma_wait3A_675 = arith.constant 0 : i32
    %dma_wait3A_676 = tpu.memref_slice %arg16[%dma_wait3A_674, %dma_wait3A_675] : memref<4x128xf32, #tpu.memory_space<vmem>> -> memref<1x128xf32, #tpu.memory_space<vmem>>
    %dma_wait3A_677 = tpu.memref_squeeze %dma_wait3A_676 : memref<1x128xf32, #tpu.memory_space<vmem>> -> memref<128xf32, #tpu.memory_space<vmem>>
    %dma_wait3A_678 = arith.constant 0 : i32
    %dma_wait3A_679 = tpu.memref_slice %arg9[%add3A_581, %dma_wait3A_678] : memref<8x128xi32, #tpu.memory_space<vmem>> -> memref<1x128xi32, #tpu.memory_space<vmem>>
    %dma_wait3A_680 = tpu.memref_squeeze %dma_wait3A_679 : memref<1x128xi32, #tpu.memory_space<vmem>> -> memref<128xi32, #tpu.memory_space<vmem>>
    %dma_wait3A_681 = arith.constant 0 : i32
    %dma_wait3A_682 = tpu.memref_slice %arg3[%dma_wait3A_681] : memref<1000000xf32, #tpu.memory_space<hbm>> -> memref<1000000xf32, #tpu.memory_space<hbm>>
    tpu.wait_indirect_dma semaphore(%arg19 : memref<!tpu.dma_semaphore, #tpu.memory_space<semaphore_mem>>) src(%dma_wait3A_682 : memref<1000000xf32, #tpu.memory_space<hbm>>) dst(%dma_wait3A_677 : memref<128xf32, #tpu.memory_space<vmem>>)
    %dma_wait3A_683 = arith.constant 1 : i32
    %dma_wait3A_684 = arith.constant 0 : i32
    %dma_wait3A_685 = tpu.memref_slice %arg17[%dma_wait3A_683, %dma_wait3A_684] : memref<4x128xf32, #tpu.memory_space<vmem>> -> memref<1x128xf32, #tpu.memory_space<vmem>>
    %dma_wait3A_686 = tpu.memref_squeeze %dma_wait3A_685 : memref<1x128xf32, #tpu.memory_space<vmem>> -> memref<128xf32, #tpu.memory_space<vmem>>
    %dma_wait3A_687 = arith.constant 0 : i32
    %dma_wait3A_688 = tpu.memref_slice %arg10[%add3A_594, %dma_wait3A_687] : memref<8x128xi32, #tpu.memory_space<vmem>> -> memref<1x128xi32, #tpu.memory_space<vmem>>
    %dma_wait3A_689 = tpu.memref_squeeze %dma_wait3A_688 : memref<1x128xi32, #tpu.memory_space<vmem>> -> memref<128xi32, #tpu.memory_space<vmem>>
    %dma_wait3A_690 = arith.constant 0 : i32
    %dma_wait3A_691 = tpu.memref_slice %arg5[%dma_wait3A_690] : memref<1000000xf32, #tpu.memory_space<hbm>> -> memref<1000000xf32, #tpu.memory_space<hbm>>
    tpu.wait_indirect_dma semaphore(%arg19 : memref<!tpu.dma_semaphore, #tpu.memory_space<semaphore_mem>>) src(%dma_wait3A_691 : memref<1000000xf32, #tpu.memory_space<hbm>>) dst(%dma_wait3A_686 : memref<128xf32, #tpu.memory_space<vmem>>)
    %dma_wait3A_692 = arith.constant 2 : i32
    %dma_wait3A_693 = arith.constant 0 : i32
    %dma_wait3A_694 = tpu.memref_slice %arg16[%dma_wait3A_692, %dma_wait3A_693] : memref<4x128xf32, #tpu.memory_space<vmem>> -> memref<1x128xf32, #tpu.memory_space<vmem>>
    %dma_wait3A_695 = tpu.memref_squeeze %dma_wait3A_694 : memref<1x128xf32, #tpu.memory_space<vmem>> -> memref<128xf32, #tpu.memory_space<vmem>>
    %dma_wait3A_696 = arith.constant 0 : i32
    %dma_wait3A_697 = tpu.memref_slice %arg9[%add3A_607, %dma_wait3A_696] : memref<8x128xi32, #tpu.memory_space<vmem>> -> memref<1x128xi32, #tpu.memory_space<vmem>>
    %dma_wait3A_698 = tpu.memref_squeeze %dma_wait3A_697 : memref<1x128xi32, #tpu.memory_space<vmem>> -> memref<128xi32, #tpu.memory_space<vmem>>
    %dma_wait3A_699 = arith.constant 0 : i32
    %dma_wait3A_700 = tpu.memref_slice %arg3[%dma_wait3A_699] : memref<1000000xf32, #tpu.memory_space<hbm>> -> memref<1000000xf32, #tpu.memory_space<hbm>>
    tpu.wait_indirect_dma semaphore(%arg19 : memref<!tpu.dma_semaphore, #tpu.memory_space<semaphore_mem>>) src(%dma_wait3A_700 : memref<1000000xf32, #tpu.memory_space<hbm>>) dst(%dma_wait3A_695 : memref<128xf32, #tpu.memory_space<vmem>>)
    %dma_wait3A_701 = arith.constant 2 : i32
    %dma_wait3A_702 = arith.constant 0 : i32
    %dma_wait3A_703 = tpu.memref_slice %arg17[%dma_wait3A_701, %dma_wait3A_702] : memref<4x128xf32, #tpu.memory_space<vmem>> -> memref<1x128xf32, #tpu.memory_space<vmem>>
    %dma_wait3A_704 = tpu.memref_squeeze %dma_wait3A_703 : memref<1x128xf32, #tpu.memory_space<vmem>> -> memref<128xf32, #tpu.memory_space<vmem>>
    %dma_wait3A_705 = arith.constant 0 : i32
    %dma_wait3A_706 = tpu.memref_slice %arg10[%add3A_620, %dma_wait3A_705] : memref<8x128xi32, #tpu.memory_space<vmem>> -> memref<1x128xi32, #tpu.memory_space<vmem>>
    %dma_wait3A_707 = tpu.memref_squeeze %dma_wait3A_706 : memref<1x128xi32, #tpu.memory_space<vmem>> -> memref<128xi32, #tpu.memory_space<vmem>>
    %dma_wait3A_708 = arith.constant 0 : i32
    %dma_wait3A_709 = tpu.memref_slice %arg5[%dma_wait3A_708] : memref<1000000xf32, #tpu.memory_space<hbm>> -> memref<1000000xf32, #tpu.memory_space<hbm>>
    tpu.wait_indirect_dma semaphore(%arg19 : memref<!tpu.dma_semaphore, #tpu.memory_space<semaphore_mem>>) src(%dma_wait3A_709 : memref<1000000xf32, #tpu.memory_space<hbm>>) dst(%dma_wait3A_704 : memref<128xf32, #tpu.memory_space<vmem>>)
    %dma_wait3A_710 = arith.constant 3 : i32
    %dma_wait3A_711 = arith.constant 0 : i32
    %dma_wait3A_712 = tpu.memref_slice %arg16[%dma_wait3A_710, %dma_wait3A_711] : memref<4x128xf32, #tpu.memory_space<vmem>> -> memref<1x128xf32, #tpu.memory_space<vmem>>
    %dma_wait3A_713 = tpu.memref_squeeze %dma_wait3A_712 : memref<1x128xf32, #tpu.memory_space<vmem>> -> memref<128xf32, #tpu.memory_space<vmem>>
    %dma_wait3A_714 = arith.constant 0 : i32
    %dma_wait3A_715 = tpu.memref_slice %arg9[%add3A_633, %dma_wait3A_714] : memref<8x128xi32, #tpu.memory_space<vmem>> -> memref<1x128xi32, #tpu.memory_space<vmem>>
    %dma_wait3A_716 = tpu.memref_squeeze %dma_wait3A_715 : memref<1x128xi32, #tpu.memory_space<vmem>> -> memref<128xi32, #tpu.memory_space<vmem>>
    %dma_wait3A_717 = arith.constant 0 : i32
    %dma_wait3A_718 = tpu.memref_slice %arg3[%dma_wait3A_717] : memref<1000000xf32, #tpu.memory_space<hbm>> -> memref<1000000xf32, #tpu.memory_space<hbm>>
    tpu.wait_indirect_dma semaphore(%arg19 : memref<!tpu.dma_semaphore, #tpu.memory_space<semaphore_mem>>) src(%dma_wait3A_718 : memref<1000000xf32, #tpu.memory_space<hbm>>) dst(%dma_wait3A_713 : memref<128xf32, #tpu.memory_space<vmem>>)
    %dma_wait3A_719 = arith.constant 3 : i32
    %dma_wait3A_720 = arith.constant 0 : i32
    %dma_wait3A_721 = tpu.memref_slice %arg17[%dma_wait3A_719, %dma_wait3A_720] : memref<4x128xf32, #tpu.memory_space<vmem>> -> memref<1x128xf32, #tpu.memory_space<vmem>>
    %dma_wait3A_722 = tpu.memref_squeeze %dma_wait3A_721 : memref<1x128xf32, #tpu.memory_space<vmem>> -> memref<128xf32, #tpu.memory_space<vmem>>
    %dma_wait3A_723 = arith.constant 0 : i32
    %dma_wait3A_724 = tpu.memref_slice %arg10[%add3A_646, %dma_wait3A_723] : memref<8x128xi32, #tpu.memory_space<vmem>> -> memref<1x128xi32, #tpu.memory_space<vmem>>
    %dma_wait3A_725 = tpu.memref_squeeze %dma_wait3A_724 : memref<1x128xi32, #tpu.memory_space<vmem>> -> memref<128xi32, #tpu.memory_space<vmem>>
    %dma_wait3A_726 = arith.constant 0 : i32
    %dma_wait3A_727 = tpu.memref_slice %arg5[%dma_wait3A_726] : memref<1000000xf32, #tpu.memory_space<hbm>> -> memref<1000000xf32, #tpu.memory_space<hbm>>
    tpu.wait_indirect_dma semaphore(%arg19 : memref<!tpu.dma_semaphore, #tpu.memory_space<semaphore_mem>>) src(%dma_wait3A_727 : memref<1000000xf32, #tpu.memory_space<hbm>>) dst(%dma_wait3A_722 : memref<128xf32, #tpu.memory_space<vmem>>)
    %get3A_728 = arith.constant 0 : i32
    %get3A_729 = arith.index_cast %get3A_728 : i32 to index
    %get3A_730 = arith.constant 0 : index
    %get3A_731 = tpu.vector_load %arg16[%get3A_729, %get3A_730] {strides = array<i32>} : memref<4x128xf32, #tpu.memory_space<vmem>>, vector<16xf32>,
    %add3A_732 = arith.addf %add3A_551, %get3A_731 : vector<16xf32>
    %get3A_733 = arith.constant 0 : i32
    %get3A_734 = arith.index_cast %get3A_733 : i32 to index
    %get3A_735 = arith.constant 0 : index
    %get3A_736 = tpu.vector_load %arg17[%get3A_734, %get3A_735] {strides = array<i32>} : memref<4x128xf32, #tpu.memory_space<vmem>>, vector<16xf32>,
    %add3A_737 = arith.addf %add3A_732, %get3A_736 : vector<16xf32>
    %neg3A = arith.constant 0.000000e+00 : f32
    %neg3A_738 = vector.broadcast %neg3A : f32 to vector<16xf32>
    %neg3A_739 = arith.subf %neg3A_738, %add3A_737 : vector<16xf32>
    %exp3A = math.exp %neg3A_739 : vector<16xf32>
    %add3A_740 = arith.constant 1.000000e+00 : f32
    %add3A_741 = vector.broadcast %add3A_740 : f32 to vector<16xf32>
    %add3A_742 = arith.addf %add3A_741, %exp3A : vector<16xf32>
    %div3A = arith.constant 1.000000e+00 : f32
    %div3A_743 = vector.broadcast %div3A : f32 to vector<16xf32>
    %div3A_744 = arith.divf %div3A_743, %add3A_742 : vector<16xf32>
    %swap3A_745 = arith.constant 0 : i32
    %swap3A_746 = arith.index_cast %swap3A_745 : i32 to index
    %swap3A_747 = arith.constant 0 : index
    %swap3A_748 = tpu.vector_load %arg18[%swap3A_746, %swap3A_747] {strides = array<i32>} : memref<4x128xf32, #tpu.memory_space<vmem>>, vector<16xf32>,
    tpu.vector_store %arg18[%swap3A_746, %swap3A_747], %div3A_744 {strides = array<i32>} : memref<4x128xf32, #tpu.memory_space<vmem>>, vector<16xf32>,
    %get3A_749 = arith.constant 0 : i32
    %get3A_750 = arith.index_cast %get3A_749 : i32 to index
    %get3A_751 = arith.constant 16 : index
    %get3A_752 = tpu.vector_load %arg16[%get3A_750, %get3A_751] {strides = array<i32>} : memref<4x128xf32, #tpu.memory_space<vmem>>, vector<16xf32>,
    %add3A_753 = arith.addf %add3A_551, %get3A_752 : vector<16xf32>
    %get3A_754 = arith.constant 0 : i32
    %get3A_755 = arith.index_cast %get3A_754 : i32 to index
    %get3A_756 = arith.constant 16 : index
    %get3A_757 = tpu.vector_load %arg17[%get3A_755, %get3A_756] {strides = array<i32>} : memref<4x128xf32, #tpu.memory_space<vmem>>, vector<16xf32>,
    %add3A_758 = arith.addf %add3A_753, %get3A_757 : vector<16xf32>
    %neg3A_759 = arith.constant 0.000000e+00 : f32
    %neg3A_760 = vector.broadcast %neg3A_759 : f32 to vector<16xf32>
    %neg3A_761 = arith.subf %neg3A_760, %add3A_758 : vector<16xf32>
    %exp3A_762 = math.exp %neg3A_761 : vector<16xf32>
    %add3A_763 = arith.constant 1.000000e+00 : f32
    %add3A_764 = vector.broadcast %add3A_763 : f32 to vector<16xf32>
    %add3A_765 = arith.addf %add3A_764, %exp3A_762 : vector<16xf32>
    %div3A_766 = arith.constant 1.000000e+00 : f32
    %div3A_767 = vector.broadcast %div3A_766 : f32 to vector<16xf32>
    %div3A_768 = arith.divf %div3A_767, %add3A_765 : vector<16xf32>
    %swap3A_769 = arith.constant 0 : i32
    %swap3A_770 = arith.index_cast %swap3A_769 : i32 to index
    %swap3A_771 = arith.constant 16 : index
    %swap3A_772 = tpu.vector_load %arg18[%swap3A_770, %swap3A_771] {strides = array<i32>} : memref<4x128xf32, #tpu.memory_space<vmem>>, vector<16xf32>,
    tpu.vector_store %arg18[%swap3A_770, %swap3A_771], %div3A_768 {strides = array<i32>} : memref<4x128xf32, #tpu.memory_space<vmem>>, vector<16xf32>,
    %get3A_773 = arith.constant 0 : i32
    %get3A_774 = arith.index_cast %get3A_773 : i32 to index
    %get3A_775 = arith.constant 32 : index
    %get3A_776 = tpu.vector_load %arg16[%get3A_774, %get3A_775] {strides = array<i32>} : memref<4x128xf32, #tpu.memory_space<vmem>>, vector<16xf32>,
    %add3A_777 = arith.addf %add3A_551, %get3A_776 : vector<16xf32>
    %get3A_778 = arith.constant 0 : i32
    %get3A_779 = arith.index_cast %get3A_778 : i32 to index
    %get3A_780 = arith.constant 32 : index
    %get3A_781 = tpu.vector_load %arg17[%get3A_779, %get3A_780] {strides = array<i32>} : memref<4x128xf32, #tpu.memory_space<vmem>>, vector<16xf32>,
    %add3A_782 = arith.addf %add3A_777, %get3A_781 : vector<16xf32>
    %neg3A_783 = arith.constant 0.000000e+00 : f32
    %neg3A_784 = vector.broadcast %neg3A_783 : f32 to vector<16xf32>
    %neg3A_785 = arith.subf %neg3A_784, %add3A_782 : vector<16xf32>
    %exp3A_786 = math.exp %neg3A_785 : vector<16xf32>
    %add3A_787 = arith.constant 1.000000e+00 : f32
    %add3A_788 = vector.broadcast %add3A_787 : f32 to vector<16xf32>
    %add3A_789 = arith.addf %add3A_788, %exp3A_786 : vector<16xf32>
    %div3A_790 = arith.constant 1.000000e+00 : f32
    %div3A_791 = vector.broadcast %div3A_790 : f32 to vector<16xf32>
    %div3A_792 = arith.divf %div3A_791, %add3A_789 : vector<16xf32>
    %swap3A_793 = arith.constant 0 : i32
    %swap3A_794 = arith.index_cast %swap3A_793 : i32 to index
    %swap3A_795 = arith.constant 32 : index
    %swap3A_796 = tpu.vector_load %arg18[%swap3A_794, %swap3A_795] {strides = array<i32>} : memref<4x128xf32, #tpu.memory_space<vmem>>, vector<16xf32>,
    tpu.vector_store %arg18[%swap3A_794, %swap3A_795], %div3A_792 {strides = array<i32>} : memref<4x128xf32, #tpu.memory_space<vmem>>, vector<16xf32>,
    %get3A_797 = arith.constant 0 : i32
    %get3A_798 = arith.index_cast %get3A_797 : i32 to index
    %get3A_799 = arith.constant 48 : index
    %get3A_800 = tpu.vector_load %arg16[%get3A_798, %get3A_799] {strides = array<i32>} : memref<4x128xf32, #tpu.memory_space<vmem>>, vector<16xf32>,
    %add3A_801 = arith.addf %add3A_551, %get3A_800 : vector<16xf32>
    %get3A_802 = arith.constant 0 : i32
    %get3A_803 = arith.index_cast %get3A_802 : i32 to index
    %get3A_804 = arith.constant 48 : index
    %get3A_805 = tpu.vector_load %arg17[%get3A_803, %get3A_804] {strides = array<i32>} : memref<4x128xf32, #tpu.memory_space<vmem>>, vector<16xf32>,
    %add3A_806 = arith.addf %add3A_801, %get3A_805 : vector<16xf32>
    %neg3A_807 = arith.constant 0.000000e+00 : f32
    %neg3A_808 = vector.broadcast %neg3A_807 : f32 to vector<16xf32>
    %neg3A_809 = arith.subf %neg3A_808, %add3A_806 : vector<16xf32>
    %exp3A_810 = math.exp %neg3A_809 : vector<16xf32>
    %add3A_811 = arith.constant 1.000000e+00 : f32
    %add3A_812 = vector.broadcast %add3A_811 : f32 to vector<16xf32>
    %add3A_813 = arith.addf %add3A_812, %exp3A_810 : vector<16xf32>
    %div3A_814 = arith.constant 1.000000e+00 : f32
    %div3A_815 = vector.broadcast %div3A_814 : f32 to vector<16xf32>
    %div3A_816 = arith.divf %div3A_815, %add3A_813 : vector<16xf32>
    %swap3A_817 = arith.constant 0 : i32
    %swap3A_818 = arith.index_cast %swap3A_817 : i32 to index
    %swap3A_819 = arith.constant 48 : index
    %swap3A_820 = tpu.vector_load %arg18[%swap3A_818, %swap3A_819] {strides = array<i32>} : memref<4x128xf32, #tpu.memory_space<vmem>>, vector<16xf32>,
    tpu.vector_store %arg18[%swap3A_818, %swap3A_819], %div3A_816 {strides = array<i32>} : memref<4x128xf32, #tpu.memory_space<vmem>>, vector<16xf32>,
    %get3A_821 = arith.constant 0 : i32
    %get3A_822 = arith.index_cast %get3A_821 : i32 to index
    %get3A_823 = arith.constant 64 : index
    %get3A_824 = tpu.vector_load %arg16[%get3A_822, %get3A_823] {strides = array<i32>} : memref<4x128xf32, #tpu.memory_space<vmem>>, vector<16xf32>,
    %add3A_825 = arith.addf %add3A_551, %get3A_824 : vector<16xf32>
    %get3A_826 = arith.constant 0 : i32
    %get3A_827 = arith.index_cast %get3A_826 : i32 to index
    %get3A_828 = arith.constant 64 : index
    %get3A_829 = tpu.vector_load %arg17[%get3A_827, %get3A_828] {strides = array<i32>} : memref<4x128xf32, #tpu.memory_space<vmem>>, vector<16xf32>,
    %add3A_830 = arith.addf %add3A_825, %get3A_829 : vector<16xf32>
    %neg3A_831 = arith.constant 0.000000e+00 : f32
    %neg3A_832 = vector.broadcast %neg3A_831 : f32 to vector<16xf32>
    %neg3A_833 = arith.subf %neg3A_832, %add3A_830 : vector<16xf32>
    %exp3A_834 = math.exp %neg3A_833 : vector<16xf32>
    %add3A_835 = arith.constant 1.000000e+00 : f32
    %add3A_836 = vector.broadcast %add3A_835 : f32 to vector<16xf32>
    %add3A_837 = arith.addf %add3A_836, %exp3A_834 : vector<16xf32>
    %div3A_838 = arith.constant 1.000000e+00 : f32
    %div3A_839 = vector.broadcast %div3A_838 : f32 to vector<16xf32>
    %div3A_840 = arith.divf %div3A_839, %add3A_837 : vector<16xf32>
    %swap3A_841 = arith.constant 0 : i32
    %swap3A_842 = arith.index_cast %swap3A_841 : i32 to index
    %swap3A_843 = arith.constant 64 : index
    %swap3A_844 = tpu.vector_load %arg18[%swap3A_842, %swap3A_843] {strides = array<i32>} : memref<4x128xf32, #tpu.memory_space<vmem>>, vector<16xf32>,
    tpu.vector_store %arg18[%swap3A_842, %swap3A_843], %div3A_840 {strides = array<i32>} : memref<4x128xf32, #tpu.memory_space<vmem>>, vector<16xf32>,
    %get3A_845 = arith.constant 0 : i32
    %get3A_846 = arith.index_cast %get3A_845 : i32 to index
    %get3A_847 = arith.constant 80 : index
    %get3A_848 = tpu.vector_load %arg16[%get3A_846, %get3A_847] {strides = array<i32>} : memref<4x128xf32, #tpu.memory_space<vmem>>, vector<16xf32>,
    %add3A_849 = arith.addf %add3A_551, %get3A_848 : vector<16xf32>
    %get3A_850 = arith.constant 0 : i32
    %get3A_851 = arith.index_cast %get3A_850 : i32 to index
    %get3A_852 = arith.constant 80 : index
    %get3A_853 = tpu.vector_load %arg17[%get3A_851, %get3A_852] {strides = array<i32>} : memref<4x128xf32, #tpu.memory_space<vmem>>, vector<16xf32>,
    %add3A_854 = arith.addf %add3A_849, %get3A_853 : vector<16xf32>
    %neg3A_855 = arith.constant 0.000000e+00 : f32
    %neg3A_856 = vector.broadcast %neg3A_855 : f32 to vector<16xf32>
    %neg3A_857 = arith.subf %neg3A_856, %add3A_854 : vector<16xf32>
    %exp3A_858 = math.exp %neg3A_857 : vector<16xf32>
    %add3A_859 = arith.constant 1.000000e+00 : f32
    %add3A_860 = vector.broadcast %add3A_859 : f32 to vector<16xf32>
    %add3A_861 = arith.addf %add3A_860, %exp3A_858 : vector<16xf32>
    %div3A_862 = arith.constant 1.000000e+00 : f32
    %div3A_863 = vector.broadcast %div3A_862 : f32 to vector<16xf32>
    %div3A_864 = arith.divf %div3A_863, %add3A_861 : vector<16xf32>
    %swap3A_865 = arith.constant 0 : i32
    %swap3A_866 = arith.index_cast %swap3A_865 : i32 to index
    %swap3A_867 = arith.constant 80 : index
    %swap3A_868 = tpu.vector_load %arg18[%swap3A_866, %swap3A_867] {strides = array<i32>} : memref<4x128xf32, #tpu.memory_space<vmem>>, vector<16xf32>,
    tpu.vector_store %arg18[%swap3A_866, %swap3A_867], %div3A_864 {strides = array<i32>} : memref<4x128xf32, #tpu.memory_space<vmem>>, vector<16xf32>,
    %get3A_869 = arith.constant 0 : i32
    %get3A_870 = arith.index_cast %get3A_869 : i32 to index
    %get3A_871 = arith.constant 96 : index
    %get3A_872 = tpu.vector_load %arg16[%get3A_870, %get3A_871] {strides = array<i32>} : memref<4x128xf32, #tpu.memory_space<vmem>>, vector<16xf32>,
    %add3A_873 = arith.addf %add3A_551, %get3A_872 : vector<16xf32>
    %get3A_874 = arith.constant 0 : i32
    %get3A_875 = arith.index_cast %get3A_874 : i32 to index
    %get3A_876 = arith.constant 96 : index
    %get3A_877 = tpu.vector_load %arg17[%get3A_875, %get3A_876] {strides = array<i32>} : memref<4x128xf32, #tpu.memory_space<vmem>>, vector<16xf32>,
    %add3A_878 = arith.addf %add3A_873, %get3A_877 : vector<16xf32>
    %neg3A_879 = arith.constant 0.000000e+00 : f32
    %neg3A_880 = vector.broadcast %neg3A_879 : f32 to vector<16xf32>
    %neg3A_881 = arith.subf %neg3A_880, %add3A_878 : vector<16xf32>
    %exp3A_882 = math.exp %neg3A_881 : vector<16xf32>
    %add3A_883 = arith.constant 1.000000e+00 : f32
    %add3A_884 = vector.broadcast %add3A_883 : f32 to vector<16xf32>
    %add3A_885 = arith.addf %add3A_884, %exp3A_882 : vector<16xf32>
    %div3A_886 = arith.constant 1.000000e+00 : f32
    %div3A_887 = vector.broadcast %div3A_886 : f32 to vector<16xf32>
    %div3A_888 = arith.divf %div3A_887, %add3A_885 : vector<16xf32>
    %swap3A_889 = arith.constant 0 : i32
    %swap3A_890 = arith.index_cast %swap3A_889 : i32 to index
    %swap3A_891 = arith.constant 96 : index
    %swap3A_892 = tpu.vector_load %arg18[%swap3A_890, %swap3A_891] {strides = array<i32>} : memref<4x128xf32, #tpu.memory_space<vmem>>, vector<16xf32>,
    tpu.vector_store %arg18[%swap3A_890, %swap3A_891], %div3A_888 {strides = array<i32>} : memref<4x128xf32, #tpu.memory_space<vmem>>, vector<16xf32>,
    %get3A_893 = arith.constant 0 : i32
    %get3A_894 = arith.index_cast %get3A_893 : i32 to index
    %get3A_895 = arith.constant 112 : index
    %get3A_896 = tpu.vector_load %arg16[%get3A_894, %get3A_895] {strides = array<i32>} : memref<4x128xf32, #tpu.memory_space<vmem>>, vector<16xf32>,
    %add3A_897 = arith.addf %add3A_551, %get3A_896 : vector<16xf32>
    %get3A_898 = arith.constant 0 : i32
    %get3A_899 = arith.index_cast %get3A_898 : i32 to index
    %get3A_900 = arith.constant 112 : index
    %get3A_901 = tpu.vector_load %arg17[%get3A_899, %get3A_900] {strides = array<i32>} : memref<4x128xf32, #tpu.memory_space<vmem>>, vector<16xf32>,
    %add3A_902 = arith.addf %add3A_897, %get3A_901 : vector<16xf32>
    %neg3A_903 = arith.constant 0.000000e+00 : f32
    %neg3A_904 = vector.broadcast %neg3A_903 : f32 to vector<16xf32>
    %neg3A_905 = arith.subf %neg3A_904, %add3A_902 : vector<16xf32>
    %exp3A_906 = math.exp %neg3A_905 : vector<16xf32>
    %add3A_907 = arith.constant 1.000000e+00 : f32
    %add3A_908 = vector.broadcast %add3A_907 : f32 to vector<16xf32>
    %add3A_909 = arith.addf %add3A_908, %exp3A_906 : vector<16xf32>
    %div3A_910 = arith.constant 1.000000e+00 : f32
    %div3A_911 = vector.broadcast %div3A_910 : f32 to vector<16xf32>
    %div3A_912 = arith.divf %div3A_911, %add3A_909 : vector<16xf32>
    %swap3A_913 = arith.constant 0 : i32
    %swap3A_914 = arith.index_cast %swap3A_913 : i32 to index
    %swap3A_915 = arith.constant 112 : index
    %swap3A_916 = tpu.vector_load %arg18[%swap3A_914, %swap3A_915] {strides = array<i32>} : memref<4x128xf32, #tpu.memory_space<vmem>>, vector<16xf32>,
    tpu.vector_store %arg18[%swap3A_914, %swap3A_915], %div3A_912 {strides = array<i32>} : memref<4x128xf32, #tpu.memory_space<vmem>>, vector<16xf32>,
    %get3A_917 = arith.constant 1 : i32
    %get3A_918 = arith.index_cast %get3A_917 : i32 to index
    %get3A_919 = arith.constant 0 : index
    %get3A_920 = tpu.vector_load %arg16[%get3A_918, %get3A_919] {strides = array<i32>} : memref<4x128xf32, #tpu.memory_space<vmem>>, vector<16xf32>,
    %add3A_921 = arith.addf %add3A_551, %get3A_920 : vector<16xf32>
    %get3A_922 = arith.constant 1 : i32
    %get3A_923 = arith.index_cast %get3A_922 : i32 to index
    %get3A_924 = arith.constant 0 : index
    %get3A_925 = tpu.vector_load %arg17[%get3A_923, %get3A_924] {strides = array<i32>} : memref<4x128xf32, #tpu.memory_space<vmem>>, vector<16xf32>,
    %add3A_926 = arith.addf %add3A_921, %get3A_925 : vector<16xf32>
    %neg3A_927 = arith.constant 0.000000e+00 : f32
    %neg3A_928 = vector.broadcast %neg3A_927 : f32 to vector<16xf32>
    %neg3A_929 = arith.subf %neg3A_928, %add3A_926 : vector<16xf32>
    %exp3A_930 = math.exp %neg3A_929 : vector<16xf32>
    %add3A_931 = arith.constant 1.000000e+00 : f32
    %add3A_932 = vector.broadcast %add3A_931 : f32 to vector<16xf32>
    %add3A_933 = arith.addf %add3A_932, %exp3A_930 : vector<16xf32>
    %div3A_934 = arith.constant 1.000000e+00 : f32
    %div3A_935 = vector.broadcast %div3A_934 : f32 to vector<16xf32>
    %div3A_936 = arith.divf %div3A_935, %add3A_933 : vector<16xf32>
    %swap3A_937 = arith.constant 1 : i32
    %swap3A_938 = arith.index_cast %swap3A_937 : i32 to index
    %swap3A_939 = arith.constant 0 : index
    %swap3A_940 = tpu.vector_load %arg18[%swap3A_938, %swap3A_939] {strides = array<i32>} : memref<4x128xf32, #tpu.memory_space<vmem>>, vector<16xf32>,
    tpu.vector_store %arg18[%swap3A_938, %swap3A_939], %div3A_936 {strides = array<i32>} : memref<4x128xf32, #tpu.memory_space<vmem>>, vector<16xf32>,
    %get3A_941 = arith.constant 1 : i32
    %get3A_942 = arith.index_cast %get3A_941 : i32 to index
    %get3A_943 = arith.constant 16 : index
    %get3A_944 = tpu.vector_load %arg16[%get3A_942, %get3A_943] {strides = array<i32>} : memref<4x128xf32, #tpu.memory_space<vmem>>, vector<16xf32>,
    %add3A_945 = arith.addf %add3A_551, %get3A_944 : vector<16xf32>
    %get3A_946 = arith.constant 1 : i32
    %get3A_947 = arith.index_cast %get3A_946 : i32 to index
    %get3A_948 = arith.constant 16 : index
    %get3A_949 = tpu.vector_load %arg17[%get3A_947, %get3A_948] {strides = array<i32>} : memref<4x128xf32, #tpu.memory_space<vmem>>, vector<16xf32>,
    %add3A_950 = arith.addf %add3A_945, %get3A_949 : vector<16xf32>
    %neg3A_951 = arith.constant 0.000000e+00 : f32
    %neg3A_952 = vector.broadcast %neg3A_951 : f32 to vector<16xf32>
    %neg3A_953 = arith.subf %neg3A_952, %add3A_950 : vector<16xf32>
    %exp3A_954 = math.exp %neg3A_953 : vector<16xf32>
    %add3A_955 = arith.constant 1.000000e+00 : f32
    %add3A_956 = vector.broadcast %add3A_955 : f32 to vector<16xf32>
    %add3A_957 = arith.addf %add3A_956, %exp3A_954 : vector<16xf32>
    %div3A_958 = arith.constant 1.000000e+00 : f32
    %div3A_959 = vector.broadcast %div3A_958 : f32 to vector<16xf32>
    %div3A_960 = arith.divf %div3A_959, %add3A_957 : vector<16xf32>
    %swap3A_961 = arith.constant 1 : i32
    %swap3A_962 = arith.index_cast %swap3A_961 : i32 to index
    %swap3A_963 = arith.constant 16 : index
    %swap3A_964 = tpu.vector_load %arg18[%swap3A_962, %swap3A_963] {strides = array<i32>} : memref<4x128xf32, #tpu.memory_space<vmem>>, vector<16xf32>,
    tpu.vector_store %arg18[%swap3A_962, %swap3A_963], %div3A_960 {strides = array<i32>} : memref<4x128xf32, #tpu.memory_space<vmem>>, vector<16xf32>,
    %get3A_965 = arith.constant 1 : i32
    %get3A_966 = arith.index_cast %get3A_965 : i32 to index
    %get3A_967 = arith.constant 32 : index
    %get3A_968 = tpu.vector_load %arg16[%get3A_966, %get3A_967] {strides = array<i32>} : memref<4x128xf32, #tpu.memory_space<vmem>>, vector<16xf32>,
    %add3A_969 = arith.addf %add3A_551, %get3A_968 : vector<16xf32>
    %get3A_970 = arith.constant 1 : i32
    %get3A_971 = arith.index_cast %get3A_970 : i32 to index
    %get3A_972 = arith.constant 32 : index
    %get3A_973 = tpu.vector_load %arg17[%get3A_971, %get3A_972] {strides = array<i32>} : memref<4x128xf32, #tpu.memory_space<vmem>>, vector<16xf32>,
    %add3A_974 = arith.addf %add3A_969, %get3A_973 : vector<16xf32>
    %neg3A_975 = arith.constant 0.000000e+00 : f32
    %neg3A_976 = vector.broadcast %neg3A_975 : f32 to vector<16xf32>
    %neg3A_977 = arith.subf %neg3A_976, %add3A_974 : vector<16xf32>
    %exp3A_978 = math.exp %neg3A_977 : vector<16xf32>
    %add3A_979 = arith.constant 1.000000e+00 : f32
    %add3A_980 = vector.broadcast %add3A_979 : f32 to vector<16xf32>
    %add3A_981 = arith.addf %add3A_980, %exp3A_978 : vector<16xf32>
    %div3A_982 = arith.constant 1.000000e+00 : f32
    %div3A_983 = vector.broadcast %div3A_982 : f32 to vector<16xf32>
    %div3A_984 = arith.divf %div3A_983, %add3A_981 : vector<16xf32>
    %swap3A_985 = arith.constant 1 : i32
    %swap3A_986 = arith.index_cast %swap3A_985 : i32 to index
    %swap3A_987 = arith.constant 32 : index
    %swap3A_988 = tpu.vector_load %arg18[%swap3A_986, %swap3A_987] {strides = array<i32>} : memref<4x128xf32, #tpu.memory_space<vmem>>, vector<16xf32>,
    tpu.vector_store %arg18[%swap3A_986, %swap3A_987], %div3A_984 {strides = array<i32>} : memref<4x128xf32, #tpu.memory_space<vmem>>, vector<16xf32>,
    %get3A_989 = arith.constant 1 : i32
    %get3A_990 = arith.index_cast %get3A_989 : i32 to index
    %get3A_991 = arith.constant 48 : index
    %get3A_992 = tpu.vector_load %arg16[%get3A_990, %get3A_991] {strides = array<i32>} : memref<4x128xf32, #tpu.memory_space<vmem>>, vector<16xf32>,
    %add3A_993 = arith.addf %add3A_551, %get3A_992 : vector<16xf32>
    %get3A_994 = arith.constant 1 : i32
    %get3A_995 = arith.index_cast %get3A_994 : i32 to index
    %get3A_996 = arith.constant 48 : index
    %get3A_997 = tpu.vector_load %arg17[%get3A_995, %get3A_996] {strides = array<i32>} : memref<4x128xf32, #tpu.memory_space<vmem>>, vector<16xf32>,
    %add3A_998 = arith.addf %add3A_993, %get3A_997 : vector<16xf32>
    %neg3A_999 = arith.constant 0.000000e+00 : f32
    %neg3A_1000 = vector.broadcast %neg3A_999 : f32 to vector<16xf32>
    %neg3A_1001 = arith.subf %neg3A_1000, %add3A_998 : vector<16xf32>
    %exp3A_1002 = math.exp %neg3A_1001 : vector<16xf32>
    %add3A_1003 = arith.constant 1.000000e+00 : f32
    %add3A_1004 = vector.broadcast %add3A_1003 : f32 to vector<16xf32>
    %add3A_1005 = arith.addf %add3A_1004, %exp3A_1002 : vector<16xf32>
    %div3A_1006 = arith.constant 1.000000e+00 : f32
    %div3A_1007 = vector.broadcast %div3A_1006 : f32 to vector<16xf32>
    %div3A_1008 = arith.divf %div3A_1007, %add3A_1005 : vector<16xf32>
    %swap3A_1009 = arith.constant 1 : i32
    %swap3A_1010 = arith.index_cast %swap3A_1009 : i32 to index
    %swap3A_1011 = arith.constant 48 : index
    %swap3A_1012 = tpu.vector_load %arg18[%swap3A_1010, %swap3A_1011] {strides = array<i32>} : memref<4x128xf32, #tpu.memory_space<vmem>>, vector<16xf32>,
    tpu.vector_store %arg18[%swap3A_1010, %swap3A_1011], %div3A_1008 {strides = array<i32>} : memref<4x128xf32, #tpu.memory_space<vmem>>, vector<16xf32>,
    %get3A_1013 = arith.constant 1 : i32
    %get3A_1014 = arith.index_cast %get3A_1013 : i32 to index
    %get3A_1015 = arith.constant 64 : index
    %get3A_1016 = tpu.vector_load %arg16[%get3A_1014, %get3A_1015] {strides = array<i32>} : memref<4x128xf32, #tpu.memory_space<vmem>>, vector<16xf32>,
    %add3A_1017 = arith.addf %add3A_551, %get3A_1016 : vector<16xf32>
    %get3A_1018 = arith.constant 1 : i32
    %get3A_1019 = arith.index_cast %get3A_1018 : i32 to index
    %get3A_1020 = arith.constant 64 : index
    %get3A_1021 = tpu.vector_load %arg17[%get3A_1019, %get3A_1020] {strides = array<i32>} : memref<4x128xf32, #tpu.memory_space<vmem>>, vector<16xf32>,
    %add3A_1022 = arith.addf %add3A_1017, %get3A_1021 : vector<16xf32>
    %neg3A_1023 = arith.constant 0.000000e+00 : f32
    %neg3A_1024 = vector.broadcast %neg3A_1023 : f32 to vector<16xf32>
    %neg3A_1025 = arith.subf %neg3A_1024, %add3A_1022 : vector<16xf32>
    %exp3A_1026 = math.exp %neg3A_1025 : vector<16xf32>
    %add3A_1027 = arith.constant 1.000000e+00 : f32
    %add3A_1028 = vector.broadcast %add3A_1027 : f32 to vector<16xf32>
    %add3A_1029 = arith.addf %add3A_1028, %exp3A_1026 : vector<16xf32>
    %div3A_1030 = arith.constant 1.000000e+00 : f32
    %div3A_1031 = vector.broadcast %div3A_1030 : f32 to vector<16xf32>
    %div3A_1032 = arith.divf %div3A_1031, %add3A_1029 : vector<16xf32>
    %swap3A_1033 = arith.constant 1 : i32
    %swap3A_1034 = arith.index_cast %swap3A_1033 : i32 to index
    %swap3A_1035 = arith.constant 64 : index
    %swap3A_1036 = tpu.vector_load %arg18[%swap3A_1034, %swap3A_1035] {strides = array<i32>} : memref<4x128xf32, #tpu.memory_space<vmem>>, vector<16xf32>,
    tpu.vector_store %arg18[%swap3A_1034, %swap3A_1035], %div3A_1032 {strides = array<i32>} : memref<4x128xf32, #tpu.memory_space<vmem>>, vector<16xf32>,
    %get3A_1037 = arith.constant 1 : i32
    %get3A_1038 = arith.index_cast %get3A_1037 : i32 to index
    %get3A_1039 = arith.constant 80 : index
    %get3A_1040 = tpu.vector_load %arg16[%get3A_1038, %get3A_1039] {strides = array<i32>} : memref<4x128xf32, #tpu.memory_space<vmem>>, vector<16xf32>,
    %add3A_1041 = arith.addf %add3A_551, %get3A_1040 : vector<16xf32>
    %get3A_1042 = arith.constant 1 : i32
    %get3A_1043 = arith.index_cast %get3A_1042 : i32 to index
    %get3A_1044 = arith.constant 80 : index
    %get3A_1045 = tpu.vector_load %arg17[%get3A_1043, %get3A_1044] {strides = array<i32>} : memref<4x128xf32, #tpu.memory_space<vmem>>, vector<16xf32>,
    %add3A_1046 = arith.addf %add3A_1041, %get3A_1045 : vector<16xf32>
    %neg3A_1047 = arith.constant 0.000000e+00 : f32
    %neg3A_1048 = vector.broadcast %neg3A_1047 : f32 to vector<16xf32>
    %neg3A_1049 = arith.subf %neg3A_1048, %add3A_1046 : vector<16xf32>
    %exp3A_1050 = math.exp %neg3A_1049 : vector<16xf32>
    %add3A_1051 = arith.constant 1.000000e+00 : f32
    %add3A_1052 = vector.broadcast %add3A_1051 : f32 to vector<16xf32>
    %add3A_1053 = arith.addf %add3A_1052, %exp3A_1050 : vector<16xf32>
    %div3A_1054 = arith.constant 1.000000e+00 : f32
    %div3A_1055 = vector.broadcast %div3A_1054 : f32 to vector<16xf32>
    %div3A_1056 = arith.divf %div3A_1055, %add3A_1053 : vector<16xf32>
    %swap3A_1057 = arith.constant 1 : i32
    %swap3A_1058 = arith.index_cast %swap3A_1057 : i32 to index
    %swap3A_1059 = arith.constant 80 : index
    %swap3A_1060 = tpu.vector_load %arg18[%swap3A_1058, %swap3A_1059] {strides = array<i32>} : memref<4x128xf32, #tpu.memory_space<vmem>>, vector<16xf32>,
    tpu.vector_store %arg18[%swap3A_1058, %swap3A_1059], %div3A_1056 {strides = array<i32>} : memref<4x128xf32, #tpu.memory_space<vmem>>, vector<16xf32>,
    %get3A_1061 = arith.constant 1 : i32
    %get3A_1062 = arith.index_cast %get3A_1061 : i32 to index
    %get3A_1063 = arith.constant 96 : index
    %get3A_1064 = tpu.vector_load %arg16[%get3A_1062, %get3A_1063] {strides = array<i32>} : memref<4x128xf32, #tpu.memory_space<vmem>>, vector<16xf32>,
    %add3A_1065 = arith.addf %add3A_551, %get3A_1064 : vector<16xf32>
    %get3A_1066 = arith.constant 1 : i32
    %get3A_1067 = arith.index_cast %get3A_1066 : i32 to index
    %get3A_1068 = arith.constant 96 : index
    %get3A_1069 = tpu.vector_load %arg17[%get3A_1067, %get3A_1068] {strides = array<i32>} : memref<4x128xf32, #tpu.memory_space<vmem>>, vector<16xf32>,
    %add3A_1070 = arith.addf %add3A_1065, %get3A_1069 : vector<16xf32>
    %neg3A_1071 = arith.constant 0.000000e+00 : f32
    %neg3A_1072 = vector.broadcast %neg3A_1071 : f32 to vector<16xf32>
    %neg3A_1073 = arith.subf %neg3A_1072, %add3A_1070 : vector<16xf32>
    %exp3A_1074 = math.exp %neg3A_1073 : vector<16xf32>
    %add3A_1075 = arith.constant 1.000000e+00 : f32
    %add3A_1076 = vector.broadcast %add3A_1075 : f32 to vector<16xf32>
    %add3A_1077 = arith.addf %add3A_1076, %exp3A_1074 : vector<16xf32>
    %div3A_1078 = arith.constant 1.000000e+00 : f32
    %div3A_1079 = vector.broadcast %div3A_1078 : f32 to vector<16xf32>
    %div3A_1080 = arith.divf %div3A_1079, %add3A_1077 : vector<16xf32>
    %swap3A_1081 = arith.constant 1 : i32
    %swap3A_1082 = arith.index_cast %swap3A_1081 : i32 to index
    %swap3A_1083 = arith.constant 96 : index
    %swap3A_1084 = tpu.vector_load %arg18[%swap3A_1082, %swap3A_1083] {strides = array<i32>} : memref<4x128xf32, #tpu.memory_space<vmem>>, vector<16xf32>,
    tpu.vector_store %arg18[%swap3A_1082, %swap3A_1083], %div3A_1080 {strides = array<i32>} : memref<4x128xf32, #tpu.memory_space<vmem>>, vector<16xf32>,
    %get3A_1085 = arith.constant 1 : i32
    %get3A_1086 = arith.index_cast %get3A_1085 : i32 to index
    %get3A_1087 = arith.constant 112 : index
    %get3A_1088 = tpu.vector_load %arg16[%get3A_1086, %get3A_1087] {strides = array<i32>} : memref<4x128xf32, #tpu.memory_space<vmem>>, vector<16xf32>,
    %add3A_1089 = arith.addf %add3A_551, %get3A_1088 : vector<16xf32>
    %get3A_1090 = arith.constant 1 : i32
    %get3A_1091 = arith.index_cast %get3A_1090 : i32 to index
    %get3A_1092 = arith.constant 112 : index
    %get3A_1093 = tpu.vector_load %arg17[%get3A_1091, %get3A_1092] {strides = array<i32>} : memref<4x128xf32, #tpu.memory_space<vmem>>, vector<16xf32>,
    %add3A_1094 = arith.addf %add3A_1089, %get3A_1093 : vector<16xf32>
    %neg3A_1095 = arith.constant 0.000000e+00 : f32
    %neg3A_1096 = vector.broadcast %neg3A_1095 : f32 to vector<16xf32>
    %neg3A_1097 = arith.subf %neg3A_1096, %add3A_1094 : vector<16xf32>
    %exp3A_1098 = math.exp %neg3A_1097 : vector<16xf32>
    %add3A_1099 = arith.constant 1.000000e+00 : f32
    %add3A_1100 = vector.broadcast %add3A_1099 : f32 to vector<16xf32>
    %add3A_1101 = arith.addf %add3A_1100, %exp3A_1098 : vector<16xf32>
    %div3A_1102 = arith.constant 1.000000e+00 : f32
    %div3A_1103 = vector.broadcast %div3A_1102 : f32 to vector<16xf32>
    %div3A_1104 = arith.divf %div3A_1103, %add3A_1101 : vector<16xf32>
    %swap3A_1105 = arith.constant 1 : i32
    %swap3A_1106 = arith.index_cast %swap3A_1105 : i32 to index
    %swap3A_1107 = arith.constant 112 : index
    %swap3A_1108 = tpu.vector_load %arg18[%swap3A_1106, %swap3A_1107] {strides = array<i32>} : memref<4x128xf32, #tpu.memory_space<vmem>>, vector<16xf32>,
    tpu.vector_store %arg18[%swap3A_1106, %swap3A_1107], %div3A_1104 {strides = array<i32>} : memref<4x128xf32, #tpu.memory_space<vmem>>, vector<16xf32>,
    %get3A_1109 = arith.constant 2 : i32
    %get3A_1110 = arith.index_cast %get3A_1109 : i32 to index
    %get3A_1111 = arith.constant 0 : index
    %get3A_1112 = tpu.vector_load %arg16[%get3A_1110, %get3A_1111] {strides = array<i32>} : memref<4x128xf32, #tpu.memory_space<vmem>>, vector<16xf32>,
    %add3A_1113 = arith.addf %add3A_551, %get3A_1112 : vector<16xf32>
    %get3A_1114 = arith.constant 2 : i32
    %get3A_1115 = arith.index_cast %get3A_1114 : i32 to index
    %get3A_1116 = arith.constant 0 : index
    %get3A_1117 = tpu.vector_load %arg17[%get3A_1115, %get3A_1116] {strides = array<i32>} : memref<4x128xf32, #tpu.memory_space<vmem>>, vector<16xf32>,
    %add3A_1118 = arith.addf %add3A_1113, %get3A_1117 : vector<16xf32>
    %neg3A_1119 = arith.constant 0.000000e+00 : f32
    %neg3A_1120 = vector.broadcast %neg3A_1119 : f32 to vector<16xf32>
    %neg3A_1121 = arith.subf %neg3A_1120, %add3A_1118 : vector<16xf32>
    %exp3A_1122 = math.exp %neg3A_1121 : vector<16xf32>
    %add3A_1123 = arith.constant 1.000000e+00 : f32
    %add3A_1124 = vector.broadcast %add3A_1123 : f32 to vector<16xf32>
    %add3A_1125 = arith.addf %add3A_1124, %exp3A_1122 : vector<16xf32>
    %div3A_1126 = arith.constant 1.000000e+00 : f32
    %div3A_1127 = vector.broadcast %div3A_1126 : f32 to vector<16xf32>
    %div3A_1128 = arith.divf %div3A_1127, %add3A_1125 : vector<16xf32>
    %swap3A_1129 = arith.constant 2 : i32
    %swap3A_1130 = arith.index_cast %swap3A_1129 : i32 to index
    %swap3A_1131 = arith.constant 0 : index
    %swap3A_1132 = tpu.vector_load %arg18[%swap3A_1130, %swap3A_1131] {strides = array<i32>} : memref<4x128xf32, #tpu.memory_space<vmem>>, vector<16xf32>,
    tpu.vector_store %arg18[%swap3A_1130, %swap3A_1131], %div3A_1128 {strides = array<i32>} : memref<4x128xf32, #tpu.memory_space<vmem>>, vector<16xf32>,
    %get3A_1133 = arith.constant 2 : i32
    %get3A_1134 = arith.index_cast %get3A_1133 : i32 to index
    %get3A_1135 = arith.constant 16 : index
    %get3A_1136 = tpu.vector_load %arg16[%get3A_1134, %get3A_1135] {strides = array<i32>} : memref<4x128xf32, #tpu.memory_space<vmem>>, vector<16xf32>,
    %add3A_1137 = arith.addf %add3A_551, %get3A_1136 : vector<16xf32>
    %get3A_1138 = arith.constant 2 : i32
    %get3A_1139 = arith.index_cast %get3A_1138 : i32 to index
    %get3A_1140 = arith.constant 16 : index
    %get3A_1141 = tpu.vector_load %arg17[%get3A_1139, %get3A_1140] {strides = array<i32>} : memref<4x128xf32, #tpu.memory_space<vmem>>, vector<16xf32>,
    %add3A_1142 = arith.addf %add3A_1137, %get3A_1141 : vector<16xf32>
    %neg3A_1143 = arith.constant 0.000000e+00 : f32
    %neg3A_1144 = vector.broadcast %neg3A_1143 : f32 to vector<16xf32>
    %neg3A_1145 = arith.subf %neg3A_1144, %add3A_1142 : vector<16xf32>
    %exp3A_1146 = math.exp %neg3A_1145 : vector<16xf32>
    %add3A_1147 = arith.constant 1.000000e+00 : f32
    %add3A_1148 = vector.broadcast %add3A_1147 : f32 to vector<16xf32>
    %add3A_1149 = arith.addf %add3A_1148, %exp3A_1146 : vector<16xf32>
    %div3A_1150 = arith.constant 1.000000e+00 : f32
    %div3A_1151 = vector.broadcast %div3A_1150 : f32 to vector<16xf32>
    %div3A_1152 = arith.divf %div3A_1151, %add3A_1149 : vector<16xf32>
    %swap3A_1153 = arith.constant 2 : i32
    %swap3A_1154 = arith.index_cast %swap3A_1153 : i32 to index
    %swap3A_1155 = arith.constant 16 : index
    %swap3A_1156 = tpu.vector_load %arg18[%swap3A_1154, %swap3A_1155] {strides = array<i32>} : memref<4x128xf32, #tpu.memory_space<vmem>>, vector<16xf32>,
    tpu.vector_store %arg18[%swap3A_1154, %swap3A_1155], %div3A_1152 {strides = array<i32>} : memref<4x128xf32, #tpu.memory_space<vmem>>, vector<16xf32>,
    %get3A_1157 = arith.constant 2 : i32
    %get3A_1158 = arith.index_cast %get3A_1157 : i32 to index
    %get3A_1159 = arith.constant 32 : index
    %get3A_1160 = tpu.vector_load %arg16[%get3A_1158, %get3A_1159] {strides = array<i32>} : memref<4x128xf32, #tpu.memory_space<vmem>>, vector<16xf32>,
    %add3A_1161 = arith.addf %add3A_551, %get3A_1160 : vector<16xf32>
    %get3A_1162 = arith.constant 2 : i32
    %get3A_1163 = arith.index_cast %get3A_1162 : i32 to index
    %get3A_1164 = arith.constant 32 : index
    %get3A_1165 = tpu.vector_load %arg17[%get3A_1163, %get3A_1164] {strides = array<i32>} : memref<4x128xf32, #tpu.memory_space<vmem>>, vector<16xf32>,
    %add3A_1166 = arith.addf %add3A_1161, %get3A_1165 : vector<16xf32>
    %neg3A_1167 = arith.constant 0.000000e+00 : f32
    %neg3A_1168 = vector.broadcast %neg3A_1167 : f32 to vector<16xf32>
    %neg3A_1169 = arith.subf %neg3A_1168, %add3A_1166 : vector<16xf32>
    %exp3A_1170 = math.exp %neg3A_1169 : vector<16xf32>
    %add3A_1171 = arith.constant 1.000000e+00 : f32
    %add3A_1172 = vector.broadcast %add3A_1171 : f32 to vector<16xf32>
    %add3A_1173 = arith.addf %add3A_1172, %exp3A_1170 : vector<16xf32>
    %div3A_1174 = arith.constant 1.000000e+00 : f32
    %div3A_1175 = vector.broadcast %div3A_1174 : f32 to vector<16xf32>
    %div3A_1176 = arith.divf %div3A_1175, %add3A_1173 : vector<16xf32>
    %swap3A_1177 = arith.constant 2 : i32
    %swap3A_1178 = arith.index_cast %swap3A_1177 : i32 to index
    %swap3A_1179 = arith.constant 32 : index
    %swap3A_1180 = tpu.vector_load %arg18[%swap3A_1178, %swap3A_1179] {strides = array<i32>} : memref<4x128xf32, #tpu.memory_space<vmem>>, vector<16xf32>,
    tpu.vector_store %arg18[%swap3A_1178, %swap3A_1179], %div3A_1176 {strides = array<i32>} : memref<4x128xf32, #tpu.memory_space<vmem>>, vector<16xf32>,
    %get3A_1181 = arith.constant 2 : i32
    %get3A_1182 = arith.index_cast %get3A_1181 : i32 to index
    %get3A_1183 = arith.constant 48 : index
    %get3A_1184 = tpu.vector_load %arg16[%get3A_1182, %get3A_1183] {strides = array<i32>} : memref<4x128xf32, #tpu.memory_space<vmem>>, vector<16xf32>,
    %add3A_1185 = arith.addf %add3A_551, %get3A_1184 : vector<16xf32>
    %get3A_1186 = arith.constant 2 : i32
    %get3A_1187 = arith.index_cast %get3A_1186 : i32 to index
    %get3A_1188 = arith.constant 48 : index
    %get3A_1189 = tpu.vector_load %arg17[%get3A_1187, %get3A_1188] {strides = array<i32>} : memref<4x128xf32, #tpu.memory_space<vmem>>, vector<16xf32>,
    %add3A_1190 = arith.addf %add3A_1185, %get3A_1189 : vector<16xf32>
    %neg3A_1191 = arith.constant 0.000000e+00 : f32
    %neg3A_1192 = vector.broadcast %neg3A_1191 : f32 to vector<16xf32>
    %neg3A_1193 = arith.subf %neg3A_1192, %add3A_1190 : vector<16xf32>
    %exp3A_1194 = math.exp %neg3A_1193 : vector<16xf32>
    %add3A_1195 = arith.constant 1.000000e+00 : f32
    %add3A_1196 = vector.broadcast %add3A_1195 : f32 to vector<16xf32>
    %add3A_1197 = arith.addf %add3A_1196, %exp3A_1194 : vector<16xf32>
    %div3A_1198 = arith.constant 1.000000e+00 : f32
    %div3A_1199 = vector.broadcast %div3A_1198 : f32 to vector<16xf32>
    %div3A_1200 = arith.divf %div3A_1199, %add3A_1197 : vector<16xf32>
    %swap3A_1201 = arith.constant 2 : i32
    %swap3A_1202 = arith.index_cast %swap3A_1201 : i32 to index
    %swap3A_1203 = arith.constant 48 : index
    %swap3A_1204 = tpu.vector_load %arg18[%swap3A_1202, %swap3A_1203] {strides = array<i32>} : memref<4x128xf32, #tpu.memory_space<vmem>>, vector<16xf32>,
    tpu.vector_store %arg18[%swap3A_1202, %swap3A_1203], %div3A_1200 {strides = array<i32>} : memref<4x128xf32, #tpu.memory_space<vmem>>, vector<16xf32>,
    %get3A_1205 = arith.constant 2 : i32
    %get3A_1206 = arith.index_cast %get3A_1205 : i32 to index
    %get3A_1207 = arith.constant 64 : index
    %get3A_1208 = tpu.vector_load %arg16[%get3A_1206, %get3A_1207] {strides = array<i32>} : memref<4x128xf32, #tpu.memory_space<vmem>>, vector<16xf32>,
    %add3A_1209 = arith.addf %add3A_551, %get3A_1208 : vector<16xf32>
    %get3A_1210 = arith.constant 2 : i32
    %get3A_1211 = arith.index_cast %get3A_1210 : i32 to index
    %get3A_1212 = arith.constant 64 : index
    %get3A_1213 = tpu.vector_load %arg17[%get3A_1211, %get3A_1212] {strides = array<i32>} : memref<4x128xf32, #tpu.memory_space<vmem>>, vector<16xf32>,
    %add3A_1214 = arith.addf %add3A_1209, %get3A_1213 : vector<16xf32>
    %neg3A_1215 = arith.constant 0.000000e+00 : f32
    %neg3A_1216 = vector.broadcast %neg3A_1215 : f32 to vector<16xf32>
    %neg3A_1217 = arith.subf %neg3A_1216, %add3A_1214 : vector<16xf32>
    %exp3A_1218 = math.exp %neg3A_1217 : vector<16xf32>
    %add3A_1219 = arith.constant 1.000000e+00 : f32
    %add3A_1220 = vector.broadcast %add3A_1219 : f32 to vector<16xf32>
    %add3A_1221 = arith.addf %add3A_1220, %exp3A_1218 : vector<16xf32>
    %div3A_1222 = arith.constant 1.000000e+00 : f32
    %div3A_1223 = vector.broadcast %div3A_1222 : f32 to vector<16xf32>
    %div3A_1224 = arith.divf %div3A_1223, %add3A_1221 : vector<16xf32>
    %swap3A_1225 = arith.constant 2 : i32
    %swap3A_1226 = arith.index_cast %swap3A_1225 : i32 to index
    %swap3A_1227 = arith.constant 64 : index
    %swap3A_1228 = tpu.vector_load %arg18[%swap3A_1226, %swap3A_1227] {strides = array<i32>} : memref<4x128xf32, #tpu.memory_space<vmem>>, vector<16xf32>,
    tpu.vector_store %arg18[%swap3A_1226, %swap3A_1227], %div3A_1224 {strides = array<i32>} : memref<4x128xf32, #tpu.memory_space<vmem>>, vector<16xf32>,
    %get3A_1229 = arith.constant 2 : i32
    %get3A_1230 = arith.index_cast %get3A_1229 : i32 to index
    %get3A_1231 = arith.constant 80 : index
    %get3A_1232 = tpu.vector_load %arg16[%get3A_1230, %get3A_1231] {strides = array<i32>} : memref<4x128xf32, #tpu.memory_space<vmem>>, vector<16xf32>,
    %add3A_1233 = arith.addf %add3A_551, %get3A_1232 : vector<16xf32>
    %get3A_1234 = arith.constant 2 : i32
    %get3A_1235 = arith.index_cast %get3A_1234 : i32 to index
    %get3A_1236 = arith.constant 80 : index
    %get3A_1237 = tpu.vector_load %arg17[%get3A_1235, %get3A_1236] {strides = array<i32>} : memref<4x128xf32, #tpu.memory_space<vmem>>, vector<16xf32>,
    %add3A_1238 = arith.addf %add3A_1233, %get3A_1237 : vector<16xf32>
    %neg3A_1239 = arith.constant 0.000000e+00 : f32
    %neg3A_1240 = vector.broadcast %neg3A_1239 : f32 to vector<16xf32>
    %neg3A_1241 = arith.subf %neg3A_1240, %add3A_1238 : vector<16xf32>
    %exp3A_1242 = math.exp %neg3A_1241 : vector<16xf32>
    %add3A_1243 = arith.constant 1.000000e+00 : f32
    %add3A_1244 = vector.broadcast %add3A_1243 : f32 to vector<16xf32>
    %add3A_1245 = arith.addf %add3A_1244, %exp3A_1242 : vector<16xf32>
    %div3A_1246 = arith.constant 1.000000e+00 : f32
    %div3A_1247 = vector.broadcast %div3A_1246 : f32 to vector<16xf32>
    %div3A_1248 = arith.divf %div3A_1247, %add3A_1245 : vector<16xf32>
    %swap3A_1249 = arith.constant 2 : i32
    %swap3A_1250 = arith.index_cast %swap3A_1249 : i32 to index
    %swap3A_1251 = arith.constant 80 : index
    %swap3A_1252 = tpu.vector_load %arg18[%swap3A_1250, %swap3A_1251] {strides = array<i32>} : memref<4x128xf32, #tpu.memory_space<vmem>>, vector<16xf32>,
    tpu.vector_store %arg18[%swap3A_1250, %swap3A_1251], %div3A_1248 {strides = array<i32>} : memref<4x128xf32, #tpu.memory_space<vmem>>, vector<16xf32>,
    %get3A_1253 = arith.constant 2 : i32
    %get3A_1254 = arith.index_cast %get3A_1253 : i32 to index
    %get3A_1255 = arith.constant 96 : index
    %get3A_1256 = tpu.vector_load %arg16[%get3A_1254, %get3A_1255] {strides = array<i32>} : memref<4x128xf32, #tpu.memory_space<vmem>>, vector<16xf32>,
    %add3A_1257 = arith.addf %add3A_551, %get3A_1256 : vector<16xf32>
    %get3A_1258 = arith.constant 2 : i32
    %get3A_1259 = arith.index_cast %get3A_1258 : i32 to index
    %get3A_1260 = arith.constant 96 : index
    %get3A_1261 = tpu.vector_load %arg17[%get3A_1259, %get3A_1260] {strides = array<i32>} : memref<4x128xf32, #tpu.memory_space<vmem>>, vector<16xf32>,
    %add3A_1262 = arith.addf %add3A_1257, %get3A_1261 : vector<16xf32>
    %neg3A_1263 = arith.constant 0.000000e+00 : f32
    %neg3A_1264 = vector.broadcast %neg3A_1263 : f32 to vector<16xf32>
    %neg3A_1265 = arith.subf %neg3A_1264, %add3A_1262 : vector<16xf32>
    %exp3A_1266 = math.exp %neg3A_1265 : vector<16xf32>
    %add3A_1267 = arith.constant 1.000000e+00 : f32
    %add3A_1268 = vector.broadcast %add3A_1267 : f32 to vector<16xf32>
    %add3A_1269 = arith.addf %add3A_1268, %exp3A_1266 : vector<16xf32>
    %div3A_1270 = arith.constant 1.000000e+00 : f32
    %div3A_1271 = vector.broadcast %div3A_1270 : f32 to vector<16xf32>
    %div3A_1272 = arith.divf %div3A_1271, %add3A_1269 : vector<16xf32>
    %swap3A_1273 = arith.constant 2 : i32
    %swap3A_1274 = arith.index_cast %swap3A_1273 : i32 to index
    %swap3A_1275 = arith.constant 96 : index
    %swap3A_1276 = tpu.vector_load %arg18[%swap3A_1274, %swap3A_1275] {strides = array<i32>} : memref<4x128xf32, #tpu.memory_space<vmem>>, vector<16xf32>,
    tpu.vector_store %arg18[%swap3A_1274, %swap3A_1275], %div3A_1272 {strides = array<i32>} : memref<4x128xf32, #tpu.memory_space<vmem>>, vector<16xf32>,
    %get3A_1277 = arith.constant 2 : i32
    %get3A_1278 = arith.index_cast %get3A_1277 : i32 to index
    %get3A_1279 = arith.constant 112 : index
    %get3A_1280 = tpu.vector_load %arg16[%get3A_1278, %get3A_1279] {strides = array<i32>} : memref<4x128xf32, #tpu.memory_space<vmem>>, vector<16xf32>,
    %add3A_1281 = arith.addf %add3A_551, %get3A_1280 : vector<16xf32>
    %get3A_1282 = arith.constant 2 : i32
    %get3A_1283 = arith.index_cast %get3A_1282 : i32 to index
    %get3A_1284 = arith.constant 112 : index
    %get3A_1285 = tpu.vector_load %arg17[%get3A_1283, %get3A_1284] {strides = array<i32>} : memref<4x128xf32, #tpu.memory_space<vmem>>, vector<16xf32>,
    %add3A_1286 = arith.addf %add3A_1281, %get3A_1285 : vector<16xf32>
    %neg3A_1287 = arith.constant 0.000000e+00 : f32
    %neg3A_1288 = vector.broadcast %neg3A_1287 : f32 to vector<16xf32>
    %neg3A_1289 = arith.subf %neg3A_1288, %add3A_1286 : vector<16xf32>
    %exp3A_1290 = math.exp %neg3A_1289 : vector<16xf32>
    %add3A_1291 = arith.constant 1.000000e+00 : f32
    %add3A_1292 = vector.broadcast %add3A_1291 : f32 to vector<16xf32>
    %add3A_1293 = arith.addf %add3A_1292, %exp3A_1290 : vector<16xf32>
    %div3A_1294 = arith.constant 1.000000e+00 : f32
    %div3A_1295 = vector.broadcast %div3A_1294 : f32 to vector<16xf32>
    %div3A_1296 = arith.divf %div3A_1295, %add3A_1293 : vector<16xf32>
    %swap3A_1297 = arith.constant 2 : i32
    %swap3A_1298 = arith.index_cast %swap3A_1297 : i32 to index
    %swap3A_1299 = arith.constant 112 : index
    %swap3A_1300 = tpu.vector_load %arg18[%swap3A_1298, %swap3A_1299] {strides = array<i32>} : memref<4x128xf32, #tpu.memory_space<vmem>>, vector<16xf32>,
    tpu.vector_store %arg18[%swap3A_1298, %swap3A_1299], %div3A_1296 {strides = array<i32>} : memref<4x128xf32, #tpu.memory_space<vmem>>, vector<16xf32>,
    %get3A_1301 = arith.constant 3 : i32
    %get3A_1302 = arith.index_cast %get3A_1301 : i32 to index
    %get3A_1303 = arith.constant 0 : index
    %get3A_1304 = tpu.vector_load %arg16[%get3A_1302, %get3A_1303] {strides = array<i32>} : memref<4x128xf32, #tpu.memory_space<vmem>>, vector<16xf32>,
    %add3A_1305 = arith.addf %add3A_551, %get3A_1304 : vector<16xf32>
    %get3A_1306 = arith.constant 3 : i32
    %get3A_1307 = arith.index_cast %get3A_1306 : i32 to index
    %get3A_1308 = arith.constant 0 : index
    %get3A_1309 = tpu.vector_load %arg17[%get3A_1307, %get3A_1308] {strides = array<i32>} : memref<4x128xf32, #tpu.memory_space<vmem>>, vector<16xf32>,
    %add3A_1310 = arith.addf %add3A_1305, %get3A_1309 : vector<16xf32>
    %neg3A_1311 = arith.constant 0.000000e+00 : f32
    %neg3A_1312 = vector.broadcast %neg3A_1311 : f32 to vector<16xf32>
    %neg3A_1313 = arith.subf %neg3A_1312, %add3A_1310 : vector<16xf32>
    %exp3A_1314 = math.exp %neg3A_1313 : vector<16xf32>
    %add3A_1315 = arith.constant 1.000000e+00 : f32
    %add3A_1316 = vector.broadcast %add3A_1315 : f32 to vector<16xf32>
    %add3A_1317 = arith.addf %add3A_1316, %exp3A_1314 : vector<16xf32>
    %div3A_1318 = arith.constant 1.000000e+00 : f32
    %div3A_1319 = vector.broadcast %div3A_1318 : f32 to vector<16xf32>
    %div3A_1320 = arith.divf %div3A_1319, %add3A_1317 : vector<16xf32>
    %swap3A_1321 = arith.constant 3 : i32
    %swap3A_1322 = arith.index_cast %swap3A_1321 : i32 to index
    %swap3A_1323 = arith.constant 0 : index
    %swap3A_1324 = tpu.vector_load %arg18[%swap3A_1322, %swap3A_1323] {strides = array<i32>} : memref<4x128xf32, #tpu.memory_space<vmem>>, vector<16xf32>,
    tpu.vector_store %arg18[%swap3A_1322, %swap3A_1323], %div3A_1320 {strides = array<i32>} : memref<4x128xf32, #tpu.memory_space<vmem>>, vector<16xf32>,
    %get3A_1325 = arith.constant 3 : i32
    %get3A_1326 = arith.index_cast %get3A_1325 : i32 to index
    %get3A_1327 = arith.constant 16 : index
    %get3A_1328 = tpu.vector_load %arg16[%get3A_1326, %get3A_1327] {strides = array<i32>} : memref<4x128xf32, #tpu.memory_space<vmem>>, vector<16xf32>,
    %add3A_1329 = arith.addf %add3A_551, %get3A_1328 : vector<16xf32>
    %get3A_1330 = arith.constant 3 : i32
    %get3A_1331 = arith.index_cast %get3A_1330 : i32 to index
    %get3A_1332 = arith.constant 16 : index
    %get3A_1333 = tpu.vector_load %arg17[%get3A_1331, %get3A_1332] {strides = array<i32>} : memref<4x128xf32, #tpu.memory_space<vmem>>, vector<16xf32>,
    %add3A_1334 = arith.addf %add3A_1329, %get3A_1333 : vector<16xf32>
    %neg3A_1335 = arith.constant 0.000000e+00 : f32
    %neg3A_1336 = vector.broadcast %neg3A_1335 : f32 to vector<16xf32>
    %neg3A_1337 = arith.subf %neg3A_1336, %add3A_1334 : vector<16xf32>
    %exp3A_1338 = math.exp %neg3A_1337 : vector<16xf32>
    %add3A_1339 = arith.constant 1.000000e+00 : f32
    %add3A_1340 = vector.broadcast %add3A_1339 : f32 to vector<16xf32>
    %add3A_1341 = arith.addf %add3A_1340, %exp3A_1338 : vector<16xf32>
    %div3A_1342 = arith.constant 1.000000e+00 : f32
    %div3A_1343 = vector.broadcast %div3A_1342 : f32 to vector<16xf32>
    %div3A_1344 = arith.divf %div3A_1343, %add3A_1341 : vector<16xf32>
    %swap3A_1345 = arith.constant 3 : i32
    %swap3A_1346 = arith.index_cast %swap3A_1345 : i32 to index
    %swap3A_1347 = arith.constant 16 : index
    %swap3A_1348 = tpu.vector_load %arg18[%swap3A_1346, %swap3A_1347] {strides = array<i32>} : memref<4x128xf32, #tpu.memory_space<vmem>>, vector<16xf32>,
    tpu.vector_store %arg18[%swap3A_1346, %swap3A_1347], %div3A_1344 {strides = array<i32>} : memref<4x128xf32, #tpu.memory_space<vmem>>, vector<16xf32>,
    %get3A_1349 = arith.constant 3 : i32
    %get3A_1350 = arith.index_cast %get3A_1349 : i32 to index
    %get3A_1351 = arith.constant 32 : index
    %get3A_1352 = tpu.vector_load %arg16[%get3A_1350, %get3A_1351] {strides = array<i32>} : memref<4x128xf32, #tpu.memory_space<vmem>>, vector<16xf32>,
    %add3A_1353 = arith.addf %add3A_551, %get3A_1352 : vector<16xf32>
    %get3A_1354 = arith.constant 3 : i32
    %get3A_1355 = arith.index_cast %get3A_1354 : i32 to index
    %get3A_1356 = arith.constant 32 : index
    %get3A_1357 = tpu.vector_load %arg17[%get3A_1355, %get3A_1356] {strides = array<i32>} : memref<4x128xf32, #tpu.memory_space<vmem>>, vector<16xf32>,
    %add3A_1358 = arith.addf %add3A_1353, %get3A_1357 : vector<16xf32>
    %neg3A_1359 = arith.constant 0.000000e+00 : f32
    %neg3A_1360 = vector.broadcast %neg3A_1359 : f32 to vector<16xf32>
    %neg3A_1361 = arith.subf %neg3A_1360, %add3A_1358 : vector<16xf32>
    %exp3A_1362 = math.exp %neg3A_1361 : vector<16xf32>
    %add3A_1363 = arith.constant 1.000000e+00 : f32
    %add3A_1364 = vector.broadcast %add3A_1363 : f32 to vector<16xf32>
    %add3A_1365 = arith.addf %add3A_1364, %exp3A_1362 : vector<16xf32>
    %div3A_1366 = arith.constant 1.000000e+00 : f32
    %div3A_1367 = vector.broadcast %div3A_1366 : f32 to vector<16xf32>
    %div3A_1368 = arith.divf %div3A_1367, %add3A_1365 : vector<16xf32>
    %swap3A_1369 = arith.constant 3 : i32
    %swap3A_1370 = arith.index_cast %swap3A_1369 : i32 to index
    %swap3A_1371 = arith.constant 32 : index
    %swap3A_1372 = tpu.vector_load %arg18[%swap3A_1370, %swap3A_1371] {strides = array<i32>} : memref<4x128xf32, #tpu.memory_space<vmem>>, vector<16xf32>,
    tpu.vector_store %arg18[%swap3A_1370, %swap3A_1371], %div3A_1368 {strides = array<i32>} : memref<4x128xf32, #tpu.memory_space<vmem>>, vector<16xf32>,
    %get3A_1373 = arith.constant 3 : i32
    %get3A_1374 = arith.index_cast %get3A_1373 : i32 to index
    %get3A_1375 = arith.constant 48 : index
    %get3A_1376 = tpu.vector_load %arg16[%get3A_1374, %get3A_1375] {strides = array<i32>} : memref<4x128xf32, #tpu.memory_space<vmem>>, vector<16xf32>,
    %add3A_1377 = arith.addf %add3A_551, %get3A_1376 : vector<16xf32>
    %get3A_1378 = arith.constant 3 : i32
    %get3A_1379 = arith.index_cast %get3A_1378 : i32 to index
    %get3A_1380 = arith.constant 48 : index
    %get3A_1381 = tpu.vector_load %arg17[%get3A_1379, %get3A_1380] {strides = array<i32>} : memref<4x128xf32, #tpu.memory_space<vmem>>, vector<16xf32>,
    %add3A_1382 = arith.addf %add3A_1377, %get3A_1381 : vector<16xf32>
    %neg3A_1383 = arith.constant 0.000000e+00 : f32
    %neg3A_1384 = vector.broadcast %neg3A_1383 : f32 to vector<16xf32>
    %neg3A_1385 = arith.subf %neg3A_1384, %add3A_1382 : vector<16xf32>
    %exp3A_1386 = math.exp %neg3A_1385 : vector<16xf32>
    %add3A_1387 = arith.constant 1.000000e+00 : f32
    %add3A_1388 = vector.broadcast %add3A_1387 : f32 to vector<16xf32>
    %add3A_1389 = arith.addf %add3A_1388, %exp3A_1386 : vector<16xf32>
    %div3A_1390 = arith.constant 1.000000e+00 : f32
    %div3A_1391 = vector.broadcast %div3A_1390 : f32 to vector<16xf32>
    %div3A_1392 = arith.divf %div3A_1391, %add3A_1389 : vector<16xf32>
    %swap3A_1393 = arith.constant 3 : i32
    %swap3A_1394 = arith.index_cast %swap3A_1393 : i32 to index
    %swap3A_1395 = arith.constant 48 : index
    %swap3A_1396 = tpu.vector_load %arg18[%swap3A_1394, %swap3A_1395] {strides = array<i32>} : memref<4x128xf32, #tpu.memory_space<vmem>>, vector<16xf32>,
    tpu.vector_store %arg18[%swap3A_1394, %swap3A_1395], %div3A_1392 {strides = array<i32>} : memref<4x128xf32, #tpu.memory_space<vmem>>, vector<16xf32>,
    %get3A_1397 = arith.constant 3 : i32
    %get3A_1398 = arith.index_cast %get3A_1397 : i32 to index
    %get3A_1399 = arith.constant 64 : index
    %get3A_1400 = tpu.vector_load %arg16[%get3A_1398, %get3A_1399] {strides = array<i32>} : memref<4x128xf32, #tpu.memory_space<vmem>>, vector<16xf32>,
    %add3A_1401 = arith.addf %add3A_551, %get3A_1400 : vector<16xf32>
    %get3A_1402 = arith.constant 3 : i32
    %get3A_1403 = arith.index_cast %get3A_1402 : i32 to index
    %get3A_1404 = arith.constant 64 : index
    %get3A_1405 = tpu.vector_load %arg17[%get3A_1403, %get3A_1404] {strides = array<i32>} : memref<4x128xf32, #tpu.memory_space<vmem>>, vector<16xf32>,
    %add3A_1406 = arith.addf %add3A_1401, %get3A_1405 : vector<16xf32>
    %neg3A_1407 = arith.constant 0.000000e+00 : f32
    %neg3A_1408 = vector.broadcast %neg3A_1407 : f32 to vector<16xf32>
    %neg3A_1409 = arith.subf %neg3A_1408, %add3A_1406 : vector<16xf32>
    %exp3A_1410 = math.exp %neg3A_1409 : vector<16xf32>
    %add3A_1411 = arith.constant 1.000000e+00 : f32
    %add3A_1412 = vector.broadcast %add3A_1411 : f32 to vector<16xf32>
    %add3A_1413 = arith.addf %add3A_1412, %exp3A_1410 : vector<16xf32>
    %div3A_1414 = arith.constant 1.000000e+00 : f32
    %div3A_1415 = vector.broadcast %div3A_1414 : f32 to vector<16xf32>
    %div3A_1416 = arith.divf %div3A_1415, %add3A_1413 : vector<16xf32>
    %swap3A_1417 = arith.constant 3 : i32
    %swap3A_1418 = arith.index_cast %swap3A_1417 : i32 to index
    %swap3A_1419 = arith.constant 64 : index
    %swap3A_1420 = tpu.vector_load %arg18[%swap3A_1418, %swap3A_1419] {strides = array<i32>} : memref<4x128xf32, #tpu.memory_space<vmem>>, vector<16xf32>,
    tpu.vector_store %arg18[%swap3A_1418, %swap3A_1419], %div3A_1416 {strides = array<i32>} : memref<4x128xf32, #tpu.memory_space<vmem>>, vector<16xf32>,
    %get3A_1421 = arith.constant 3 : i32
    %get3A_1422 = arith.index_cast %get3A_1421 : i32 to index
    %get3A_1423 = arith.constant 80 : index
    %get3A_1424 = tpu.vector_load %arg16[%get3A_1422, %get3A_1423] {strides = array<i32>} : memref<4x128xf32, #tpu.memory_space<vmem>>, vector<16xf32>,
    %add3A_1425 = arith.addf %add3A_551, %get3A_1424 : vector<16xf32>
    %get3A_1426 = arith.constant 3 : i32
    %get3A_1427 = arith.index_cast %get3A_1426 : i32 to index
    %get3A_1428 = arith.constant 80 : index
    %get3A_1429 = tpu.vector_load %arg17[%get3A_1427, %get3A_1428] {strides = array<i32>} : memref<4x128xf32, #tpu.memory_space<vmem>>, vector<16xf32>,
    %add3A_1430 = arith.addf %add3A_1425, %get3A_1429 : vector<16xf32>
    %neg3A_1431 = arith.constant 0.000000e+00 : f32
    %neg3A_1432 = vector.broadcast %neg3A_1431 : f32 to vector<16xf32>
    %neg3A_1433 = arith.subf %neg3A_1432, %add3A_1430 : vector<16xf32>
    %exp3A_1434 = math.exp %neg3A_1433 : vector<16xf32>
    %add3A_1435 = arith.constant 1.000000e+00 : f32
    %add3A_1436 = vector.broadcast %add3A_1435 : f32 to vector<16xf32>
    %add3A_1437 = arith.addf %add3A_1436, %exp3A_1434 : vector<16xf32>
    %div3A_1438 = arith.constant 1.000000e+00 : f32
    %div3A_1439 = vector.broadcast %div3A_1438 : f32 to vector<16xf32>
    %div3A_1440 = arith.divf %div3A_1439, %add3A_1437 : vector<16xf32>
    %swap3A_1441 = arith.constant 3 : i32
    %swap3A_1442 = arith.index_cast %swap3A_1441 : i32 to index
    %swap3A_1443 = arith.constant 80 : index
    %swap3A_1444 = tpu.vector_load %arg18[%swap3A_1442, %swap3A_1443] {strides = array<i32>} : memref<4x128xf32, #tpu.memory_space<vmem>>, vector<16xf32>,
    tpu.vector_store %arg18[%swap3A_1442, %swap3A_1443], %div3A_1440 {strides = array<i32>} : memref<4x128xf32, #tpu.memory_space<vmem>>, vector<16xf32>,
    %get3A_1445 = arith.constant 3 : i32
    %get3A_1446 = arith.index_cast %get3A_1445 : i32 to index
    %get3A_1447 = arith.constant 96 : index
    %get3A_1448 = tpu.vector_load %arg16[%get3A_1446, %get3A_1447] {strides = array<i32>} : memref<4x128xf32, #tpu.memory_space<vmem>>, vector<16xf32>,
    %add3A_1449 = arith.addf %add3A_551, %get3A_1448 : vector<16xf32>
    %get3A_1450 = arith.constant 3 : i32
    %get3A_1451 = arith.index_cast %get3A_1450 : i32 to index
    %get3A_1452 = arith.constant 96 : index
    %get3A_1453 = tpu.vector_load %arg17[%get3A_1451, %get3A_1452] {strides = array<i32>} : memref<4x128xf32, #tpu.memory_space<vmem>>, vector<16xf32>,
    %add3A_1454 = arith.addf %add3A_1449, %get3A_1453 : vector<16xf32>
    %neg3A_1455 = arith.constant 0.000000e+00 : f32
    %neg3A_1456 = vector.broadcast %neg3A_1455 : f32 to vector<16xf32>
    %neg3A_1457 = arith.subf %neg3A_1456, %add3A_1454 : vector<16xf32>
    %exp3A_1458 = math.exp %neg3A_1457 : vector<16xf32>
    %add3A_1459 = arith.constant 1.000000e+00 : f32
    %add3A_1460 = vector.broadcast %add3A_1459 : f32 to vector<16xf32>
    %add3A_1461 = arith.addf %add3A_1460, %exp3A_1458 : vector<16xf32>
    %div3A_1462 = arith.constant 1.000000e+00 : f32
    %div3A_1463 = vector.broadcast %div3A_1462 : f32 to vector<16xf32>
    %div3A_1464 = arith.divf %div3A_1463, %add3A_1461 : vector<16xf32>
    %swap3A_1465 = arith.constant 3 : i32
    %swap3A_1466 = arith.index_cast %swap3A_1465 : i32 to index
    %swap3A_1467 = arith.constant 96 : index
    %swap3A_1468 = tpu.vector_load %arg18[%swap3A_1466, %swap3A_1467] {strides = array<i32>} : memref<4x128xf32, #tpu.memory_space<vmem>>, vector<16xf32>,
    tpu.vector_store %arg18[%swap3A_1466, %swap3A_1467], %div3A_1464 {strides = array<i32>} : memref<4x128xf32, #tpu.memory_space<vmem>>, vector<16xf32>,
    %get3A_1469 = arith.constant 3 : i32
    %get3A_1470 = arith.index_cast %get3A_1469 : i32 to index
    %get3A_1471 = arith.constant 112 : index
    %get3A_1472 = tpu.vector_load %arg16[%get3A_1470, %get3A_1471] {strides = array<i32>} : memref<4x128xf32, #tpu.memory_space<vmem>>, vector<16xf32>,
    %add3A_1473 = arith.addf %add3A_551, %get3A_1472 : vector<16xf32>
    %get3A_1474 = arith.constant 3 : i32
    %get3A_1475 = arith.index_cast %get3A_1474 : i32 to index
    %get3A_1476 = arith.constant 112 : index
    %get3A_1477 = tpu.vector_load %arg17[%get3A_1475, %get3A_1476] {strides = array<i32>} : memref<4x128xf32, #tpu.memory_space<vmem>>, vector<16xf32>,
    %add3A_1478 = arith.addf %add3A_1473, %get3A_1477 : vector<16xf32>
    %neg3A_1479 = arith.constant 0.000000e+00 : f32
    %neg3A_1480 = vector.broadcast %neg3A_1479 : f32 to vector<16xf32>
    %neg3A_1481 = arith.subf %neg3A_1480, %add3A_1478 : vector<16xf32>
    %exp3A_1482 = math.exp %neg3A_1481 : vector<16xf32>
    %add3A_1483 = arith.constant 1.000000e+00 : f32
    %add3A_1484 = vector.broadcast %add3A_1483 : f32 to vector<16xf32>
    %add3A_1485 = arith.addf %add3A_1484, %exp3A_1482 : vector<16xf32>
    %div3A_1486 = arith.constant 1.000000e+00 : f32
    %div3A_1487 = vector.broadcast %div3A_1486 : f32 to vector<16xf32>
    %div3A_1488 = arith.divf %div3A_1487, %add3A_1485 : vector<16xf32>
    %swap3A_1489 = arith.constant 3 : i32
    %swap3A_1490 = arith.index_cast %swap3A_1489 : i32 to index
    %swap3A_1491 = arith.constant 112 : index
    %swap3A_1492 = tpu.vector_load %arg18[%swap3A_1490, %swap3A_1491] {strides = array<i32>} : memref<4x128xf32, #tpu.memory_space<vmem>>, vector<16xf32>,
    tpu.vector_store %arg18[%swap3A_1490, %swap3A_1491], %div3A_1488 {strides = array<i32>} : memref<4x128xf32, #tpu.memory_space<vmem>>, vector<16xf32>,
    %mul3A_1493 = arith.constant 8 : i32
    %mul3A_1494 = arith.muli %arg1, %mul3A_1493 : i32
    %mul3A_1495 = arith.constant 4 : i32
    %mul3A_1496 = arith.muli %arg0, %mul3A_1495 : i32
    %add3A_1497 = arith.addi %mul3A_1494, %mul3A_1496 : i32
    "tpu.region"() ({
      %run_scoped3A = tpu.sem_alloc : memref<!tpu.dma_semaphore, #tpu.memory_space<semaphore_mem>>
      %dma_start3A_1498 = arith.constant 0 : i32
      %dma_start3A_1499 = tpu.memref_slice %arg8[%add3A_1497, %dma_start3A_1498] : memref<128x128xf32, #tpu.memory_space<hbm>> -> memref<4x128xf32, #tpu.memory_space<hbm>>
      %dma_start3A_1500 = arith.constant 0 : i32
      %dma_start3A_1501 = tpu.memref_slice %arg8[%add3A_1497, %dma_start3A_1500] : memref<128x128xf32, #tpu.memory_space<hbm>> -> memref<4x128xf32, #tpu.memory_space<hbm>>
      tpu.enqueue_dma source(%arg18 : memref<4x128xf32, #tpu.memory_space<vmem>>) target(%dma_start3A_1501 : memref<4x128xf32, #tpu.memory_space<hbm>>) target_semaphore(%run_scoped3A : memref<!tpu.dma_semaphore, #tpu.memory_space<semaphore_mem>>)
      %dma_wait3A_1502 = arith.constant 0 : i32
      %dma_wait3A_1503 = tpu.memref_slice %arg8[%add3A_1497, %dma_wait3A_1502] : memref<128x128xf32, #tpu.memory_space<hbm>> -> memref<4x128xf32, #tpu.memory_space<hbm>>
      %dma_wait3A_1504 = arith.constant 0 : i32
      %dma_wait3A_1505 = tpu.memref_slice %arg8[%add3A_1497, %dma_wait3A_1504] : memref<128x128xf32, #tpu.memory_space<hbm>> -> memref<4x128xf32, #tpu.memory_space<hbm>>
      tpu.wait_dma2 semaphore(%run_scoped3A : memref<!tpu.dma_semaphore, #tpu.memory_space<semaphore_mem>>) src(%arg18 : memref<4x128xf32, #tpu.memory_space<vmem>>) dst(%dma_wait3A_1505 : memref<4x128xf32, #tpu.memory_space<hbm>>)
      tpu.yield
    }) : () -> ()
    return
  }
}

</mosaic_0001>

<sc_bundles>
// kernel: kernel.3.cloned.1.call-start
scs
__scs_entry_jumppad:
0x0: {  	(pc) =	sbr.rel $0x88, $3  }
0x1: {  	(tag) =	ssettag $0x0;
	lr =	simm.s32 $0x1  }
0x2: {  	[smem:$0x3F9C] =	sst lr;
	_ =	strace $0xD0000000  }
0x3: {  	_ = 	snop  }
0x4: {  	_ = 	snop  }
0x5: {  	_ = 	snop  }
0x6: {  	_ = 	snop  }
0x7: {  	_ = 	snop  }
__scs_overlays_trampoline_lowered:
0x8: {  	[smem:$0x3FAB] =	sst s0  }
0x9: {  	[smem:$0x3FAC] =	sst s1  }
0xa: {  	[smem:$0x3FAD] =	sst s2  }
0xb: {  	[smem:$0x3FAE] =	sst s3  }
0xc: {  	[smem:$0x3FAF] =	sst s4  }
0xd: {  	[smem:$0x3FB0] =	sst s5  }
0xe: {  	[smem:$0x3FB1] =	sst s6  }
0xf: {  	[smem:$0x3FB2] =	sst s7  }
0x10: {  	[smem:$0x3FB3] =	sst s8  }
0x11: {  	[smem:$0x3FB4] =	sst s9;
	s0 =	simm.s32 @!p0 $0x0  }
0x12: {  	s1 =	sld [smem:$0x3F9A];
	s0 =	simm.s32 @p0 $0x1  }
0x13: {  	[smem:$0x3FB5] =	sst s0;
	s0 =	simm.s32 @!p1 $0x0  }
0x14: {  	s2 =	sld [smem:$0x3F99];
	s0 =	simm.s32 @p1 $0x1  }
0x15: {  	[smem:$0x3FB6] =	sst s0;
	s0 =	simm.s32 @!p2 $0x0  }
0x16: {  	s3 =	sld [smem:$0x3FDB];
	s0 =	simm.s32 @p2 $0x1  }
0x17: {  	s4 =	simm.s32 $0x1BF5;
	[smem:$0x3FB8] =	sst s0  }
0x18: {  	s0 =	sld [smem:$0x3F9B];
	_ =	swait.ge [sflag:s4], $0x0  }
0x19: {  	s7 =	sld [smem:$0x3F9C]  }
0x1a: {  	s8 =	sadd.s32 $0xFFFFE003, lr  }
0x1b: {  	s9 =	sadd.s32 $0xFFFFFEF7, lr;
	s5 =	simm.s32 $0xFFFFFFFF;
	p2 =	slt.u32 s8, $0xFFFFF086  }
0x1c: {  	p1 =	slt.u32 s9, $0xF7A;
	s5 =	simm.s32 @!p2 $0x0  }
0x1d: {  	s5 =	simm.s32 @p1 $0x1;
	p0 =	seq.s32 s7, s2  }
0x1e: {  	s7 =	smul.u32 @!p0 $0xF7A, s2;
	p2 =	seq.s32 @!p0 s5, $0x0  }
0x1f: {  	s9 =	smul.u32 $0xF7A, s1;
	s8 =	simm.s32 @!p0 $0x1BF5;
	p2 =	por !p2, p0  }
0x20: {  	[sflag:s8] =	ssyncset.s32 @!p0 $0xFFFFF086;
	s6 =	sadd.s32 @!p0 s3, s7;
	s7 =	simm.s32 @!p0 $0x108  }
0x21: {  	s3 =	sadd.s32 s3, s9;
	s6 =	sadd.s32 @!p0 $0x88, s6;
	s7 =	simm.s32 @p2 $0x1082  }
0x22: {  	[simem:s7], [sflag:s8] =	dma.local @!p0 [hbm:s6], $0xF7A  }
0x23: {  	s9 =	sor.u32 $0xD0000000, s2;
	s6 =	simm.s32 $0x108;
	_ =	swait.ge @!p0 [sflag:s8], $0x0  }
0x24: {  	s3 =	sadd.s32 $0x88, s3;
	s6 =	simm.s32 @!p1 $0x1082;
	[sflag:s4] =	ssyncset.s32 $0xFFFFF086  }
0x25: {  	[simem:s6], [sflag:s4] =	dma.local [hbm:s3], $0xF7A  }
0x26: {  	[smem:$0x3F9C] =	sst s1;
	(tag) =	ssettag s2;
	_ =	strace s9  }
0x27: {  	s1 =	sld [smem:$0x3FAC]  }
0x28: {  	s2 =	sld [smem:$0x3FAD]  }
0x29: {  	s4 =	sld [smem:$0x3FAF]  }
0x2a: {  	p0 =	seq.s32 s5, $0x0;
	s5 =	sld [smem:$0x3FB0]  }
0x2b: {  	s6 =	sld [smem:$0x3FB1]  }
0x2c: {  	s7 =	sld [smem:$0x3FB2]  }
0x2d: {  	s3 =	simm.s32 $0x108;
	s8 =	sld [smem:$0x3FB3]  }
0x2e: {  	s3 =	simm.s32 @!p0 $0x1082;
	s9 =	sld [smem:$0x3FB4]  }
0x2f: {  	lr =	sadd.s32 s0, s3;
	s0 =	sld [smem:$0x3FAB]  }
0x30: {  	s3 =	sld [smem:$0x3FAE]  }
0x31: {  	[smem:$0x3FB7] =	sst s10  }
0x32: {  	s10 =	sld [smem:$0x3FB5];
	_ =	sdelay $0x3  }
0x33: {  	p0 =	seq.s32 s10, $0x1;
	s10 =	sld [smem:$0x3FB7];
	_ =	sdelay $0x3  }
0x34: {  	[smem:$0x3FB7] =	sst s10  }
0x35: {  	s10 =	sld [smem:$0x3FB6];
	_ =	sdelay $0x3  }
0x36: {  	p1 =	seq.s32 s10, $0x1;
	s10 =	sld [smem:$0x3FB7];
	_ =	sdelay $0x3  }
0x37: {  	[smem:$0x3FB7] =	sst s10  }
0x38: {  	s10 =	sld [smem:$0x3FB8]  }
0x39: {  	_ = 	snop;
	(pc) =	sbr.ind lr, $3  }
0x3a: {  	_ = 	snop  }
0x3b: {  	_ = 	snop  }
0x3c: {  	p2 =	seq.s32 s10, $0x1;
	s10 =	sld [smem:$0x3FB7]  }
0x3d: {  	_ =	shalt  }
0x3e: {  	_ =	shalt  }
0x3f: {  	_ =	shalt  }
0x40: {  	_ =	shalt  }
0x41: {  	_ =	shalt  }
0x42: {  	_ =	shalt  }
0x43: {  	_ =	shalt  }
0x44: {  	_ =	shalt  }
0x45: {  	_ =	shalt  }
0x46: {  	_ =	shalt  }
0x47: {  	_ =	shalt  }
0x48: {  	_ =	shalt  }
0x49: {  	_ =	shalt  }
0x4a: {  	_ =	shalt  }
0x4b: {  	_ =	shalt  }
0x4c: {  	_ =	shalt  }
0x4d: {  	_ =	shalt  }
0x4e: {  	_ =	shalt  }
0x4f: {  	_ =	shalt  }
0x50: {  	_ =	shalt  }
0x51: {  	_ =	shalt  }
0x52: {  	_ =	shalt  }
0x53: {  	_ =	shalt  }
0x54: {  	_ =	shalt  }
0x55: {  	_ =	shalt  }
0x56: {  	_ =	shalt  }
0x57: {  	_ =	shalt  }
0x58: {  	_ =	shalt  }
0x59: {  	_ =	shalt  }
0x5a: {  	_ =	shalt  }
0x5b: {  	_ =	shalt  }
0x5c: {  	_ =	shalt  }
0x5d: {  	_ =	shalt  }
0x5e: {  	_ =	shalt  }
0x5f: {  	_ =	shalt  }
0x60: {  	_ =	shalt  }
0x61: {  	_ =	shalt  }
0x62: {  	_ =	shalt  }
0x63: {  	_ =	shalt  }
0x64: {  	_ =	shalt  }
0x65: {  	_ =	shalt  }
0x66: {  	_ =	shalt  }
0x67: {  	_ =	shalt  }
0x68: {  	_ =	shalt  }
0x69: {  	_ =	shalt  }
0x6a: {  	_ =	shalt  }
0x6b: {  	_ =	shalt  }
0x6c: {  	_ =	shalt  }
0x6d: {  	_ =	shalt  }
0x6e: {  	_ =	shalt  }
0x6f: {  	_ =	shalt  }
0x70: {  	_ =	shalt  }
0x71: {  	_ =	shalt  }
0x72: {  	_ =	shalt  }
0x73: {  	_ =	shalt  }
0x74: {  	_ =	shalt  }
0x75: {  	_ =	shalt  }
0x76: {  	_ =	shalt  }
0x77: {  	_ =	shalt  }
0x78: {  	_ =	shalt  }
0x79: {  	_ =	shalt  }
0x7a: {  	_ =	shalt  }
0x7b: {  	_ =	shalt  }
0x7c: {  	_ =	shalt  }
0x7d: {  	_ =	shalt  }
0x7e: {  	_ =	shalt  }
0x7f: {  	_ =	shalt  }
0x80: {  	_ =	shalt  }
0x81: {  	_ =	shalt  }
0x82: {  	_ =	shalt  }
0x83: {  	_ =	shalt  }
0x84: {  	_ =	shalt  }
0x85: {  	_ =	shalt  }
0x86: {  	_ =	shalt  }
0x87: {  	_ =	shalt  }
.Lfunc_end0:
.L_simem_size_0:
called_computation_lowered:
.L_overlay_start_0:
0x88: {  	s2 =	sld [smem:$0x3FD9]  }
0x89: {  	s3 =	sld [smem:$0x3FFE];
	_ =	sdelay $0x1  }
0x8a: {  	s1 =	srdreg.scid  }
0x8b: {  	s0 =	sand.u32 $0x1, s1  }
0x8c: {  	s17 =	sshll.u32 s0, $0xA;
	s2 =	sadd.s32 s3, s2  }
0x8d: {  	s2 =	sadd.s32 s2, s17  }
0x8e: {  	[smem:$0x3FC3] =	sst s2  }
0x8f: {  	_ = 	snop  }
0x90: {  	s2 =	sld [smem:$0x3FD0];
	(tm) =	ssettm $0x1  }
0x91: {  	s18 =	sld [smem:$0x3FFB];
	_ =	sdelay $0x3  }
0x92: {  	_ =	strace s18  }
0x93: {  	s3 =	sld [smem:$0x3FFC];
	_ =	sdelay $0x3  }
0x94: {  	_ =	strace s3  }
0x95: {  	s3 =	sld [smem:$0x3FFD];
	_ =	sdelay $0x3  }
0x96: {  	_ =	strace s3  }
0x97: {  	_ =	strace $0x8FFFFFFF  }
0x98: {  	s19 =	sld [smem:$0x3FDB];
	_ =	sdelay $0x1  }
0x99: {  	s4 =	simm.s32 $_scs_section_size  }
0x9a: {  	s5 =	simm.s32 $_size__tile_overlayer_lowered;
	s6 =	simm.s32 $_tile_overlayer_lowered  }
0x9b: {  	s22 =	simm.s32 $0x1BFF;
	s21 =	sshll.u32 s6, $0x1;
	s3 =	sadd.s32 s4, s19  }
0x9c: {  	s7 =	simm.s32 $0x0;
	s20 =	sshll.u32 s5, $0x1;
	s5 =	sadd.s32 s21, s3  }
0x9d: {  	[timem:s7], [sflag:s22] =	dma.local [hbm:s5], s20  }
0x9e: {  	_ =	swait.ge [sflag:s22], s20  }
0x9f: {  	s4 =	ssub.s32 $0x0, s20;
	[sflag:s22] =	ssyncset.done $0x0  }
0xa0: {  	[sflag:s22] =	ssyncadd.s32 s4;
	_ =	sdelay $0x1  }
0xa1: {  	s23 =	simm.s32 $0x1B8B  }
0xa2: {  	_ =	swait.ge [sflag:s23], $0x1  }
0xa3: {  	[sflag:s23] =	ssyncset.done $0x0  }
0xa4: {  	s25 =	simm.s32 $0x1B8E;
	s24 =	sld [smem:$0x3FFE];
	[sflag:s23] =	ssyncadd.s32 $0xFFFFFFFF  }
0xa5: {  	s26 =	simm.s32 $execute0_lowered;
	[smem:$0x3FD2] =	sst s25  }
0xa6: {  	s5 =	sshll.u32 s26, $0x1;
	_ =	strace $0x80000046;
	[dreg:$0x1] =	wrdreg $0xFFFFFFFF  }
0xa7: {  	s28 =	simm.s32 $_size_execute0_lowered;
	s3 =	sadd.s32 s3, s5;
	[dreg:$0x0] =	wrdreg $0x0  }
0xa8: {  	s5 =	sshll.u32 s28, $0x1;
	[dreg:$0x2] =	wrdreg s3  }
0xa9: {  	[dreg:$0x3] =	wrdreg s5  }
0xaa: {  	[dreg:$0x4] =	wrdreg $0xC0  }
0xab: {  	_ =	task [dreg:s7], $0x5FFFF  }
0xac: {  	[dreg:$0x1] =	wrdreg $0xFFFFFFFF  }
0xad: {  	[dreg:$0x0] =	wrdreg $0x60  }
0xae: {  	[dreg:$0x2] =	wrdreg s24  }
0xaf: {  	[dreg:$0x3] =	wrdreg s2  }
0xb0: {  	[dreg:$0x4] =	wrdreg $0x88100  }
0xb1: {  	[dreg:$0x5] =	wrdreg $0x9  }
0xb2: {  	_ =	task.clear_ibuf [dreg:s7], $0x6FFFF;
	_ =	strace $0x90000046  }
0xb3: {  	s29 =	simm.s32 $0x9;
	_ =	strace $0x80000048  }
0xb4: {  	_ =	swait.ge [sflag:s29], $0x1  }
0xb5: {  	[sflag:s29] =	ssyncadd.s32 $0xFFFFFFFF  }
0xb6: {  	_ =	strace $0x90000048  }
0xb7: {  	_ =	sfence  }
0xb8: {  	s30 =	sld [smem:$0x0];
	_ =	sdelay $0x2  }
0xb9: {  	s31 =	sshll.u32 s1, $0xD;
	s1 =	sshrl.u32 s1, $0x2  }
0xba: {  	s3 =	sand.u32 $0x4000, s31;
	s1 =	sadd.s32 s1, s30  }
0xbb: {  	s0 =	sor.u32 s3, s0;
	s1 =	sshll.u32 s1, $0x11  }
0xbc: {  	s0 =	sor.u32 s1, s0  }
0xbd: {  	s0 =	sadd.s32 $0x8F2B, s0  }
0xbe: {  	[sflag:s0] =	ssyncadd.remote.s32 $0x1  }
0xbf: {  	_ =	sfence.sel $0xFFFF  }
0xc0: {  	[dreg:$0x0] =	wrdreg $0xFFFFFFFF;
	(pc) =	sbr.abs _section_cstart, $3  }
0xc1: {  	[dreg:$0x1] =	wrdreg $0xFFFFFFFF  }
0xc2: {  	_ =	task.clear_ibuf [dreg:s7], $0x2FFFF;
	_ =	strace $0x9FFFFFFF  }
0xc3: {  	(tm) =	ssettm $0x7FFFFFFF  }
tec
execute0_lowered:
.L_overlay_start_1:
0x0: {  	(tag) =	ssettag $0x1  }
0x1: {  	s0 =	rddreg [dreg:$0x0]  }
0x2: {  	s1 =	rddreg [dreg:$0x1]  }
0x3: {  	s11 =	rddreg [dreg:$0x2];
	s2 =	simm.s32 $0x0;
	s22 =	simm.s32 $0x400  }
0x4: {  	s3 =	srdreg.scid;
	s12 =	stileid.u32;
	s21 =	simm.s32 $0x2;
	v0 =	vimm.s32 $0x76543210;
	v1 =	vimm.s32 $0xFEDCBA98;
	v2 =	vimm.s32 $0x3210FEDC  }
0x5: {  	s23 =	simm.s32 $0x80;
	v3 =	vimm.s32 $0xBA987654;
	v4 =	vimm.s32 $0x10FEDCBA;
	s24 =	simm.s32 $0x8800;
	s25 =	simm.s32 $0x8CA0  }
0x6: {  	v5 =	vimm.s32 $0x98765432;
	v6 =	vimm.s32 $0xFEDCBA9;
	s26 =	simm.s32 $0x8D20;
	s28 =	simm.s32 $0x0;
	[smem:$0x7FF] =	sst s2  }
0x7: {  	v7 =	vimm.s32 $0x87654321;
	s4 =	sadd.s32 $0x112BA00, s0;
	s5 =	sadd.s32 $0x1FA00, s0;
	s3 =	sand.u32 $0x1, s3  }
0x8: {  	s6 =	sadd.s32 $0xF43400, s0;
	s7 =	sadd.s32 $0x1000, s0;
	s10 =	sshll.u32 s12, $0x7;
	v1 =	vunpack.c.l.s4.s8 v1;
	v0 =	vunpack.c.l.s4.s8 v0;
	v2 =	vunpack.c.l.s4.s8 v2  }
0x9: {  	s16 =	sshll.u32 s12, $0xA;
	s30 =	sshll.u32 s12, $0x4;
	v3 =	vunpack.c.l.s4.s8 v3;
	v4 =	vunpack.c.l.s4.s8 v4;
	v5 =	vunpack.c.l.s4.s8 v5;
	s8 =	ssub.s32 $0x2, s3  }
0xa: {  	v6 =	vunpack.c.l.s4.s8 v6;
	v7 =	vunpack.c.l.s4.s8 v7;
	_ =	strace $0x80000047;
	s11 =	sadd.s32 s30, s11;
	s9 =	sshrl.u32 s8, $0x1;
	v1 =	vunpack.c.0.s8.s32 v1  }
0xb: {  	v2 =	vunpack.c.0.s8.s32 v2;
	v3 =	vunpack.c.0.s8.s32 v3;
	v4 =	vunpack.c.0.s8.s32 v4;
	s20 =	ssub.s32 s8, s9;
	s8 =	sadd.s32 s0, s10;
	s10 =	sshll.u32 s3, $0x9  }
0xc: {  	v5 =	vunpack.c.0.s8.s32 v5;
	v6 =	vunpack.c.0.s8.s32 v6;
	v7 =	vunpack.c.0.s8.s32 v7;
	s3 =	simm.s32 $0x8AA0;
	s9 =	sadd.s32 $0x800, s8;
	s12 =	sor.u32 $0x400, s10  }
0xd: {  	v0 =	vunpack.c.0.s8.s32 v0;
	s13 =	sor.u32 $0x80, s10;
	s14 =	sor.u32 $0x480, s10;
	s15 =	sor.u32 $0x100, s10;
	v2 =	vcombine.low v3, v2  }
0xe: {  	s31 =	sor.u32 s10, s16;
	s16 =	sor.u32 $0x500, s10;
	s17 =	sor.u32 $0x180, s10;
	v3 =	vcombine.low v5, v4;
	v4 =	vcombine.low v7, v6;
	v1 =	vand.u32 $0xF, v1  }
0xf: {  	s18 =	sor.u32 $0x580, s10;
	s20 =	smax.u32 s20, $0x1;
	s0 =	sshrl.u32 s31, $0x3;
	v0 =	vcombine.low v1, v0  }
0x10: {  	s19 =	sadd.s32 s1, s0;
	s1 =	simm.s32 $0x1;
	s0 =	simm.s32 $0x8C20;
	v1 =	vand.u32 $0xF, v2;
	v2 =	vand.u32 $0xF, v3;
	v3 =	vand.u32 $0xF, v4  }
.LBB2_1:
0x11: {  	[tilespmem:s2], [sflag:$0x2] =	stream.linear.gather [hbm4b:s9+s2], $0x400, $0x38;
	[tilespmem:$0x8F20] =	vst v63  }
0x12: {  	_ =	swait.ge [sflag:s21], $0x400  }
0x13: {  	[sflag:s21] =	ssyncset.done $0x0  }
0x14: {  	[sflag:s21] =	ssyncadd.s32 $0xFFFFFC00  }
0x15: {  	[tilespmem:s22], [sflag:$0x2] =	stream.linear.gather [hbm4b:s8+s2], $0x400, $0x38;
	[tilespmem:$0x8F20] =	vst v63  }
0x16: {  	_ =	swait.ge [sflag:s21], $0x400  }
0x17: {  	[sflag:s21] =	ssyncset.done $0x0  }
0x18: {  	s29 =	simm.s32 $0x800;
	[sflag:s21] =	ssyncadd.s32 $0xFFFFFC00  }
0x19: {  	[tilespmem:s29], [sflag:$0x1] =	stream.indirect.gather [hbm4b:s4+s23], $0x10, s2, s23, $0xb8;
	[tilespmem:$0x8F20] =	vst v63  }
0x1a: {  	s29 =	simm.s32 $0x4800  }
0x1b: {  	[tilespmem:s29], [sflag:$0x1] =	stream.indirect.gather [hbm4b:s6+s23], $0x10, s22, s23, $0xb8;
	[tilespmem:$0x8F20] =	vst v63  }
0x1c: {  	s29 =	simm.s32 $0x1000  }
0x1d: {  	[tilespmem:s29], [sflag:$0x1] =	stream.indirect.gather [hbm4b:s4+s23], $0x10, s23, s23, $0xb8;
	[tilespmem:$0x8F20] =	vst v63  }
0x1e: {  	s30 =	simm.s32 $0x5000;
	s29 =	simm.s32 $0x480  }
0x1f: {  	[tilespmem:s30], [sflag:$0x1] =	stream.indirect.gather [hbm4b:s6+s23], $0x10, s29, s23, $0xb8;
	[tilespmem:$0x8F20] =	vst v63  }
0x20: {  	s31 =	simm.s32 $0x1800;
	s29 =	simm.s32 $0x100  }
0x21: {  	[tilespmem:s31], [sflag:$0x1] =	stream.indirect.gather [hbm4b:s4+s23], $0x10, s29, s23, $0xb8;
	[tilespmem:$0x8F20] =	vst v63  }
0x22: {  	s29 =	simm.s32 $0x500;
	s31 =	simm.s32 $0x5800  }
0x23: {  	[tilespmem:s31], [sflag:$0x1] =	stream.indirect.gather [hbm4b:s6+s23], $0x10, s29, s23, $0xb8;
	[tilespmem:$0x8F20] =	vst v63  }
0x24: {  	s29 =	simm.s32 $0x180;
	s31 =	simm.s32 $0x2000  }
0x25: {  	[tilespmem:s31], [sflag:$0x1] =	stream.indirect.gather [hbm4b:s4+s23], $0x10, s29, s23, $0xb8;
	[tilespmem:$0x8F20] =	vst v63  }
0x26: {  	s29 =	simm.s32 $0x580;
	s31 =	simm.s32 $0x6000  }
0x27: {  	[tilespmem:s31], [sflag:$0x1] =	stream.indirect.gather [hbm4b:s6+s23], $0x10, s29, s23, $0xb8;
	[tilespmem:$0x8F20] =	vst v63  }
0x28: {  	s29 =	simm.s32 $0x200;
	s31 =	simm.s32 $0x2800  }
0x29: {  	[tilespmem:s31], [sflag:$0x1] =	stream.indirect.gather [hbm4b:s4+s23], $0x10, s29, s23, $0xb8;
	[tilespmem:$0x8F20] =	vst v63  }
0x2a: {  	s29 =	simm.s32 $0x600;
	s31 =	simm.s32 $0x6800  }
0x2b: {  	[tilespmem:s31], [sflag:$0x1] =	stream.indirect.gather [hbm4b:s6+s23], $0x10, s29, s23, $0xb8;
	[tilespmem:$0x8F20] =	vst v63  }
0x2c: {  	s29 =	simm.s32 $0x280;
	s31 =	simm.s32 $0x3000  }
0x2d: {  	[tilespmem:s31], [sflag:$0x1] =	stream.indirect.gather [hbm4b:s4+s23], $0x10, s29, s23, $0xb8;
	[tilespmem:$0x8F20] =	vst v63  }
0x2e: {  	s29 =	simm.s32 $0x680;
	s31 =	simm.s32 $0x7000  }
0x2f: {  	[tilespmem:s31], [sflag:$0x1] =	stream.indirect.gather [hbm4b:s6+s23], $0x10, s29, s23, $0xb8;
	[tilespmem:$0x8F20] =	vst v63  }
0x30: {  	s29 =	simm.s32 $0x300;
	s31 =	simm.s32 $0x3800  }
0x31: {  	[tilespmem:s31], [sflag:$0x1] =	stream.indirect.gather [hbm4b:s4+s23], $0x10, s29, s23, $0xb8;
	[tilespmem:$0x8F20] =	vst v63  }
0x32: {  	s29 =	simm.s32 $0x700;
	s31 =	simm.s32 $0x7800  }
0x33: {  	[tilespmem:s31], [sflag:$0x1] =	stream.indirect.gather [hbm4b:s6+s23], $0x10, s29, s23, $0xb8;
	[tilespmem:$0x8F20] =	vst v63  }
0x34: {  	s29 =	simm.s32 $0x380;
	s31 =	simm.s32 $0x4000  }
0x35: {  	[tilespmem:s31], [sflag:$0x1] =	stream.indirect.gather [hbm4b:s4+s23], $0x10, s29, s23, $0xb8;
	[tilespmem:$0x8F20] =	vst v63  }
0x36: {  	s29 =	simm.s32 $0x780;
	s31 =	simm.s32 $0x8000  }
0x37: {  	[tilespmem:s31], [sflag:$0x1] =	stream.indirect.gather [hbm4b:s6+s23], $0x10, s29, s23, $0xb8;
	[tilespmem:$0x8F20] =	vst v63  }
0x38: {  	_ =	swait.ge [sflag:s1], $0x800  }
0x39: {  	[sflag:s1] =	ssyncset.done $0x0  }
0x3a: {  	[sflag:s1] =	ssyncadd.s32 $0xFFFFF800  }
0x3b: {  	_ =	swait.ge [sflag:s1], $0x800  }
0x3c: {  	[sflag:s1] =	ssyncset.done $0x0  }
0x3d: {  	[sflag:s1] =	ssyncadd.s32 $0xFFFFF800  }
0x3e: {  	_ =	swait.ge [sflag:s1], $0x800  }
0x3f: {  	[sflag:s1] =	ssyncset.done $0x0  }
0x40: {  	[sflag:s1] =	ssyncadd.s32 $0xFFFFF800  }
0x41: {  	_ =	swait.ge [sflag:s1], $0x800  }
0x42: {  	[sflag:s1] =	ssyncset.done $0x0  }
0x43: {  	[sflag:s1] =	ssyncadd.s32 $0xFFFFF800  }
0x44: {  	_ =	swait.ge [sflag:s1], $0x800  }
0x45: {  	[sflag:s1] =	ssyncset.done $0x0  }
0x46: {  	[sflag:s1] =	ssyncadd.s32 $0xFFFFF800  }
0x47: {  	_ =	swait.ge [sflag:s1], $0x800  }
0x48: {  	[sflag:s1] =	ssyncset.done $0x0  }
0x49: {  	[sflag:s1] =	ssyncadd.s32 $0xFFFFF800  }
0x4a: {  	_ =	swait.ge [sflag:s1], $0x800  }
0x4b: {  	[sflag:s1] =	ssyncset.done $0x0  }
0x4c: {  	[sflag:s1] =	ssyncadd.s32 $0xFFFFF800  }
0x4d: {  	_ =	swait.ge [sflag:s1], $0x800  }
0x4e: {  	[sflag:s1] =	ssyncset.done $0x0  }
0x4f: {  	[sflag:s1] =	ssyncadd.s32 $0xFFFFF800  }
0x50: {  	_ =	swait.ge [sflag:s1], $0x800  }
0x51: {  	[sflag:s1] =	ssyncset.done $0x0  }
0x52: {  	[sflag:s1] =	ssyncadd.s32 $0xFFFFF800  }
0x53: {  	_ =	swait.ge [sflag:s1], $0x800  }
0x54: {  	[sflag:s1] =	ssyncset.done $0x0  }
0x55: {  	[sflag:s1] =	ssyncadd.s32 $0xFFFFF800  }
0x56: {  	_ =	swait.ge [sflag:s1], $0x800  }
0x57: {  	[sflag:s1] =	ssyncset.done $0x0  }
0x58: {  	[sflag:s1] =	ssyncadd.s32 $0xFFFFF800  }
0x59: {  	_ =	swait.ge [sflag:s1], $0x800  }
0x5a: {  	[sflag:s1] =	ssyncset.done $0x0  }
0x5b: {  	[sflag:s1] =	ssyncadd.s32 $0xFFFFF800  }
0x5c: {  	_ =	swait.ge [sflag:s1], $0x800  }
0x5d: {  	[sflag:s1] =	ssyncset.done $0x0  }
0x5e: {  	[sflag:s1] =	ssyncadd.s32 $0xFFFFF800  }
0x5f: {  	_ =	swait.ge [sflag:s1], $0x800  }
0x60: {  	[sflag:s1] =	ssyncset.done $0x0  }
0x61: {  	[sflag:s1] =	ssyncadd.s32 $0xFFFFF800  }
0x62: {  	_ =	swait.ge [sflag:s1], $0x800  }
0x63: {  	[sflag:s1] =	ssyncset.done $0x0  }
0x64: {  	[sflag:s1] =	ssyncadd.s32 $0xFFFFF800  }
0x65: {  	_ =	swait.ge [sflag:s1], $0x800  }
0x66: {  	[sflag:s1] =	ssyncset.done $0x0  }
0x67: {  	s29 =	simm.s32 $0x0;
	[sflag:s1] =	ssyncadd.s32 $0xFFFFF800  }
0x68: {  	v5 =	vld [tilespmem:s29+$0x800]  }
0x69: {  	v4 =	vimm.f32 $0.0e+00;
	v6 =	vld [tilespmem:s29+$0x4800];
	s29 =	simm.s32 $0x40  }
.LBB2_2:
0x6a: {  	_ = 	snop  }
0x6b: {  	p0 =	sne.s32 s29, $0x1FC0  }
.Ltmp0:
0x6c: {  	_ = 	snop;
	(pc) =	sbr.rel @p0 .LBB2_2-.Ltmp0, $4  }
0x6d: {  	_ = 	snop  }
0x6e: {  	s30 =	sshra.s32 s29, $0x2;
	v7 =	vmul.f32 v6, v5  }
0x6f: {  	v5 =	vld [tilespmem:s30+$0x800]  }
0x70: {  	s29 =	sadd.s32 $0x40, s29;
	v6 =	vld [tilespmem:s30+$0x4800];
	v4 =	vadd.f32 v7, v4  }
0x71: {  	_ =	sdelay $0x3  }
0x72: {  	s29 =	simm.s32 $0x0;
	v6 =	vmul.f32 v6, v5  }
0x73: {  	v5 =	vld [tilespmem:s29+$0x1000]  }
0x74: {  	s30 =	simm.s32 $0x40;
	v4 =	vadd.f32 v6, v4;
	v6 =	vld [tilespmem:s29+$0x5000]  }
.LBB2_4:
0x75: {  	_ = 	snop  }
0x76: {  	p0 =	sne.s32 s30, $0x1FC0  }
.Ltmp1:
0x77: {  	_ = 	snop;
	(pc) =	sbr.rel @p0 .LBB2_4-.Ltmp1, $4  }
0x78: {  	_ = 	snop  }
0x79: {  	s31 =	sshra.s32 s30, $0x2;
	v7 =	vmul.f32 v6, v5  }
0x7a: {  	v5 =	vld [tilespmem:s31+$0x1000]  }
0x7b: {  	s30 =	sadd.s32 $0x40, s30;
	v6 =	vld [tilespmem:s31+$0x5000];
	v4 =	vadd.f32 v7, v4  }
0x7c: {  	_ =	sdelay $0x3  }
0x7d: {  	v6 =	vmul.f32 v6, v5  }
0x7e: {  	v5 =	vld [tilespmem:s29+$0x1800]  }
0x7f: {  	s30 =	simm.s32 $0x40;
	v4 =	vadd.f32 v6, v4;
	v6 =	vld [tilespmem:s29+$0x5800]  }
.LBB2_6:
0x80: {  	_ = 	snop  }
0x81: {  	p0 =	sne.s32 s30, $0x1FC0  }
.Ltmp2:
0x82: {  	_ = 	snop;
	(pc) =	sbr.rel @p0 .LBB2_6-.Ltmp2, $4  }
0x83: {  	_ = 	snop  }
0x84: {  	s29 =	sshra.s32 s30, $0x2;
	v7 =	vmul.f32 v6, v5  }
0x85: {  	v5 =	vld [tilespmem:s29+$0x1800]  }
0x86: {  	s30 =	sadd.s32 $0x40, s30;
	v6 =	vld [tilespmem:s29+$0x5800];
	v4 =	vadd.f32 v7, v4  }
0x87: {  	_ =	sdelay $0x3  }
0x88: {  	s29 =	simm.s32 $0x0;
	v6 =	vmul.f32 v6, v5  }
0x89: {  	v5 =	vld [tilespmem:s29+$0x2000]  }
0x8a: {  	s30 =	simm.s32 $0x40;
	v4 =	vadd.f32 v6, v4;
	v6 =	vld [tilespmem:s29+$0x6000]  }
.LBB2_8:
0x8b: {  	_ = 	snop  }
0x8c: {  	p0 =	sne.s32 s30, $0x1FC0  }
.Ltmp3:
0x8d: {  	_ = 	snop;
	(pc) =	sbr.rel @p0 .LBB2_8-.Ltmp3, $4  }
0x8e: {  	_ = 	snop  }
0x8f: {  	s31 =	sshra.s32 s30, $0x2;
	v7 =	vmul.f32 v6, v5  }
0x90: {  	v5 =	vld [tilespmem:s31+$0x2000]  }
0x91: {  	s30 =	sadd.s32 $0x40, s30;
	v6 =	vld [tilespmem:s31+$0x6000];
	v4 =	vadd.f32 v7, v4  }
0x92: {  	_ =	sdelay $0x3  }
0x93: {  	v6 =	vmul.f32 v6, v5  }
0x94: {  	v5 =	vld [tilespmem:s29+$0x2800]  }
0x95: {  	s30 =	simm.s32 $0x40;
	v4 =	vadd.f32 v6, v4;
	v6 =	vld [tilespmem:s29+$0x6800]  }
.LBB2_10:
0x96: {  	_ = 	snop  }
0x97: {  	p0 =	sne.s32 s30, $0x1FC0  }
.Ltmp4:
0x98: {  	_ = 	snop;
	(pc) =	sbr.rel @p0 .LBB2_10-.Ltmp4, $4  }
0x99: {  	_ = 	snop  }
0x9a: {  	s29 =	sshra.s32 s30, $0x2;
	v7 =	vmul.f32 v6, v5  }
0x9b: {  	v5 =	vld [tilespmem:s29+$0x2800]  }
0x9c: {  	s30 =	sadd.s32 $0x40, s30;
	v6 =	vld [tilespmem:s29+$0x6800];
	v4 =	vadd.f32 v7, v4  }
0x9d: {  	_ =	sdelay $0x3  }
0x9e: {  	s29 =	simm.s32 $0x0;
	v6 =	vmul.f32 v6, v5  }
0x9f: {  	v5 =	vld [tilespmem:s29+$0x3000]  }
0xa0: {  	s30 =	simm.s32 $0x40;
	v4 =	vadd.f32 v6, v4;
	v6 =	vld [tilespmem:s29+$0x7000]  }
.LBB2_12:
0xa1: {  	_ = 	snop  }
0xa2: {  	p0 =	sne.s32 s30, $0x1FC0  }
.Ltmp5:
0xa3: {  	_ = 	snop;
	(pc) =	sbr.rel @p0 .LBB2_12-.Ltmp5, $4  }
0xa4: {  	_ = 	snop  }
0xa5: {  	s31 =	sshra.s32 s30, $0x2;
	v7 =	vmul.f32 v6, v5  }
0xa6: {  	v5 =	vld [tilespmem:s31+$0x3000]  }
0xa7: {  	s30 =	sadd.s32 $0x40, s30;
	v6 =	vld [tilespmem:s31+$0x7000];
	v4 =	vadd.f32 v7, v4  }
0xa8: {  	_ =	sdelay $0x3  }
0xa9: {  	v6 =	vmul.f32 v6, v5  }
0xaa: {  	v5 =	vld [tilespmem:s29+$0x3800]  }
0xab: {  	s30 =	simm.s32 $0x40;
	v4 =	vadd.f32 v6, v4;
	v6 =	vld [tilespmem:s29+$0x7800]  }
.LBB2_14:
0xac: {  	_ = 	snop  }
0xad: {  	p0 =	sne.s32 s30, $0x1FC0  }
.Ltmp6:
0xae: {  	_ = 	snop;
	(pc) =	sbr.rel @p0 .LBB2_14-.Ltmp6, $4  }
0xaf: {  	_ = 	snop  }
0xb0: {  	s29 =	sshra.s32 s30, $0x2;
	v7 =	vmul.f32 v6, v5  }
0xb1: {  	v5 =	vld [tilespmem:s29+$0x3800]  }
0xb2: {  	s30 =	sadd.s32 $0x40, s30;
	v6 =	vld [tilespmem:s29+$0x7800];
	v4 =	vadd.f32 v7, v4  }
0xb3: {  	_ =	sdelay $0x3  }
0xb4: {  	s30 =	simm.s32 $0x0;
	v6 =	vmul.f32 v6, v5  }
0xb5: {  	v5 =	vld [tilespmem:s30+$0x4000]  }
0xb6: {  	s29 =	simm.s32 $0x40;
	v4 =	vadd.f32 v6, v4;
	v6 =	vld [tilespmem:s30+$0x8000]  }
.LBB2_16:
0xb7: {  	_ = 	snop  }
0xb8: {  	p0 =	sne.s32 s29, $0x1FC0  }
.Ltmp7:
0xb9: {  	_ = 	snop;
	(pc) =	sbr.rel @p0 .LBB2_16-.Ltmp7, $4  }
0xba: {  	_ = 	snop  }
0xbb: {  	s30 =	sshra.s32 s29, $0x2;
	v7 =	vmul.f32 v6, v5  }
0xbc: {  	v5 =	vld [tilespmem:s30+$0x4000]  }
0xbd: {  	s29 =	sadd.s32 $0x40, s29;
	v6 =	vld [tilespmem:s30+$0x8000];
	v4 =	vadd.f32 v7, v4  }
0xbe: {  	_ =	sdelay $0x3  }
0xbf: {  	v5 =	vmul.f32 v6, v5;
	_ =	sdelay $0x1  }
0xc0: {  	v4 =	vadd.f32 v5, v4;
	_ =	sdelay $0x1  }
0xc1: {  	[tilespmem:$0x8800] =	vst v4  }
0xc2: {  	[spmem:s11] =	stream.linear.scatter [tilespmem:s24], [sflag:$0x2], $0x10, $0x38;
	[tilespmem:$0x8F20] =	vst v63  }
0xc3: {  	_ =	swait.ge [sflag:s21], $0x10  }
0xc4: {  	[sflag:s21] =	ssyncset.done $0x0  }
0xc5: {  	[sflag:s21] =	ssyncadd.s32 $0xFFFFFFF0  }
0xc6: {  	[bflag:$0x0] =	sbarrier.arrive $0xFFFF  }
0xc7: {  	s30 =	simm.s32 $0x8820;
	s29 =	rddreg [dreg:$0x2]  }
0xc8: {  	[tilespmem:s30], [sflag:$0x2] =	stream.linear.gather [spmem:s29], $0x100, $0x38;
	[tilespmem:$0x8F20] =	vst v63  }
0xc9: {  	_ =	swait.ge [sflag:s21], $0x100  }
0xca: {  	[sflag:s21] =	ssyncset.done $0x0  }
0xcb: {  	[sflag:s21] =	ssyncadd.s32 $0xFFFFFF00  }
0xcc: {  	v4 =	vld [tilespmem:$0x8820];
	_ =	sdelay $0x1  }
0xcd: {  	v5 =	vld [tilespmem:$0x8830];
	_ =	sdelay $0x1  }
0xce: {  	v12 =	vld [tilespmem:$0x8840]  }
0xcf: {  	v4 =	vadd.f32 $0.0e+00, v4  }
0xd0: {  	v7 =	vld [tilespmem:$0x8850]  }
0xd1: {  	v4 =	vadd.f32 v5, v4  }
0xd2: {  	v5 =	vld [tilespmem:$0x8860]  }
0xd3: {  	v4 =	vadd.f32 v12, v4  }
0xd4: {  	v13 =	vld [tilespmem:$0x8870]  }
0xd5: {  	v4 =	vadd.f32 v7, v4  }
0xd6: {  	v14 =	vld [tilespmem:$0x8880]  }
0xd7: {  	v4 =	vadd.f32 v5, v4  }
0xd8: {  	v5 =	vld [tilespmem:$0x8890]  }
0xd9: {  	v4 =	vadd.f32 v13, v4  }
0xda: {  	v15 =	vld [tilespmem:$0x88A0]  }
0xdb: {  	v4 =	vadd.f32 v14, v4  }
0xdc: {  	v16 =	vld [tilespmem:$0x88B0]  }
0xdd: {  	v4 =	vadd.f32 v5, v4  }
0xde: {  	v5 =	vld [tilespmem:$0x88C0]  }
0xdf: {  	v4 =	vadd.f32 v15, v4  }
0xe0: {  	v17 =	vld [tilespmem:$0x88D0]  }
0xe1: {  	v4 =	vadd.f32 v16, v4  }
0xe2: {  	v18 =	vld [tilespmem:$0x88E0]  }
0xe3: {  	v4 =	vadd.f32 v5, v4  }
0xe4: {  	v5 =	vld [tilespmem:$0x88F0]  }
0xe5: {  	v4 =	vadd.f32 v17, v4  }
0xe6: {  	v19 =	vld [tilespmem:$0x8900]  }
0xe7: {  	v4 =	vadd.f32 v18, v4  }
0xe8: {  	v20 =	vld [tilespmem:$0x8910]  }
0xe9: {  	v4 =	vadd.f32 v5, v4;
	_ =	sdelay $0x1  }
0xea: {  	v4 =	vadd.f32 v19, v4;
	_ =	sdelay $0x1  }
0xeb: {  	v4 =	vadd.f32 v20, v4;
	_ =	sdelay $0x1  }
0xec: {  	[tilespmem:$0x8800] =	vst v4  }
0xed: {  	v5 =	vld.idx.msk [tilespmem:v0+s24+$0x0], $0xffff;
	_ =	sdelay $0x4  }
0xee: {  	v4 =	vadd.f32 v5, v4;
	_ =	sdelay $0x1  }
0xef: {  	[tilespmem:$0x8800] =	vst v4  }
0xf0: {  	v5 =	vld.idx.msk [tilespmem:v1+s24+$0x0], $0xffff;
	_ =	sdelay $0x4  }
0xf1: {  	v4 =	vadd.f32 v5, v4;
	_ =	sdelay $0x1  }
0xf2: {  	[tilespmem:$0x8800] =	vst v4  }
0xf3: {  	v5 =	vld.idx.msk [tilespmem:v2+s24+$0x0], $0xffff;
	_ =	sdelay $0x4  }
0xf4: {  	v4 =	vadd.f32 v5, v4;
	_ =	sdelay $0x1  }
0xf5: {  	s31 =	simm.s32 $0x8920;
	[tilespmem:$0x8800] =	vst v4  }
0xf6: {  	v5 =	vld.idx.msk [tilespmem:v3+s24+$0x0], $0xffff;
	[tilespmem:s31], [sflag:$0x1] =	stream.indirect.gather [hbm4b:s5+s23], $0x1, s10, s23, $0xb8  }
0xf7: {  	s30 =	simm.s32 $0x8B20  }
0xf8: {  	[tilespmem:s30], [sflag:$0x1] =	stream.indirect.gather [hbm4b:s7+s23], $0x1, s12, s23, $0xb8;
	[tilespmem:$0x8F20] =	vst v63  }
0xf9: {  	s31 =	simm.s32 $0x89A0  }
0xfa: {  	[tilespmem:s31], [sflag:$0x1] =	stream.indirect.gather [hbm4b:s5+s23], $0x1, s13, s23, $0xb8;
	[tilespmem:$0x8F20] =	vst v63  }
0xfb: {  	s30 =	simm.s32 $0x8BA0  }
0xfc: {  	[tilespmem:s30], [sflag:$0x1] =	stream.indirect.gather [hbm4b:s7+s23], $0x1, s14, s23, $0xb8;
	[tilespmem:$0x8F20] =	vst v63  }
0xfd: {  	s31 =	simm.s32 $0x8A20  }
0xfe: {  	[tilespmem:s31], [sflag:$0x1] =	stream.indirect.gather [hbm4b:s5+s23], $0x1, s15, s23, $0xb8;
	[tilespmem:$0x8F20] =	vst v63  }
0xff: {  	_ = 	snop  }
0x100: {  	[tilespmem:s0], [sflag:$0x1] =	stream.indirect.gather [hbm4b:s7+s23], $0x1, s16, s23, $0xb8;
	[tilespmem:$0x8F20] =	vst v63  }
0x101: {  	_ = 	snop  }
0x102: {  	[tilespmem:s3], [sflag:$0x1] =	stream.indirect.gather [hbm4b:s5+s23], $0x1, s17, s23, $0xb8;
	[tilespmem:$0x8F20] =	vst v63  }
0x103: {  	_ = 	snop  }
0x104: {  	[tilespmem:s25], [sflag:$0x1] =	stream.indirect.gather [hbm4b:s7+s23], $0x1, s18, s23, $0xb8;
	[tilespmem:$0x8F20] =	vst v63  }
0x105: {  	_ =	swait.ge [sflag:s1], $0x80  }
0x106: {  	[sflag:s1] =	ssyncset.done $0x0  }
0x107: {  	[sflag:s1] =	ssyncadd.s32 $0xFFFFFF80  }
0x108: {  	_ =	swait.ge [sflag:s1], $0x80  }
0x109: {  	[sflag:s1] =	ssyncset.done $0x0  }
0x10a: {  	[sflag:s1] =	ssyncadd.s32 $0xFFFFFF80  }
0x10b: {  	_ =	swait.ge [sflag:s1], $0x80  }
0x10c: {  	[sflag:s1] =	ssyncset.done $0x0  }
0x10d: {  	[sflag:s1] =	ssyncadd.s32 $0xFFFFFF80  }
0x10e: {  	_ =	swait.ge [sflag:s1], $0x80  }
0x10f: {  	[sflag:s1] =	ssyncset.done $0x0  }
0x110: {  	[sflag:s1] =	ssyncadd.s32 $0xFFFFFF80  }
0x111: {  	_ =	swait.ge [sflag:s1], $0x80  }
0x112: {  	[sflag:s1] =	ssyncset.done $0x0  }
0x113: {  	[sflag:s1] =	ssyncadd.s32 $0xFFFFFF80  }
0x114: {  	_ =	swait.ge [sflag:s1], $0x80  }
0x115: {  	[sflag:s1] =	ssyncset.done $0x0  }
0x116: {  	[sflag:s1] =	ssyncadd.s32 $0xFFFFFF80  }
0x117: {  	_ =	swait.ge [sflag:s1], $0x80  }
0x118: {  	[sflag:s1] =	ssyncset.done $0x0  }
0x119: {  	[sflag:s1] =	ssyncadd.s32 $0xFFFFFF80  }
0x11a: {  	_ =	swait.ge [sflag:s1], $0x80  }
0x11b: {  	[sflag:s1] =	ssyncset.done $0x0  }
0x11c: {  	[sflag:s1] =	ssyncadd.s32 $0xFFFFFF80  }
0x11d: {  	v21 =	vld [tilespmem:$0x8920];
	_ =	sdelay $0x1  }
0x11e: {  	v22 =	vld [tilespmem:$0x8B20]  }
0x11f: {  	v4 =	vadd.f32 v5, v4;
	_ =	sdelay $0x1  }
0x120: {  	v5 =	vadd.f32 v21, v4;
	_ =	sdelay $0x1  }
0x121: {  	v5 =	vadd.f32 v22, v5;
	_ =	sdelay $0x1  }
0x122: {  	v5 =	vsub.f32 $0.0e+00, v5;
	_ =	sdelay $0x1  }
0x123: {  	v5 =	vmul.f32 $1.442695020e+00, v5;
	_ =	sdelay $0x1  }
0x124: {  	(erf) = vpow2.f32 v5;
	v5 =	vld [tilespmem:$0x8930];
	_ =	sdelay $0x1  }
0x125: {  	v23 =	vld [tilespmem:$0x8B30];
	_ =	sdelay $0x2  }
0x126: {  	v5 =	vadd.f32 v5, v4;
	_ =	sdelay $0x1  }
0x127: {  	v5 =	vadd.f32 v23, v5;
	_ =	sdelay $0x1  }
0x128: {  	v24 =	vpop (erf);
	v5 =	vsub.f32 $0.0e+00, v5  }
0x129: {  	v6 =	vadd.f32 $1.000000000e+00, v24  }
0x12a: {  	v5 =	vmul.f32 $1.442695020e+00, v5  }
0x12b: {  	(erf) = vrcp.f32 v6  }
0x12c: {  	(erf) = vpow2.f32 v5;
	v5 =	vld [tilespmem:$0x8940];
	_ =	sdelay $0x2  }
0x12d: {  	v25 =	vld [tilespmem:$0x8B40];
	_ =	sdelay $0x1  }
0x12e: {  	v5 =	vadd.f32 v5, v4;
	_ =	sdelay $0x2  }
0x12f: {  	v6 =	vadd.f32 v25, v5  }
0x130: {  	v5 =	vpop (erf)  }
0x131: {  	v6 =	vsub.f32 $0.0e+00, v6;
	v26 =	vpop (erf)  }
0x132: {  	v7 =	vadd.f32 $1.000000000e+00, v26  }
0x133: {  	v6 =	vmul.f32 $1.442695020e+00, v6  }
0x134: {  	v27 =	vld [tilespmem:$0x8950];
	(erf) = vrcp.f32 v7  }
0x135: {  	(erf) = vpow2.f32 v6;
	_ =	sdelay $0x1  }
0x136: {  	v28 =	vld [tilespmem:$0x8B50];
	_ =	sdelay $0x1  }
0x137: {  	v6 =	vadd.f32 v27, v4;
	_ =	sdelay $0x2  }
0x138: {  	v7 =	vadd.f32 v28, v6  }
0x139: {  	v6 =	vpop (erf)  }
0x13a: {  	v7 =	vsub.f32 $0.0e+00, v7;
	v8 =	vpop (erf)  }
0x13b: {  	v8 =	vadd.f32 $1.000000000e+00, v8  }
0x13c: {  	v7 =	vmul.f32 $1.442695020e+00, v7  }
0x13d: {  	v29 =	vld [tilespmem:$0x8960];
	(erf) = vrcp.f32 v8  }
0x13e: {  	(erf) = vpow2.f32 v7;
	_ =	sdelay $0x1  }
0x13f: {  	v30 =	vld [tilespmem:$0x8B60];
	_ =	sdelay $0x1  }
0x140: {  	v7 =	vadd.f32 v29, v4;
	_ =	sdelay $0x2  }
0x141: {  	v8 =	vadd.f32 v30, v7  }
0x142: {  	v7 =	vpop (erf)  }
0x143: {  	v8 =	vsub.f32 $0.0e+00, v8;
	v9 =	vpop (erf)  }
0x144: {  	v9 =	vadd.f32 $1.000000000e+00, v9  }
0x145: {  	v8 =	vmul.f32 $1.442695020e+00, v8  }
0x146: {  	v31 =	vld [tilespmem:$0x8970];
	(erf) = vrcp.f32 v9  }
0x147: {  	(erf) = vpow2.f32 v8;
	_ =	sdelay $0x1  }
0x148: {  	v32 =	vld [tilespmem:$0x8B70];
	_ =	sdelay $0x1  }
0x149: {  	v8 =	vadd.f32 v31, v4;
	_ =	sdelay $0x2  }
0x14a: {  	v9 =	vadd.f32 v32, v8  }
0x14b: {  	v8 =	vpop (erf)  }
0x14c: {  	v9 =	vsub.f32 $0.0e+00, v9;
	v10 =	vpop (erf)  }
0x14d: {  	v10 =	vadd.f32 $1.000000000e+00, v10  }
0x14e: {  	v9 =	vmul.f32 $1.442695020e+00, v9  }
0x14f: {  	v33 =	vld [tilespmem:$0x8980];
	(erf) = vrcp.f32 v10  }
0x150: {  	(erf) = vpow2.f32 v9;
	_ =	sdelay $0x1  }
0x151: {  	v34 =	vld [tilespmem:$0x8B80];
	_ =	sdelay $0x1  }
0x152: {  	v9 =	vadd.f32 v33, v4;
	_ =	sdelay $0x2  }
0x153: {  	v10 =	vadd.f32 v34, v9  }
0x154: {  	v9 =	vpop (erf)  }
0x155: {  	v10 =	vsub.f32 $0.0e+00, v10;
	v11 =	vpop (erf)  }
0x156: {  	v11 =	vadd.f32 $1.000000000e+00, v11  }
0x157: {  	v10 =	vmul.f32 $1.442695020e+00, v10  }
0x158: {  	v35 =	vld [tilespmem:$0x8990];
	(erf) = vrcp.f32 v11  }
0x159: {  	(erf) = vpow2.f32 v10;
	_ =	sdelay $0x1  }
0x15a: {  	v36 =	vld [tilespmem:$0x8B90];
	_ =	sdelay $0x1  }
0x15b: {  	v10 =	vadd.f32 v35, v4;
	_ =	sdelay $0x2  }
0x15c: {  	v11 =	vadd.f32 v36, v10  }
0x15d: {  	v10 =	vpop (erf)  }
0x15e: {  	v11 =	vsub.f32 $0.0e+00, v11;
	v12 =	vpop (erf)  }
0x15f: {  	v12 =	vadd.f32 $1.000000000e+00, v12  }
0x160: {  	v11 =	vmul.f32 $1.442695020e+00, v11  }
0x161: {  	v37 =	vld [tilespmem:$0x89A0];
	(erf) = vrcp.f32 v12  }
0x162: {  	(erf) = vpow2.f32 v11;
	_ =	sdelay $0x1  }
0x163: {  	v38 =	vld [tilespmem:$0x8BA0];
	_ =	sdelay $0x1  }
0x164: {  	v11 =	vadd.f32 v37, v4;
	_ =	sdelay $0x2  }
0x165: {  	v12 =	vadd.f32 v38, v11  }
0x166: {  	v11 =	vpop (erf)  }
0x167: {  	v12 =	vsub.f32 $0.0e+00, v12;
	v13 =	vpop (erf)  }
0x168: {  	v13 =	vadd.f32 $1.000000000e+00, v13  }
0x169: {  	v12 =	vmul.f32 $1.442695020e+00, v12  }
0x16a: {  	v39 =	vld [tilespmem:$0x89B0];
	(erf) = vrcp.f32 v13  }
0x16b: {  	(erf) = vpow2.f32 v12;
	_ =	sdelay $0x1  }
0x16c: {  	v40 =	vld [tilespmem:$0x8BB0];
	_ =	sdelay $0x1  }
0x16d: {  	v12 =	vadd.f32 v39, v4;
	_ =	sdelay $0x2  }
0x16e: {  	v13 =	vadd.f32 v40, v12  }
0x16f: {  	v12 =	vpop (erf)  }
0x170: {  	v13 =	vsub.f32 $0.0e+00, v13;
	v14 =	vpop (erf)  }
0x171: {  	v14 =	vadd.f32 $1.000000000e+00, v14  }
0x172: {  	v13 =	vmul.f32 $1.442695020e+00, v13  }
0x173: {  	v41 =	vld [tilespmem:$0x89C0];
	(erf) = vrcp.f32 v14  }
0x174: {  	(erf) = vpow2.f32 v13;
	_ =	sdelay $0x1  }
0x175: {  	v42 =	vld [tilespmem:$0x8BC0];
	_ =	sdelay $0x1  }
0x176: {  	v13 =	vadd.f32 v41, v4;
	_ =	sdelay $0x2  }
0x177: {  	v14 =	vadd.f32 v42, v13  }
0x178: {  	v13 =	vpop (erf)  }
0x179: {  	v14 =	vsub.f32 $0.0e+00, v14;
	v15 =	vpop (erf)  }
0x17a: {  	v15 =	vadd.f32 $1.000000000e+00, v15  }
0x17b: {  	v14 =	vmul.f32 $1.442695020e+00, v14  }
0x17c: {  	v43 =	vld [tilespmem:$0x89D0];
	(erf) = vrcp.f32 v15  }
0x17d: {  	(erf) = vpow2.f32 v14;
	_ =	sdelay $0x1  }
0x17e: {  	v44 =	vld [tilespmem:$0x8BD0];
	_ =	sdelay $0x1  }
0x17f: {  	v14 =	vadd.f32 v43, v4;
	_ =	sdelay $0x2  }
0x180: {  	v15 =	vadd.f32 v44, v14  }
0x181: {  	v14 =	vpop (erf)  }
0x182: {  	v15 =	vsub.f32 $0.0e+00, v15;
	v16 =	vpop (erf)  }
0x183: {  	v16 =	vadd.f32 $1.000000000e+00, v16  }
0x184: {  	v15 =	vmul.f32 $1.442695020e+00, v15  }
0x185: {  	v45 =	vld [tilespmem:$0x89E0];
	(erf) = vrcp.f32 v16  }
0x186: {  	(erf) = vpow2.f32 v15;
	_ =	sdelay $0x1  }
0x187: {  	v46 =	vld [tilespmem:$0x8BE0];
	_ =	sdelay $0x1  }
0x188: {  	v15 =	vadd.f32 v45, v4;
	_ =	sdelay $0x2  }
0x189: {  	v16 =	vadd.f32 v46, v15  }
0x18a: {  	v15 =	vpop (erf)  }
0x18b: {  	v16 =	vsub.f32 $0.0e+00, v16;
	v17 =	vpop (erf)  }
0x18c: {  	v17 =	vadd.f32 $1.000000000e+00, v17  }
0x18d: {  	v16 =	vmul.f32 $1.442695020e+00, v16  }
0x18e: {  	v47 =	vld [tilespmem:$0x89F0];
	(erf) = vrcp.f32 v17  }
0x18f: {  	(erf) = vpow2.f32 v16;
	_ =	sdelay $0x1  }
0x190: {  	v48 =	vld [tilespmem:$0x8BF0];
	_ =	sdelay $0x1  }
0x191: {  	v16 =	vadd.f32 v47, v4;
	_ =	sdelay $0x2  }
0x192: {  	v17 =	vadd.f32 v48, v16  }
0x193: {  	v16 =	vpop (erf)  }
0x194: {  	v17 =	vsub.f32 $0.0e+00, v17;
	v18 =	vpop (erf)  }
0x195: {  	v18 =	vadd.f32 $1.000000000e+00, v18  }
0x196: {  	v17 =	vmul.f32 $1.442695020e+00, v17  }
0x197: {  	v49 =	vld [tilespmem:$0x8A00];
	(erf) = vrcp.f32 v18  }
0x198: {  	(erf) = vpow2.f32 v17;
	_ =	sdelay $0x1  }
0x199: {  	v50 =	vld [tilespmem:$0x8C00];
	_ =	sdelay $0x1  }
0x19a: {  	v17 =	vadd.f32 v49, v4;
	_ =	sdelay $0x2  }
0x19b: {  	v18 =	vadd.f32 v50, v17  }
0x19c: {  	v17 =	vpop (erf)  }
0x19d: {  	v18 =	vsub.f32 $0.0e+00, v18;
	v19 =	vpop (erf)  }
0x19e: {  	v19 =	vadd.f32 $1.000000000e+00, v19  }
0x19f: {  	v18 =	vmul.f32 $1.442695020e+00, v18  }
0x1a0: {  	v51 =	vld [tilespmem:$0x8A10];
	(erf) = vrcp.f32 v19  }
0x1a1: {  	(erf) = vpow2.f32 v18;
	_ =	sdelay $0x1  }
0x1a2: {  	v52 =	vld [tilespmem:$0x8C10];
	_ =	sdelay $0x1  }
0x1a3: {  	v18 =	vadd.f32 v51, v4;
	_ =	sdelay $0x2  }
0x1a4: {  	v19 =	vadd.f32 v52, v18  }
0x1a5: {  	v18 =	vpop (erf)  }
0x1a6: {  	v19 =	vsub.f32 $0.0e+00, v19;
	v20 =	vpop (erf)  }
0x1a7: {  	v20 =	vadd.f32 $1.000000000e+00, v20  }
0x1a8: {  	v19 =	vmul.f32 $1.442695020e+00, v19  }
0x1a9: {  	v53 =	vld [tilespmem:$0x8A20];
	(erf) = vrcp.f32 v20  }
0x1aa: {  	(erf) = vpow2.f32 v19;
	_ =	sdelay $0x1  }
0x1ab: {  	v54 =	vld [tilespmem:$0x8C20];
	_ =	sdelay $0x1  }
0x1ac: {  	v19 =	vadd.f32 v53, v4;
	_ =	sdelay $0x2  }
0x1ad: {  	v20 =	vadd.f32 v54, v19  }
0x1ae: {  	v19 =	vpop (erf)  }
0x1af: {  	v20 =	vsub.f32 $0.0e+00, v20;
	v21 =	vpop (erf)  }
0x1b0: {  	v21 =	vadd.f32 $1.000000000e+00, v21  }
0x1b1: {  	v20 =	vmul.f32 $1.442695020e+00, v20  }
0x1b2: {  	v55 =	vld [tilespmem:$0x8A30];
	(erf) = vrcp.f32 v21  }
0x1b3: {  	(erf) = vpow2.f32 v20;
	_ =	sdelay $0x1  }
0x1b4: {  	v56 =	vld [tilespmem:$0x8C30];
	_ =	sdelay $0x1  }
0x1b5: {  	v20 =	vadd.f32 v55, v4;
	_ =	sdelay $0x2  }
0x1b6: {  	v21 =	vadd.f32 v56, v20  }
0x1b7: {  	v20 =	vpop (erf)  }
0x1b8: {  	v21 =	vsub.f32 $0.0e+00, v21;
	v22 =	vpop (erf)  }
0x1b9: {  	v22 =	vadd.f32 $1.000000000e+00, v22  }
0x1ba: {  	v21 =	vmul.f32 $1.442695020e+00, v21  }
0x1bb: {  	v57 =	vld [tilespmem:$0x8A40];
	(erf) = vrcp.f32 v22  }
0x1bc: {  	(erf) = vpow2.f32 v21;
	_ =	sdelay $0x1  }
0x1bd: {  	v58 =	vld [tilespmem:$0x8C40];
	_ =	sdelay $0x1  }
0x1be: {  	v21 =	vadd.f32 v57, v4;
	_ =	sdelay $0x2  }
0x1bf: {  	v22 =	vadd.f32 v58, v21  }
0x1c0: {  	v21 =	vpop (erf)  }
0x1c1: {  	v22 =	vsub.f32 $0.0e+00, v22;
	v23 =	vpop (erf)  }
0x1c2: {  	v23 =	vadd.f32 $1.000000000e+00, v23  }
0x1c3: {  	v22 =	vmul.f32 $1.442695020e+00, v22  }
0x1c4: {  	v59 =	vld [tilespmem:$0x8A50];
	(erf) = vrcp.f32 v23  }
0x1c5: {  	(erf) = vpow2.f32 v22;
	_ =	sdelay $0x1  }
0x1c6: {  	v60 =	vld [tilespmem:$0x8C50];
	_ =	sdelay $0x1  }
0x1c7: {  	v22 =	vadd.f32 v59, v4;
	_ =	sdelay $0x2  }
0x1c8: {  	v23 =	vadd.f32 v60, v22  }
0x1c9: {  	v22 =	vpop (erf)  }
0x1ca: {  	v23 =	vsub.f32 $0.0e+00, v23;
	v24 =	vpop (erf)  }
0x1cb: {  	v24 =	vadd.f32 $1.000000000e+00, v24  }
0x1cc: {  	v23 =	vmul.f32 $1.442695020e+00, v23  }
0x1cd: {  	(erf) = vrcp.f32 v24  }
0x1ce: {  	v61 =	vld [tilespmem:$0x8A60];
	(erf) = vpow2.f32 v23;
	_ =	sdelay $0x1  }
0x1cf: {  	v62 =	vld [tilespmem:$0x8C60];
	_ =	sdelay $0x2  }
0x1d0: {  	v23 =	vadd.f32 v61, v4;
	_ =	sdelay $0x1  }
0x1d1: {  	v24 =	vadd.f32 v62, v23  }
0x1d2: {  	v63 =	vpop (erf)  }
0x1d3: {  	v24 =	vsub.f32 $0.0e+00, v24;
	v25 =	vpop (erf)  }
0x1d4: {  	v25 =	vadd.f32 $1.000000000e+00, v25  }
0x1d5: {  	v24 =	vmul.f32 $1.442695020e+00, v24  }
0x1d6: {  	v32 =	vld [tilespmem:$0x8A70];
	(erf) = vrcp.f32 v25  }
0x1d7: {  	(erf) = vpow2.f32 v24;
	_ =	sdelay $0x1  }
0x1d8: {  	v33 =	vld [tilespmem:$0x8C70];
	_ =	sdelay $0x1  }
0x1d9: {  	v24 =	vadd.f32 v32, v4;
	_ =	sdelay $0x2  }
0x1da: {  	v25 =	vadd.f32 v33, v24  }
0x1db: {  	v24 =	vpop (erf)  }
0x1dc: {  	v25 =	vsub.f32 $0.0e+00, v25;
	v26 =	vpop (erf)  }
0x1dd: {  	v26 =	vadd.f32 $1.000000000e+00, v26  }
0x1de: {  	v25 =	vmul.f32 $1.442695020e+00, v25  }
0x1df: {  	v34 =	vld [tilespmem:$0x8A80];
	(erf) = vrcp.f32 v26  }
0x1e0: {  	(erf) = vpow2.f32 v25;
	_ =	sdelay $0x1  }
0x1e1: {  	v35 =	vld [tilespmem:$0x8C80];
	_ =	sdelay $0x1  }
0x1e2: {  	v25 =	vadd.f32 v34, v4;
	_ =	sdelay $0x2  }
0x1e3: {  	v26 =	vadd.f32 v35, v25  }
0x1e4: {  	v25 =	vpop (erf)  }
0x1e5: {  	v26 =	vsub.f32 $0.0e+00, v26;
	v27 =	vpop (erf)  }
0x1e6: {  	v27 =	vadd.f32 $1.000000000e+00, v27  }
0x1e7: {  	v26 =	vmul.f32 $1.442695020e+00, v26  }
0x1e8: {  	(erf) = vrcp.f32 v27  }
0x1e9: {  	v36 =	vld [tilespmem:$0x8A90];
	(erf) = vpow2.f32 v26;
	_ =	sdelay $0x1  }
0x1ea: {  	v37 =	vld [tilespmem:$0x8C90];
	_ =	sdelay $0x2  }
0x1eb: {  	v26 =	vadd.f32 v36, v4;
	_ =	sdelay $0x1  }
0x1ec: {  	v26 =	vadd.f32 v37, v26  }
0x1ed: {  	v38 =	vpop (erf)  }
0x1ee: {  	v26 =	vsub.f32 $0.0e+00, v26;
	v28 =	vpop (erf)  }
0x1ef: {  	v28 =	vadd.f32 $1.000000000e+00, v28  }
0x1f0: {  	v26 =	vmul.f32 $1.442695020e+00, v26  }
0x1f1: {  	(erf) = vrcp.f32 v28  }
0x1f2: {  	v39 =	vld [tilespmem:$0x8AA0];
	(erf) = vpow2.f32 v26;
	_ =	sdelay $0x1  }
0x1f3: {  	v40 =	vld [tilespmem:$0x8CA0];
	_ =	sdelay $0x2  }
0x1f4: {  	v26 =	vadd.f32 v39, v4;
	_ =	sdelay $0x1  }
0x1f5: {  	v26 =	vadd.f32 v40, v26  }
0x1f6: {  	v41 =	vpop (erf)  }
0x1f7: {  	v26 =	vsub.f32 $0.0e+00, v26;
	v29 =	vpop (erf)  }
0x1f8: {  	v29 =	vadd.f32 $1.000000000e+00, v29  }
0x1f9: {  	v26 =	vmul.f32 $1.442695020e+00, v26  }
0x1fa: {  	(erf) = vrcp.f32 v29  }
0x1fb: {  	v42 =	vld [tilespmem:$0x8AB0];
	(erf) = vpow2.f32 v26;
	_ =	sdelay $0x1  }
0x1fc: {  	v43 =	vld [tilespmem:$0x8CB0];
	_ =	sdelay $0x2  }
0x1fd: {  	v26 =	vadd.f32 v42, v4;
	_ =	sdelay $0x1  }
0x1fe: {  	v26 =	vadd.f32 v43, v26  }
0x1ff: {  	v44 =	vpop (erf)  }
0x200: {  	v26 =	vsub.f32 $0.0e+00, v26;
	v30 =	vpop (erf)  }
0x201: {  	v30 =	vadd.f32 $1.000000000e+00, v30  }
0x202: {  	v26 =	vmul.f32 $1.442695020e+00, v26  }
0x203: {  	(erf) = vrcp.f32 v30  }
0x204: {  	v45 =	vld [tilespmem:$0x8AC0];
	(erf) = vpow2.f32 v26;
	_ =	sdelay $0x1  }
0x205: {  	v46 =	vld [tilespmem:$0x8CC0];
	_ =	sdelay $0x2  }
0x206: {  	v26 =	vadd.f32 v45, v4;
	_ =	sdelay $0x1  }
0x207: {  	v26 =	vadd.f32 v46, v26  }
0x208: {  	v47 =	vpop (erf)  }
0x209: {  	v26 =	vsub.f32 $0.0e+00, v26;
	v31 =	vpop (erf)  }
0x20a: {  	v31 =	vadd.f32 $1.000000000e+00, v31  }
0x20b: {  	v26 =	vmul.f32 $1.442695020e+00, v26  }
0x20c: {  	(erf) = vrcp.f32 v31  }
0x20d: {  	v48 =	vld [tilespmem:$0x8AD0];
	(erf) = vpow2.f32 v26;
	_ =	sdelay $0x1  }
0x20e: {  	v49 =	vld [tilespmem:$0x8CD0];
	_ =	sdelay $0x2  }
0x20f: {  	v26 =	vadd.f32 v48, v4;
	_ =	sdelay $0x1  }
0x210: {  	v26 =	vadd.f32 v49, v26  }
0x211: {  	v50 =	vpop (erf)  }
0x212: {  	v26 =	vsub.f32 $0.0e+00, v26;
	v32 =	vpop (erf)  }
0x213: {  	v32 =	vadd.f32 $1.000000000e+00, v32  }
0x214: {  	v26 =	vmul.f32 $1.442695020e+00, v26  }
0x215: {  	(erf) = vrcp.f32 v32  }
0x216: {  	v51 =	vld [tilespmem:$0x8AE0];
	(erf) = vpow2.f32 v26;
	_ =	sdelay $0x1  }
0x217: {  	v52 =	vld [tilespmem:$0x8CE0];
	_ =	sdelay $0x2  }
0x218: {  	v26 =	vadd.f32 v51, v4;
	_ =	sdelay $0x1  }
0x219: {  	v26 =	vadd.f32 v52, v26  }
0x21a: {  	v53 =	vpop (erf)  }
0x21b: {  	v26 =	vsub.f32 $0.0e+00, v26;
	v33 =	vpop (erf)  }
0x21c: {  	v33 =	vadd.f32 $1.000000000e+00, v33  }
0x21d: {  	v26 =	vmul.f32 $1.442695020e+00, v26  }
0x21e: {  	(erf) = vrcp.f32 v33  }
0x21f: {  	v54 =	vld [tilespmem:$0x8AF0];
	(erf) = vpow2.f32 v26;
	_ =	sdelay $0x1  }
0x220: {  	v55 =	vld [tilespmem:$0x8CF0];
	_ =	sdelay $0x2  }
0x221: {  	v26 =	vadd.f32 v54, v4;
	_ =	sdelay $0x1  }
0x222: {  	v26 =	vadd.f32 v55, v26  }
0x223: {  	v56 =	vpop (erf)  }
0x224: {  	v26 =	vsub.f32 $0.0e+00, v26;
	v34 =	vpop (erf)  }
0x225: {  	v34 =	vadd.f32 $1.000000000e+00, v34  }
0x226: {  	v26 =	vmul.f32 $1.442695020e+00, v26  }
0x227: {  	(erf) = vrcp.f32 v34  }
0x228: {  	v57 =	vld [tilespmem:$0x8B00];
	(erf) = vpow2.f32 v26;
	_ =	sdelay $0x1  }
0x229: {  	v58 =	vld [tilespmem:$0x8D00];
	_ =	sdelay $0x2  }
0x22a: {  	v26 =	vadd.f32 v57, v4;
	_ =	sdelay $0x1  }
0x22b: {  	v26 =	vadd.f32 v58, v26  }
0x22c: {  	v59 =	vpop (erf)  }
0x22d: {  	v26 =	vsub.f32 $0.0e+00, v26;
	v35 =	vpop (erf)  }
0x22e: {  	v35 =	vadd.f32 $1.000000000e+00, v35  }
0x22f: {  	v26 =	vmul.f32 $1.442695020e+00, v26  }
0x230: {  	(erf) = vrcp.f32 v35  }
0x231: {  	v60 =	vld [tilespmem:$0x8B10];
	(erf) = vpow2.f32 v26;
	_ =	sdelay $0x1  }
0x232: {  	v61 =	vld [tilespmem:$0x8D10];
	_ =	sdelay $0x1  }
0x233: {  	[tilespmem:$0x8D20] =	vst v5  }
0x234: {  	[tilespmem:$0x8D30] =	vst v6;
	v4 =	vadd.f32 v60, v4  }
0x235: {  	[tilespmem:$0x8D40] =	vst v7  }
0x236: {  	[tilespmem:$0x8D50] =	vst v8;
	v4 =	vadd.f32 v61, v4  }
0x237: {  	[tilespmem:$0x8D60] =	vst v9;
	v5 =	vpop (erf)  }
0x238: {  	[tilespmem:$0x8D70] =	vst v10;
	v4 =	vsub.f32 $0.0e+00, v4;
	v62 =	vpop (erf)  }
0x239: {  	[tilespmem:$0x8D80] =	vst v11;
	v6 =	vadd.f32 $1.000000000e+00, v62  }
0x23a: {  	[tilespmem:$0x8D90] =	vst v12;
	v4 =	vmul.f32 $1.442695020e+00, v4  }
0x23b: {  	[tilespmem:$0x8DA0] =	vst v13;
	(erf) = vrcp.f32 v6  }
0x23c: {  	[tilespmem:$0x8DB0] =	vst v14;
	(erf) = vpow2.f32 v4  }
0x23d: {  	[tilespmem:$0x8DC0] =	vst v15  }
0x23e: {  	[tilespmem:$0x8DD0] =	vst v16  }
0x23f: {  	[tilespmem:$0x8DE0] =	vst v17  }
0x240: {  	[tilespmem:$0x8DF0] =	vst v18  }
0x241: {  	[tilespmem:$0x8E00] =	vst v19  }
0x242: {  	[tilespmem:$0x8E10] =	vst v20  }
0x243: {  	[tilespmem:$0x8E20] =	vst v21  }
0x244: {  	[tilespmem:$0x8E30] =	vst v22;
	v4 =	vpop (erf)  }
0x245: {  	[tilespmem:$0x8E40] =	vst v63;
	v63 =	vpop (erf)  }
0x246: {  	[tilespmem:$0x8E50] =	vst v24;
	v6 =	vadd.f32 $1.000000000e+00, v63  }
0x247: {  	[tilespmem:$0x8E60] =	vst v25  }
0x248: {  	[tilespmem:$0x8E70] =	vst v38;
	(erf) = vrcp.f32 v6  }
0x249: {  	[tilespmem:$0x8E80] =	vst v41  }
0x24a: {  	[tilespmem:$0x8E90] =	vst v44  }
0x24b: {  	[tilespmem:$0x8EA0] =	vst v47  }
0x24c: {  	[tilespmem:$0x8EB0] =	vst v50  }
0x24d: {  	[tilespmem:$0x8EC0] =	vst v53  }
0x24e: {  	[tilespmem:$0x8ED0] =	vst v56  }
0x24f: {  	[tilespmem:$0x8EE0] =	vst v59  }
0x250: {  	s28 =	sadd.s32 $0x1, s28;
	[tilespmem:$0x8EF0] =	vst v5  }
0x251: {  	p0 =	sne.s32 s28, s20;
	[tilespmem:$0x8F00] =	vst v4;
	v4 =	vpop (erf)  }
.Ltmp8:
0x252: {  	[tilespmem:$0x8F10] =	vst v4;
	(pc) =	sbr.rel @p0 .LBB2_1-.Ltmp8, $4  }
0x253: {  	[hbm4b:s19+s2] =	stream.linear.scatter [tilespmem:s26], [sflag:$0x2], $0x200, $0x38;
	[tilespmem:$0x8F20] =	vst v63  }
0x254: {  	_ =	swait.ge [sflag:s21], $0x200  }
0x255: {  	[sflag:s21] =	ssyncset.done $0x0  }
0x256: {  	[sflag:s21] =	ssyncadd.s32 $0xFFFFFE00  }
0x257: {  	_ =	sfence.sel $0x180000  }
0x258: {  	[bflag:$0x0] =	sbarrier.arrive $0xFFFF  }
0x259: {  	_ =	strace $0x90000047  }
0x25a: {  	s0 =	stileid.u32;
	[bflag:$0x2] =	sbarrier.arrive $0xFFFF  }
0x25b: {  	p0 =	sne.s32 s0, $0x0;
	s0 =	rddreg [dreg:$0x3]  }
0x25c: {  	s0 =	sadd.s32 @!p0 $0x100000, s0  }
0x25d: {  	[sflag:s0] =	ssyncadd.tile.s32 @!p0 $0x1;
	_ =	shalt  }
.Lfunc_end2:
_tile_overlayer_lowered:
.L_overlay_start_2:
0x25e: {  	(tag) =	ssettag $0x2  }
0x25f: {  	s0 =	rddreg [dreg:$0x0];
	s2 =	stileid.u32  }
0x260: {  	s1 =	rddreg [dreg:$0x1];
	p0 =	sne.s32 s2, $0x0  }
0x261: {  	s3 =	rddreg [dreg:$0x2];
	[bflag:$0x3] =	sbarrier.arrive $0xFFFF;
	s2 =	simm.s32 @!p0 $0x1C02  }
0x262: {  	[timem:s3], [sflag:s2] =	dma.local @!p0 [hbm:s0], s1  }
0x263: {  	s0 =	simm.s32 @!p0 $0x2  }
0x264: {  	_ =	swait.ge @!p0 [sflag:s0], s1  }
0x265: {  	s1 =	ssub.s32 @!p0 $0x0, s1;
	[sflag:s0] =	ssyncset.done @!p0 $0x0  }
0x266: {  	[sflag:s0] =	ssyncadd.s32 @!p0 s1  }
0x267: {  	[bflag:$0x3] =	sbarrier.arrive $0xFFFF  }
0x268: {  	_ =	shalt  }

</sc_bundles>
